<compile_context>
chip_gen: v7x
topology: tpu7x:2x2x1
jax: 0.10.2.dev20260603
libtpu: 0.0.44.dev20260713+nightly
codegen_flags: <defaults>
</compile_context>

<pallas_src>
import functools

import jax
import jax.numpy as jnp
from jax import lax
from jax.experimental import pallas as pl
from jax.experimental.pallas import tpu as pltpu
from jax.experimental.pallas import tpu_sc as plsc

N = 10000
E = 640000
D_IN = 128
HID = 16
D_OUT = 128

NW = 32
EB = 100
ROWS = E // EB
RPT = ROWS // NW
RCH = 10
NCH = RPT // RCH
EPT = RPT * EB
CL = 1000
CNC = EPT // CL


_MESH = plsc.VectorSubcoreMesh(core_axis_name="c", subcore_axis_name="s")
_SC_PARAMS = pltpu.CompilerParams(use_tc_tiling_on_sc=False)



@functools.partial(
    pl.kernel,
    mesh=_MESH,
    out_type=jax.ShapeDtypeStruct((2, N, HID), jnp.float32),
    scratch_types=[
        pltpu.VMEM((RPT, EB), jnp.int32),
        pltpu.VMEM((EB, HID), jnp.float32),
        pltpu.VMEM_SHARED((N, HID), jnp.float32),
        pltpu.SemaphoreType.DMA,
        pltpu.SemaphoreType.DMA,
        pltpu.SemaphoreType.DMA,
    ],
    compiler_params=_SC_PARAMS,
)
def _deg_kernel(dst_hbm, zeros_hbm, ones_hbm, out_hbm, idxd, onesv, accd,
                isem, ssem0, ssem1):
    c = lax.axis_index("c")
    s = lax.axis_index("s")
    wid = s * 2 + c
    icp = pltpu.async_copy(dst_hbm.at[pl.ds(wid * RPT, RPT)], idxd, isem)
    pltpu.sync_copy(ones_hbm, onesv)

    nsl = N // 16
    sl = pl.ds(s * nsl, nsl)
    pltpu.sync_copy(zeros_hbm.at[sl], accd.at[sl])
    plsc.subcore_barrier()
    icp.wait()
    ssems = (ssem0, ssem1)

    def body(g2, carry):
        for b in range(2):
            ch = g2 * 2 + b

            @pl.when(ch >= 2)
            def _():
                for j in range(RCH):
                    pltpu.make_async_copy(
                        onesv, accd.at[idxd.at[0]], ssems[b]).wait()

            for j in range(RCH):
                pltpu.async_copy(
                    onesv, accd.at[idxd.at[ch * RCH + j]], ssems[b],
                    add=True)
        return carry

    lax.fori_loop(0, NCH // 2, body, 0)
    for b in range(2):
        for j in range(RCH):
            pltpu.make_async_copy(onesv, accd.at[idxd.at[0]], ssems[b]).wait()
    plsc.subcore_barrier()
    pltpu.sync_copy(accd.at[sl], out_hbm.at[c, sl])


@functools.partial(
    pl.kernel,
    mesh=_MESH,
    out_type=jax.ShapeDtypeStruct((2, N, HID), jnp.float32),
    scratch_types=[
        pltpu.VMEM((EPT,), jnp.int32),
        pltpu.VMEM((EPT,), jnp.int32),
        pltpu.VMEM((2, CL, HID), jnp.float32),
        pltpu.VMEM_SHARED((N, HID), jnp.float32),
        pltpu.VMEM_SHARED((N, HID), jnp.float32),
        pltpu.SemaphoreType.DMA,
        pltpu.SemaphoreType.DMA,
        pltpu.SemaphoreType.DMA,
        pltpu.SemaphoreType.DMA,
        pltpu.SemaphoreType.DMA,
    ],
    compiler_params=_SC_PARAMS,
)
def _agg_kernel(hs_hbm, src_hbm, dst_hbm, zeros_hbm, out_hbm,
                idx_s, idx_d, rows, hs_s, acc,
                isem, gsem0, gsem1, ssem0, ssem1):
    c = lax.axis_index("c")
    s = lax.axis_index("s")
    wid = s * 2 + c
    ic0 = pltpu.async_copy(src_hbm.at[pl.ds(wid * EPT, EPT)], idx_s, isem)
    ic1 = pltpu.async_copy(dst_hbm.at[pl.ds(wid * EPT, EPT)], idx_d, isem)

    nsl = N // 16
    sl = pl.ds(s * nsl, nsl)
    pltpu.sync_copy(hs_hbm.at[sl], hs_s.at[sl])
    pltpu.sync_copy(zeros_hbm.at[sl], acc.at[sl])
    plsc.subcore_barrier()
    ic0.wait()
    ic1.wait()
    gsems = (gsem0, gsem1)
    ssems = (ssem0, ssem1)

    def body(g2, carry):
        for b in range(2):
            ch = g2 * 2 + b

            @pl.when(ch >= 2)
            def _():
                pltpu.make_async_copy(
                    rows.at[b], acc.at[idx_d.at[pl.ds(0, CL)]],
                    ssems[b]).wait()

            pltpu.async_copy(
                hs_s.at[idx_s.at[pl.ds(ch * CL, CL)]], rows.at[b],
                gsems[b]).wait()
            pltpu.async_copy(
                rows.at[b], acc.at[idx_d.at[pl.ds(ch * CL, CL)]],
                ssems[b], add=True)
        return carry

    lax.fori_loop(0, CNC // 2, body, 0)
    for b in range(2):
        pltpu.make_async_copy(
            rows.at[b], acc.at[idx_d.at[pl.ds(0, CL)]], ssems[b]).wait()
    plsc.subcore_barrier()
    pltpu.sync_copy(acc.at[sl], out_hbm.at[c, sl])


NSL = N // 16
MCH = 125
MNC = NSL // MCH


@functools.partial(
    pl.kernel,
    mesh=_MESH,
    out_type=[
        jax.ShapeDtypeStruct((2, N, HID), jnp.float32),
        jax.ShapeDtypeStruct((N, HID), jnp.float32),
    ],
    scratch_types=[
        pltpu.VMEM((EPT,), jnp.int32),
        pltpu.VMEM((EPT,), jnp.int32),
        pltpu.VMEM((2, CL, HID), jnp.float32),
        pltpu.VMEM((MCH, HID), jnp.float32),
        pltpu.VMEM((MCH, HID), jnp.float32),
        pltpu.VMEM((MCH, HID), jnp.float32),
        pltpu.VMEM((MCH, HID), jnp.float32),
        pltpu.VMEM((MCH, HID), jnp.float32),
        pltpu.VMEM((HID,), jnp.float32),
        pltpu.VMEM_SHARED((N, HID), jnp.float32),
        pltpu.VMEM_SHARED((N, HID), jnp.float32),
        pltpu.SemaphoreType.DMA,
        pltpu.SemaphoreType.DMA,
        pltpu.SemaphoreType.DMA,
        pltpu.SemaphoreType.DMA,
        pltpu.SemaphoreType.DMA,
    ],
    compiler_params=_SC_PARAMS,
)
def _agg2_kernel(p_hbm, hs1_hbm, dis_hbm, b1_hbm, src_hbm, dst_hbm, zeros_hbm,
                 out_hbm, hs2_hbm,
                 idx_s, idx_d, rows, p0v, p1v, h1v, dsv, h2v, b1v,
                 hs_s, acc, isem, gsem0, gsem1, ssem0, ssem1):
    c = lax.axis_index("c")
    s = lax.axis_index("s")
    wid = s * 2 + c
    ic0 = pltpu.async_copy(src_hbm.at[pl.ds(wid * EPT, EPT)], idx_s, isem)
    ic1 = pltpu.async_copy(dst_hbm.at[pl.ds(wid * EPT, EPT)], idx_d, isem)
    pltpu.sync_copy(b1_hbm, b1v)
    nsl = N // 16
    sl = pl.ds(s * nsl, nsl)
    pltpu.sync_copy(zeros_hbm.at[sl], acc.at[sl])

    def mid_chunk(m, carry):
        base = s * nsl + m * MCH
        msl = pl.ds(base, MCH)
        pltpu.sync_copy(p_hbm.at[0, msl], p0v)
        pltpu.sync_copy(p_hbm.at[1, msl], p1v)
        pltpu.sync_copy(hs1_hbm.at[msl], h1v)
        pltpu.sync_copy(dis_hbm.at[msl], dsv)
        bias = b1v[...]

        def row(r, carry2):
            dis = dsv[r]
            t = (p0v[r] + p1v[r] + h1v[r]) * dis + bias
            h2v[r] = jnp.maximum(t, 0.0) * dis
            return carry2

        lax.fori_loop(0, MCH, row, 0)
        pltpu.sync_copy(h2v, hs_s.at[msl])
        pltpu.sync_copy(h2v, hs2_hbm.at[msl])
        return carry

    lax.fori_loop(0, MNC, mid_chunk, 0)
    plsc.subcore_barrier()
    ic0.wait()
    ic1.wait()
    gsems = (gsem0, gsem1)
    ssems = (ssem0, ssem1)

    def body(g2, carry):
        for b in range(2):
            ch = g2 * 2 + b

            @pl.when(ch >= 2)
            def _():
                pltpu.make_async_copy(
                    rows.at[b], acc.at[idx_d.at[pl.ds(0, CL)]],
                    ssems[b]).wait()

            pltpu.async_copy(
                hs_s.at[idx_s.at[pl.ds(ch * CL, CL)]], rows.at[b],
                gsems[b]).wait()
            pltpu.async_copy(
                rows.at[b], acc.at[idx_d.at[pl.ds(ch * CL, CL)]],
                ssems[b], add=True)
        return carry

    lax.fori_loop(0, CNC // 2, body, 0)
    for b in range(2):
        pltpu.make_async_copy(
            rows.at[b], acc.at[idx_d.at[pl.ds(0, CL)]], ssems[b]).wait()
    plsc.subcore_barrier()
    pltpu.sync_copy(acc.at[sl], out_hbm.at[c, sl])



BN = 1000
GRID = N // BN


def _prep_body(x_ref, w1_ref, d0_ref, d1_ref, hs1_ref, dis_ref):
    deg = d0_ref[:, :1] + d1_ref[:, :1] + 1.0
    dis = lax.rsqrt(deg)
    h1 = jnp.dot(x_ref[...], w1_ref[...], preferred_element_type=jnp.float32)
    hs1_ref[...] = h1 * dis
    dis_ref[...] = jnp.broadcast_to(dis, (N, HID))


_prep_call = pl.pallas_call(
    _prep_body,
    out_shape=[
        jax.ShapeDtypeStruct((N, HID), jnp.float32),
        jax.ShapeDtypeStruct((N, HID), jnp.float32),
    ],
)


def _out_body(q0_ref, q1_ref, hs2_ref, dis_ref, w2_ref, b2_ref, o_ref):
    t = (q0_ref[...] + q1_ref[...] + hs2_ref[...]) * dis_ref[...]
    h = jnp.dot(t, w2_ref[...], preferred_element_type=jnp.float32) + b2_ref[...]
    m = jnp.max(h, axis=1, keepdims=True)
    ex = jnp.exp(h - m)
    ssum = jnp.sum(ex, axis=1, keepdims=True)
    o_ref[...] = (h - m) - jnp.log(ssum)


_out_call = pl.pallas_call(
    _out_body,
    out_shape=jax.ShapeDtypeStruct((N, D_OUT), jnp.float32),
)


def kernel(traffic, path_to_queue, W1, b1, W2, b2):
    src2d = path_to_queue[0].reshape(ROWS, EB)
    dst2d = path_to_queue[1].reshape(ROWS, EB)
    src1d = path_to_queue[0]
    dst1d = path_to_queue[1]
    zeros2d = jnp.zeros((N, HID), jnp.float32)
    onese = jnp.ones((EB, HID), jnp.float32)

    d = _deg_kernel(dst2d, zeros2d, onese)
    hs1, dis = _prep_call(traffic, W1, d[0], d[1])

    p = _agg_kernel(hs1, src1d, dst1d, zeros2d)
    q, hs2 = _agg2_kernel(p, hs1, dis, b1, src1d, dst1d, zeros2d)
    return _out_call(q[0], q[1], hs2, dis, W2, b2.reshape(1, D_OUT))

# --- scband reference (transcript-rebuilt; emitter-appended) ---
"""Pipeline reference for scband-vanilla-gcn-43782896616158 (READ-ONLY COPY).

The authoritative reference and input builder live on the scoring server;
editing this copy changes nothing except your own understanding.
"""

import jax, jax.numpy as jnp
import numpy as np

N = 10000
E = 640000
D_IN = 128
HID = 16
D_OUT = 128


def setup_inputs(seed: int = 0) -> dict:
    key = jax.random.key(seed)
    k1, k2, k3, k4, k5, k6 = jax.random.split(key, 6)
    traffic = jax.random.normal(k1, (N, D_IN), dtype=jnp.float32)
    path_to_queue = jax.random.randint(k2, (2, E), 0, N, dtype=jnp.int32)
    s1 = float(np.sqrt(6.0 / (D_IN + HID)))
    s2 = float(np.sqrt(6.0 / (HID + D_OUT)))
    W1 = jax.random.uniform(k3, (D_IN, HID), dtype=jnp.float32, minval=-s1, maxval=s1)
    b1 = jnp.zeros((HID,), dtype=jnp.float32)
    W2 = jax.random.uniform(k4, (HID, D_OUT), dtype=jnp.float32, minval=-s2, maxval=s2)
    b2 = jnp.zeros((D_OUT,), dtype=jnp.float32)
    return {"traffic": traffic, "path_to_queue": path_to_queue, "W1": W1, "b1": b1, "W2": W2, "b2": b2}


def gcn_conv(x, edge_index, W, b):
    n = x.shape[0]
    src = edge_index[0]
    dst = edge_index[1]
    loop = jnp.arange(n, dtype=src.dtype)
    src = jnp.concatenate([src, loop])
    dst = jnp.concatenate([dst, loop])
    deg = jnp.zeros((n,), dtype=x.dtype).at[dst].add(1.0)
    deg_inv_sqrt = jnp.where(deg > 0, 1.0 / jnp.sqrt(jnp.maximum(deg, 1e-12)), 0.0)
    norm = deg_inv_sqrt[src] * deg_inv_sqrt[dst]
    h = x @ W
    msg = h[src] * norm[:, None]
    out = jnp.zeros((n, W.shape[1]), dtype=x.dtype).at[dst].add(msg)
    return out + b


def reference(traffic, path_to_queue, W1, b1, W2, b2):
    x = gcn_conv(traffic, path_to_queue, W1, b1)
    x = jax.nn.relu(x)
    # dropout is identity in eval mode
    x = gcn_conv(x, path_to_queue, W2, b2)
    return jax.nn.log_softmax(x, axis=1)

if __name__ == "__main__":
    import jax
    _d = setup_inputs()
    print(jax.jit(kernel)(*tuple(_d.values())))

</pallas_src>

<mosaic_0001>
#map = affine_map<(d0, d1) -> (0, 0)>
#map1 = affine_map<(d0, d1) -> (0)>
#map2 = affine_map<(d0, d1) -> (0, 0, 0)>
module attributes {stable_mosaic.version = 14 : i64} {
  func.func @_agg_kernel(%arg0: i32, %arg1: i32, %arg2: memref<10000x16xf32, #tpu.memory_space<hbm>>, %arg3: memref<640000xi32, #tpu.memory_space<hbm>>, %arg4: memref<640000xi32, #tpu.memory_space<hbm>>, %arg5: memref<10000x16xf32, #tpu.memory_space<hbm>>, %arg6: memref<2x10000x16xf32, #tpu.memory_space<hbm>>, %arg7: memref<20000xi32, #tpu.memory_space<vmem>>, %arg8: memref<20000xi32, #tpu.memory_space<vmem>>, %arg9: memref<2x1000x16xf32, #tpu.memory_space<vmem>>, %arg10: memref<10000x16xf32, #tpu.memory_space<vmem_shared>>, %arg11: memref<10000x16xf32, #tpu.memory_space<vmem_shared>>, %arg12: memref<!tpu.dma_semaphore, #tpu.memory_space<semaphore_mem>>, %arg13: memref<!tpu.dma_semaphore, #tpu.memory_space<semaphore_mem>>, %arg14: memref<!tpu.dma_semaphore, #tpu.memory_space<semaphore_mem>>, %arg15: memref<!tpu.dma_semaphore, #tpu.memory_space<semaphore_mem>>, %arg16: memref<!tpu.dma_semaphore, #tpu.memory_space<semaphore_mem>>) attributes {dimension_semantics = [#tpu.dimension_semantics<core_parallel>, #tpu.dimension_semantics<subcore_parallel>], iteration_bounds = array<i64: 2, 16>, scalar_prefetch = 0 : i64, scratch_operands = 10 : i64, tpu.core_type = #tpu.core_type<sc_vector_subcore>, window_params = [{transform_indices = #map}, {transform_indices = #map1}, {transform_indices = #map1}, {transform_indices = #map}, {transform_indices = #map2}]} {
    %mul3A = arith.constant 2 : i32
    %mul3A_0 = arith.muli %arg1, %mul3A : i32
    %add3A = arith.addi %mul3A_0, %arg0 : i32
    %mul3A_1 = arith.constant 20000 : i32
    %mul3A_2 = arith.muli %add3A, %mul3A_1 : i32
    %dma_start3A = tpu.memref_slice %arg3[%mul3A_2] : memref<640000xi32, #tpu.memory_space<hbm>> -> memref<20000xi32, #tpu.memory_space<hbm>>
    %dma_start3A_3 = tpu.memref_slice %arg3[%mul3A_2] : memref<640000xi32, #tpu.memory_space<hbm>> -> memref<20000xi32, #tpu.memory_space<hbm>>
    tpu.enqueue_dma source(%dma_start3A_3 : memref<20000xi32, #tpu.memory_space<hbm>>) target(%arg7 : memref<20000xi32, #tpu.memory_space<vmem>>) target_semaphore(%arg12 : memref<!tpu.dma_semaphore, #tpu.memory_space<semaphore_mem>>)
    %mul3A_4 = arith.constant 20000 : i32
    %mul3A_5 = arith.muli %add3A, %mul3A_4 : i32
    %dma_start3A_6 = tpu.memref_slice %arg4[%mul3A_5] : memref<640000xi32, #tpu.memory_space<hbm>> -> memref<20000xi32, #tpu.memory_space<hbm>>
    %dma_start3A_7 = tpu.memref_slice %arg4[%mul3A_5] : memref<640000xi32, #tpu.memory_space<hbm>> -> memref<20000xi32, #tpu.memory_space<hbm>>
    tpu.enqueue_dma source(%dma_start3A_7 : memref<20000xi32, #tpu.memory_space<hbm>>) target(%arg8 : memref<20000xi32, #tpu.memory_space<vmem>>) target_semaphore(%arg12 : memref<!tpu.dma_semaphore, #tpu.memory_space<semaphore_mem>>)
    %mul3A_8 = arith.constant 625 : i32
    %mul3A_9 = arith.muli %arg1, %mul3A_8 : i32
    "tpu.region"() ({
      %run_scoped3A = tpu.sem_alloc : memref<!tpu.dma_semaphore, #tpu.memory_space<semaphore_mem>>
      %dma_start3A_39 = arith.constant 0 : i32
      %dma_start3A_40 = tpu.memref_slice %arg10[%mul3A_9, %dma_start3A_39] : memref<10000x16xf32, #tpu.memory_space<vmem_shared>> -> memref<625x16xf32, #tpu.memory_space<vmem_shared>>
      %dma_start3A_41 = arith.constant 0 : i32
      %dma_start3A_42 = tpu.memref_slice %arg2[%mul3A_9, %dma_start3A_41] : memref<10000x16xf32, #tpu.memory_space<hbm>> -> memref<625x16xf32, #tpu.memory_space<hbm>>
      tpu.enqueue_dma source(%dma_start3A_42 : memref<625x16xf32, #tpu.memory_space<hbm>>) target(%dma_start3A_40 : memref<625x16xf32, #tpu.memory_space<vmem_shared>>) target_semaphore(%run_scoped3A : memref<!tpu.dma_semaphore, #tpu.memory_space<semaphore_mem>>)
      %dma_wait3A_43 = arith.constant 0 : i32
      %dma_wait3A_44 = tpu.memref_slice %arg10[%mul3A_9, %dma_wait3A_43] : memref<10000x16xf32, #tpu.memory_space<vmem_shared>> -> memref<625x16xf32, #tpu.memory_space<vmem_shared>>
      %dma_wait3A_45 = arith.constant 0 : i32
      %dma_wait3A_46 = tpu.memref_slice %arg2[%mul3A_9, %dma_wait3A_45] : memref<10000x16xf32, #tpu.memory_space<hbm>> -> memref<625x16xf32, #tpu.memory_space<hbm>>
      tpu.wait_dma2 semaphore(%run_scoped3A : memref<!tpu.dma_semaphore, #tpu.memory_space<semaphore_mem>>) src(%dma_wait3A_46 : memref<625x16xf32, #tpu.memory_space<hbm>>) dst(%dma_wait3A_44 : memref<625x16xf32, #tpu.memory_space<vmem_shared>>)
      tpu.yield
    }) : () -> ()
    "tpu.region"() ({
      %run_scoped3A = tpu.sem_alloc : memref<!tpu.dma_semaphore, #tpu.memory_space<semaphore_mem>>
      %dma_start3A_39 = arith.constant 0 : i32
      %dma_start3A_40 = tpu.memref_slice %arg11[%mul3A_9, %dma_start3A_39] : memref<10000x16xf32, #tpu.memory_space<vmem_shared>> -> memref<625x16xf32, #tpu.memory_space<vmem_shared>>
      %dma_start3A_41 = arith.constant 0 : i32
      %dma_start3A_42 = tpu.memref_slice %arg5[%mul3A_9, %dma_start3A_41] : memref<10000x16xf32, #tpu.memory_space<hbm>> -> memref<625x16xf32, #tpu.memory_space<hbm>>
      tpu.enqueue_dma source(%dma_start3A_42 : memref<625x16xf32, #tpu.memory_space<hbm>>) target(%dma_start3A_40 : memref<625x16xf32, #tpu.memory_space<vmem_shared>>) target_semaphore(%run_scoped3A : memref<!tpu.dma_semaphore, #tpu.memory_space<semaphore_mem>>)
      %dma_wait3A_43 = arith.constant 0 : i32
      %dma_wait3A_44 = tpu.memref_slice %arg11[%mul3A_9, %dma_wait3A_43] : memref<10000x16xf32, #tpu.memory_space<vmem_shared>> -> memref<625x16xf32, #tpu.memory_space<vmem_shared>>
      %dma_wait3A_45 = arith.constant 0 : i32
      %dma_wait3A_46 = tpu.memref_slice %arg5[%mul3A_9, %dma_wait3A_45] : memref<10000x16xf32, #tpu.memory_space<hbm>> -> memref<625x16xf32, #tpu.memory_space<hbm>>
      tpu.wait_dma2 semaphore(%run_scoped3A : memref<!tpu.dma_semaphore, #tpu.memory_space<semaphore_mem>>) src(%dma_wait3A_46 : memref<625x16xf32, #tpu.memory_space<hbm>>) dst(%dma_wait3A_44 : memref<625x16xf32, #tpu.memory_space<vmem_shared>>)
      tpu.yield
    }) : () -> ()
    %barrier3A = arith.constant 0 : index
    tpu.barrier barrier_id(%barrier3A)
    %dma_wait3A = tpu.memref_slice %arg3[%mul3A_2] : memref<640000xi32, #tpu.memory_space<hbm>> -> memref<20000xi32, #tpu.memory_space<hbm>>
    %dma_wait3A_10 = tpu.memref_slice %arg3[%mul3A_2] : memref<640000xi32, #tpu.memory_space<hbm>> -> memref<20000xi32, #tpu.memory_space<hbm>>
    tpu.wait_dma2 semaphore(%arg12 : memref<!tpu.dma_semaphore, #tpu.memory_space<semaphore_mem>>) src(%dma_wait3A_10 : memref<20000xi32, #tpu.memory_space<hbm>>) dst(%arg7 : memref<20000xi32, #tpu.memory_space<vmem>>)
    %dma_wait3A_11 = tpu.memref_slice %arg4[%mul3A_5] : memref<640000xi32, #tpu.memory_space<hbm>> -> memref<20000xi32, #tpu.memory_space<hbm>>
    %dma_wait3A_12 = tpu.memref_slice %arg4[%mul3A_5] : memref<640000xi32, #tpu.memory_space<hbm>> -> memref<20000xi32, #tpu.memory_space<hbm>>
    tpu.wait_dma2 semaphore(%arg12 : memref<!tpu.dma_semaphore, #tpu.memory_space<semaphore_mem>>) src(%dma_wait3A_12 : memref<20000xi32, #tpu.memory_space<hbm>>) dst(%arg8 : memref<20000xi32, #tpu.memory_space<vmem>>)
    %scan3A = arith.constant 0 : i32
    %scan3A_13 = arith.constant 0 : i32
    %scan3A_14 = arith.constant 10 : i32
    %scan3A_15 = arith.addi %scan3A_13, %scan3A_14 : i32
    %scan3A_16 = arith.constant 1 : i32
    scf.for %scan3A_39 = %scan3A_13 to %scan3A_15 step %scan3A_16  : i32 {
      %mul3A_40 = arith.constant 2 : i32
      %mul3A_41 = arith.muli %scan3A_39, %mul3A_40 : i32
      %add3A_42 = arith.constant 0 : i32
      %add3A_43 = arith.addi %mul3A_41, %add3A_42 : i32
      %ge3A = arith.constant 2 : i32
      %ge3A_44 = arith.cmpi sge, %add3A_43, %ge3A : i32
      %convert_element_type3A = arith.extui %ge3A_44 : i1 to i32
      %cond3A = arith.constant 0 : i32
      %cond3A_45 = arith.cmpi ne, %convert_element_type3A, %cond3A : i32
      scf.if %cond3A_45 {
        %dma_wait3A_117 = arith.constant 0 : i32
        %dma_wait3A_118 = arith.constant 0 : i32
        %dma_wait3A_119 = arith.constant 0 : i32
        %dma_wait3A_120 = tpu.memref_slice %arg9[%dma_wait3A_117, %dma_wait3A_118, %dma_wait3A_119] : memref<2x1000x16xf32, #tpu.memory_space<vmem>> -> memref<1x1000x16xf32, #tpu.memory_space<vmem>>
        %dma_wait3A_121 = tpu.memref_squeeze %dma_wait3A_120 : memref<1x1000x16xf32, #tpu.memory_space<vmem>> -> memref<1000x16xf32, #tpu.memory_space<vmem>>
        %dma_wait3A_122 = arith.constant 0 : i32
        %dma_wait3A_123 = tpu.memref_slice %arg8[%dma_wait3A_122] : memref<20000xi32, #tpu.memory_space<vmem>> -> memref<1000xi32, #tpu.memory_space<vmem>>
        %dma_wait3A_124 = arith.constant 0 : i32
        %dma_wait3A_125 = arith.constant 0 : i32
        %dma_wait3A_126 = tpu.memref_slice %arg11[%dma_wait3A_124, %dma_wait3A_125] : memref<10000x16xf32, #tpu.memory_space<vmem_shared>> -> memref<10000x16xf32, #tpu.memory_space<vmem_shared>>
        tpu.wait_indirect_dma semaphore(%arg15 : memref<!tpu.dma_semaphore, #tpu.memory_space<semaphore_mem>>) src(%dma_wait3A_121 : memref<1000x16xf32, #tpu.memory_space<vmem>>) dst(%dma_wait3A_126 : memref<10000x16xf32, #tpu.memory_space<vmem_shared>>)
      } else {
      }
      %mul3A_46 = arith.constant 1000 : i32
      %mul3A_47 = arith.muli %add3A_43, %mul3A_46 : i32
      %dma_start3A_48 = arith.constant 0 : i32
      %dma_start3A_49 = arith.constant 0 : i32
      %dma_start3A_50 = arith.constant 0 : i32
      %dma_start3A_51 = tpu.memref_slice %arg9[%dma_start3A_48, %dma_start3A_49, %dma_start3A_50] : memref<2x1000x16xf32, #tpu.memory_space<vmem>> -> memref<1x1000x16xf32, #tpu.memory_space<vmem>>
      %dma_start3A_52 = tpu.memref_squeeze %dma_start3A_51 : memref<1x1000x16xf32, #tpu.memory_space<vmem>> -> memref<1000x16xf32, #tpu.memory_space<vmem>>
      %dma_start3A_53 = tpu.memref_slice %arg7[%mul3A_47] : memref<20000xi32, #tpu.memory_space<vmem>> -> memref<1000xi32, #tpu.memory_space<vmem>>
      %dma_start3A_54 = arith.constant 0 : i32
      %dma_start3A_55 = arith.constant 0 : i32
      %dma_start3A_56 = tpu.memref_slice %arg10[%dma_start3A_54, %dma_start3A_55] : memref<10000x16xf32, #tpu.memory_space<vmem_shared>> -> memref<10000x16xf32, #tpu.memory_space<vmem_shared>>
      tpu.enqueue_indirect_dma source(%dma_start3A_56 : memref<10000x16xf32, #tpu.memory_space<vmem_shared>>) target(%dma_start3A_52 : memref<1000x16xf32, #tpu.memory_space<vmem>>) offsets(%dma_start3A_53 : memref<1000xi32, #tpu.memory_space<vmem>>) semaphore(%arg13 : memref<!tpu.dma_semaphore, #tpu.memory_space<semaphore_mem>>)
      %dma_wait3A_57 = arith.constant 0 : i32
      %dma_wait3A_58 = arith.constant 0 : i32
      %dma_wait3A_59 = arith.constant 0 : i32
      %dma_wait3A_60 = tpu.memref_slice %arg9[%dma_wait3A_57, %dma_wait3A_58, %dma_wait3A_59] : memref<2x1000x16xf32, #tpu.memory_space<vmem>> -> memref<1x1000x16xf32, #tpu.memory_space<vmem>>
      %dma_wait3A_61 = tpu.memref_squeeze %dma_wait3A_60 : memref<1x1000x16xf32, #tpu.memory_space<vmem>> -> memref<1000x16xf32, #tpu.memory_space<vmem>>
      %dma_wait3A_62 = tpu.memref_slice %arg7[%mul3A_47] : memref<20000xi32, #tpu.memory_space<vmem>> -> memref<1000xi32, #tpu.memory_space<vmem>>
      %dma_wait3A_63 = arith.constant 0 : i32
      %dma_wait3A_64 = arith.constant 0 : i32
      %dma_wait3A_65 = tpu.memref_slice %arg10[%dma_wait3A_63, %dma_wait3A_64] : memref<10000x16xf32, #tpu.memory_space<vmem_shared>> -> memref<10000x16xf32, #tpu.memory_space<vmem_shared>>
      tpu.wait_indirect_dma semaphore(%arg13 : memref<!tpu.dma_semaphore, #tpu.memory_space<semaphore_mem>>) src(%dma_wait3A_65 : memref<10000x16xf32, #tpu.memory_space<vmem_shared>>) dst(%dma_wait3A_61 : memref<1000x16xf32, #tpu.memory_space<vmem>>)
      %mul3A_66 = arith.constant 1000 : i32
      %mul3A_67 = arith.muli %add3A_43, %mul3A_66 : i32
      %dma_start3A_68 = arith.constant 0 : i32
      %dma_start3A_69 = arith.constant 0 : i32
      %dma_start3A_70 = arith.constant 0 : i32
      %dma_start3A_71 = tpu.memref_slice %arg9[%dma_start3A_68, %dma_start3A_69, %dma_start3A_70] : memref<2x1000x16xf32, #tpu.memory_space<vmem>> -> memref<1x1000x16xf32, #tpu.memory_space<vmem>>
      %dma_start3A_72 = tpu.memref_squeeze %dma_start3A_71 : memref<1x1000x16xf32, #tpu.memory_space<vmem>> -> memref<1000x16xf32, #tpu.memory_space<vmem>>
      %dma_start3A_73 = tpu.memref_slice %arg8[%mul3A_67] : memref<20000xi32, #tpu.memory_space<vmem>> -> memref<1000xi32, #tpu.memory_space<vmem>>
      %dma_start3A_74 = arith.constant 0 : i32
      %dma_start3A_75 = arith.constant 0 : i32
      %dma_start3A_76 = tpu.memref_slice %arg11[%dma_start3A_74, %dma_start3A_75] : memref<10000x16xf32, #tpu.memory_space<vmem_shared>> -> memref<10000x16xf32, #tpu.memory_space<vmem_shared>>
      tpu.enqueue_indirect_dma source(%dma_start3A_72 : memref<1000x16xf32, #tpu.memory_space<vmem>>) target(%dma_start3A_76 : memref<10000x16xf32, #tpu.memory_space<vmem_shared>>) offsets(%dma_start3A_73 : memref<1000xi32, #tpu.memory_space<vmem>>) semaphore(%arg15 : memref<!tpu.dma_semaphore, #tpu.memory_space<semaphore_mem>>) {add = true}
      %mul3A_77 = arith.constant 2 : i32
      %mul3A_78 = arith.muli %scan3A_39, %mul3A_77 : i32
      %add3A_79 = arith.constant 1 : i32
      %add3A_80 = arith.addi %mul3A_78, %add3A_79 : i32
      %ge3A_81 = arith.constant 2 : i32
      %ge3A_82 = arith.cmpi sge, %add3A_80, %ge3A_81 : i32
      %convert_element_type3A_83 = arith.extui %ge3A_82 : i1 to i32
      %cond3A_84 = arith.constant 0 : i32
      %cond3A_85 = arith.cmpi ne, %convert_element_type3A_83, %cond3A_84 : i32
      scf.if %cond3A_85 {
        %dma_wait3A_117 = arith.constant 1 : i32
        %dma_wait3A_118 = arith.constant 0 : i32
        %dma_wait3A_119 = arith.constant 0 : i32
        %dma_wait3A_120 = tpu.memref_slice %arg9[%dma_wait3A_117, %dma_wait3A_118, %dma_wait3A_119] : memref<2x1000x16xf32, #tpu.memory_space<vmem>> -> memref<1x1000x16xf32, #tpu.memory_space<vmem>>
        %dma_wait3A_121 = tpu.memref_squeeze %dma_wait3A_120 : memref<1x1000x16xf32, #tpu.memory_space<vmem>> -> memref<1000x16xf32, #tpu.memory_space<vmem>>
        %dma_wait3A_122 = arith.constant 0 : i32
        %dma_wait3A_123 = tpu.memref_slice %arg8[%dma_wait3A_122] : memref<20000xi32, #tpu.memory_space<vmem>> -> memref<1000xi32, #tpu.memory_space<vmem>>
        %dma_wait3A_124 = arith.constant 0 : i32
        %dma_wait3A_125 = arith.constant 0 : i32
        %dma_wait3A_126 = tpu.memref_slice %arg11[%dma_wait3A_124, %dma_wait3A_125] : memref<10000x16xf32, #tpu.memory_space<vmem_shared>> -> memref<10000x16xf32, #tpu.memory_space<vmem_shared>>
        tpu.wait_indirect_dma semaphore(%arg16 : memref<!tpu.dma_semaphore, #tpu.memory_space<semaphore_mem>>) src(%dma_wait3A_121 : memref<1000x16xf32, #tpu.memory_space<vmem>>) dst(%dma_wait3A_126 : memref<10000x16xf32, #tpu.memory_space<vmem_shared>>)
      } else {
      }
      %mul3A_86 = arith.constant 1000 : i32
      %mul3A_87 = arith.muli %add3A_80, %mul3A_86 : i32
      %dma_start3A_88 = arith.constant 1 : i32
      %dma_start3A_89 = arith.constant 0 : i32
      %dma_start3A_90 = arith.constant 0 : i32
      %dma_start3A_91 = tpu.memref_slice %arg9[%dma_start3A_88, %dma_start3A_89, %dma_start3A_90] : memref<2x1000x16xf32, #tpu.memory_space<vmem>> -> memref<1x1000x16xf32, #tpu.memory_space<vmem>>
      %dma_start3A_92 = tpu.memref_squeeze %dma_start3A_91 : memref<1x1000x16xf32, #tpu.memory_space<vmem>> -> memref<1000x16xf32, #tpu.memory_space<vmem>>
      %dma_start3A_93 = tpu.memref_slice %arg7[%mul3A_87] : memref<20000xi32, #tpu.memory_space<vmem>> -> memref<1000xi32, #tpu.memory_space<vmem>>
      %dma_start3A_94 = arith.constant 0 : i32
      %dma_start3A_95 = arith.constant 0 : i32
      %dma_start3A_96 = tpu.memref_slice %arg10[%dma_start3A_94, %dma_start3A_95] : memref<10000x16xf32, #tpu.memory_space<vmem_shared>> -> memref<10000x16xf32, #tpu.memory_space<vmem_shared>>
      tpu.enqueue_indirect_dma source(%dma_start3A_96 : memref<10000x16xf32, #tpu.memory_space<vmem_shared>>) target(%dma_start3A_92 : memref<1000x16xf32, #tpu.memory_space<vmem>>) offsets(%dma_start3A_93 : memref<1000xi32, #tpu.memory_space<vmem>>) semaphore(%arg14 : memref<!tpu.dma_semaphore, #tpu.memory_space<semaphore_mem>>)
      %dma_wait3A_97 = arith.constant 1 : i32
      %dma_wait3A_98 = arith.constant 0 : i32
      %dma_wait3A_99 = arith.constant 0 : i32
      %dma_wait3A_100 = tpu.memref_slice %arg9[%dma_wait3A_97, %dma_wait3A_98, %dma_wait3A_99] : memref<2x1000x16xf32, #tpu.memory_space<vmem>> -> memref<1x1000x16xf32, #tpu.memory_space<vmem>>
      %dma_wait3A_101 = tpu.memref_squeeze %dma_wait3A_100 : memref<1x1000x16xf32, #tpu.memory_space<vmem>> -> memref<1000x16xf32, #tpu.memory_space<vmem>>
      %dma_wait3A_102 = tpu.memref_slice %arg7[%mul3A_87] : memref<20000xi32, #tpu.memory_space<vmem>> -> memref<1000xi32, #tpu.memory_space<vmem>>
      %dma_wait3A_103 = arith.constant 0 : i32
      %dma_wait3A_104 = arith.constant 0 : i32
      %dma_wait3A_105 = tpu.memref_slice %arg10[%dma_wait3A_103, %dma_wait3A_104] : memref<10000x16xf32, #tpu.memory_space<vmem_shared>> -> memref<10000x16xf32, #tpu.memory_space<vmem_shared>>
      tpu.wait_indirect_dma semaphore(%arg14 : memref<!tpu.dma_semaphore, #tpu.memory_space<semaphore_mem>>) src(%dma_wait3A_105 : memref<10000x16xf32, #tpu.memory_space<vmem_shared>>) dst(%dma_wait3A_101 : memref<1000x16xf32, #tpu.memory_space<vmem>>)
      %mul3A_106 = arith.constant 1000 : i32
      %mul3A_107 = arith.muli %add3A_80, %mul3A_106 : i32
      %dma_start3A_108 = arith.constant 1 : i32
      %dma_start3A_109 = arith.constant 0 : i32
      %dma_start3A_110 = arith.constant 0 : i32
      %dma_start3A_111 = tpu.memref_slice %arg9[%dma_start3A_108, %dma_start3A_109, %dma_start3A_110] : memref<2x1000x16xf32, #tpu.memory_space<vmem>> -> memref<1x1000x16xf32, #tpu.memory_space<vmem>>
      %dma_start3A_112 = tpu.memref_squeeze %dma_start3A_111 : memref<1x1000x16xf32, #tpu.memory_space<vmem>> -> memref<1000x16xf32, #tpu.memory_space<vmem>>
      %dma_start3A_113 = tpu.memref_slice %arg8[%mul3A_107] : memref<20000xi32, #tpu.memory_space<vmem>> -> memref<1000xi32, #tpu.memory_space<vmem>>
      %dma_start3A_114 = arith.constant 0 : i32
      %dma_start3A_115 = arith.constant 0 : i32
      %dma_start3A_116 = tpu.memref_slice %arg11[%dma_start3A_114, %dma_start3A_115] : memref<10000x16xf32, #tpu.memory_space<vmem_shared>> -> memref<10000x16xf32, #tpu.memory_space<vmem_shared>>
      tpu.enqueue_indirect_dma source(%dma_start3A_112 : memref<1000x16xf32, #tpu.memory_space<vmem>>) target(%dma_start3A_116 : memref<10000x16xf32, #tpu.memory_space<vmem_shared>>) offsets(%dma_start3A_113 : memref<1000xi32, #tpu.memory_space<vmem>>) semaphore(%arg16 : memref<!tpu.dma_semaphore, #tpu.memory_space<semaphore_mem>>) {add = true}
    }
    %scan3A_17 = arith.constant 10 : i32
    %dma_wait3A_18 = arith.constant 0 : i32
    %dma_wait3A_19 = arith.constant 0 : i32
    %dma_wait3A_20 = arith.constant 0 : i32
    %dma_wait3A_21 = tpu.memref_slice %arg9[%dma_wait3A_18, %dma_wait3A_19, %dma_wait3A_20] : memref<2x1000x16xf32, #tpu.memory_space<vmem>> -> memref<1x1000x16xf32, #tpu.memory_space<vmem>>
    %dma_wait3A_22 = tpu.memref_squeeze %dma_wait3A_21 : memref<1x1000x16xf32, #tpu.memory_space<vmem>> -> memref<1000x16xf32, #tpu.memory_space<vmem>>
    %dma_wait3A_23 = arith.constant 0 : i32
    %dma_wait3A_24 = tpu.memref_slice %arg8[%dma_wait3A_23] : memref<20000xi32, #tpu.memory_space<vmem>> -> memref<1000xi32, #tpu.memory_space<vmem>>
    %dma_wait3A_25 = arith.constant 0 : i32
    %dma_wait3A_26 = arith.constant 0 : i32
    %dma_wait3A_27 = tpu.memref_slice %arg11[%dma_wait3A_25, %dma_wait3A_26] : memref<10000x16xf32, #tpu.memory_space<vmem_shared>> -> memref<10000x16xf32, #tpu.memory_space<vmem_shared>>
    tpu.wait_indirect_dma semaphore(%arg15 : memref<!tpu.dma_semaphore, #tpu.memory_space<semaphore_mem>>) src(%dma_wait3A_22 : memref<1000x16xf32, #tpu.memory_space<vmem>>) dst(%dma_wait3A_27 : memref<10000x16xf32, #tpu.memory_space<vmem_shared>>)
    %dma_wait3A_28 = arith.constant 1 : i32
    %dma_wait3A_29 = arith.constant 0 : i32
    %dma_wait3A_30 = arith.constant 0 : i32
    %dma_wait3A_31 = tpu.memref_slice %arg9[%dma_wait3A_28, %dma_wait3A_29, %dma_wait3A_30] : memref<2x1000x16xf32, #tpu.memory_space<vmem>> -> memref<1x1000x16xf32, #tpu.memory_space<vmem>>
    %dma_wait3A_32 = tpu.memref_squeeze %dma_wait3A_31 : memref<1x1000x16xf32, #tpu.memory_space<vmem>> -> memref<1000x16xf32, #tpu.memory_space<vmem>>
    %dma_wait3A_33 = arith.constant 0 : i32
    %dma_wait3A_34 = tpu.memref_slice %arg8[%dma_wait3A_33] : memref<20000xi32, #tpu.memory_space<vmem>> -> memref<1000xi32, #tpu.memory_space<vmem>>
    %dma_wait3A_35 = arith.constant 0 : i32
    %dma_wait3A_36 = arith.constant 0 : i32
    %dma_wait3A_37 = tpu.memref_slice %arg11[%dma_wait3A_35, %dma_wait3A_36] : memref<10000x16xf32, #tpu.memory_space<vmem_shared>> -> memref<10000x16xf32, #tpu.memory_space<vmem_shared>>
    tpu.wait_indirect_dma semaphore(%arg16 : memref<!tpu.dma_semaphore, #tpu.memory_space<semaphore_mem>>) src(%dma_wait3A_32 : memref<1000x16xf32, #tpu.memory_space<vmem>>) dst(%dma_wait3A_37 : memref<10000x16xf32, #tpu.memory_space<vmem_shared>>)
    %barrier3A_38 = arith.constant 0 : index
    tpu.barrier barrier_id(%barrier3A_38)
    "tpu.region"() ({
      %run_scoped3A = tpu.sem_alloc : memref<!tpu.dma_semaphore, #tpu.memory_space<semaphore_mem>>
      %dma_start3A_39 = arith.constant 0 : i32
      %dma_start3A_40 = tpu.memref_slice %arg6[%arg0, %mul3A_9, %dma_start3A_39] : memref<2x10000x16xf32, #tpu.memory_space<hbm>> -> memref<1x625x16xf32, #tpu.memory_space<hbm>>
      %dma_start3A_41 = tpu.memref_squeeze %dma_start3A_40 : memref<1x625x16xf32, #tpu.memory_space<hbm>> -> memref<625x16xf32, #tpu.memory_space<hbm>>
      %dma_start3A_42 = arith.constant 0 : i32
      %dma_start3A_43 = tpu.memref_slice %arg11[%mul3A_9, %dma_start3A_42] : memref<10000x16xf32, #tpu.memory_space<vmem_shared>> -> memref<625x16xf32, #tpu.memory_space<vmem_shared>>
      tpu.enqueue_dma source(%dma_start3A_43 : memref<625x16xf32, #tpu.memory_space<vmem_shared>>) target(%dma_start3A_41 : memref<625x16xf32, #tpu.memory_space<hbm>>) target_semaphore(%run_scoped3A : memref<!tpu.dma_semaphore, #tpu.memory_space<semaphore_mem>>)
      %dma_wait3A_44 = arith.constant 0 : i32
      %dma_wait3A_45 = tpu.memref_slice %arg6[%arg0, %mul3A_9, %dma_wait3A_44] : memref<2x10000x16xf32, #tpu.memory_space<hbm>> -> memref<1x625x16xf32, #tpu.memory_space<hbm>>
      %dma_wait3A_46 = tpu.memref_squeeze %dma_wait3A_45 : memref<1x625x16xf32, #tpu.memory_space<hbm>> -> memref<625x16xf32, #tpu.memory_space<hbm>>
      %dma_wait3A_47 = arith.constant 0 : i32
      %dma_wait3A_48 = tpu.memref_slice %arg11[%mul3A_9, %dma_wait3A_47] : memref<10000x16xf32, #tpu.memory_space<vmem_shared>> -> memref<625x16xf32, #tpu.memory_space<vmem_shared>>
      tpu.wait_dma2 semaphore(%run_scoped3A : memref<!tpu.dma_semaphore, #tpu.memory_space<semaphore_mem>>) src(%dma_wait3A_48 : memref<625x16xf32, #tpu.memory_space<vmem_shared>>) dst(%dma_wait3A_46 : memref<625x16xf32, #tpu.memory_space<hbm>>)
      tpu.yield
    }) : () -> ()
    return
  }
}

#map = affine_map<(d0, d1) -> (0, 0, 0)>
#map1 = affine_map<(d0, d1) -> (0, 0)>
#map2 = affine_map<(d0, d1) -> (0)>
module attributes {stable_mosaic.version = 14 : i64} {
  func.func @_agg2_kernel(%arg0: i32, %arg1: i32, %arg2: memref<2x10000x16xf32, #tpu.memory_space<hbm>>, %arg3: memref<10000x16xf32, #tpu.memory_space<hbm>>, %arg4: memref<10000x16xf32, #tpu.memory_space<hbm>>, %arg5: memref<16xf32, #tpu.memory_space<hbm>>, %arg6: memref<640000xi32, #tpu.memory_space<hbm>>, %arg7: memref<640000xi32, #tpu.memory_space<hbm>>, %arg8: memref<10000x16xf32, #tpu.memory_space<hbm>>, %arg9: memref<2x10000x16xf32, #tpu.memory_space<hbm>>, %arg10: memref<10000x16xf32, #tpu.memory_space<hbm>>, %arg11: memref<20000xi32, #tpu.memory_space<vmem>>, %arg12: memref<20000xi32, #tpu.memory_space<vmem>>, %arg13: memref<2x1000x16xf32, #tpu.memory_space<vmem>>, %arg14: memref<125x16xf32, #tpu.memory_space<vmem>>, %arg15: memref<125x16xf32, #tpu.memory_space<vmem>>, %arg16: memref<125x16xf32, #tpu.memory_space<vmem>>, %arg17: memref<125x16xf32, #tpu.memory_space<vmem>>, %arg18: memref<125x16xf32, #tpu.memory_space<vmem>>, %arg19: memref<16xf32, #tpu.memory_space<vmem>>, %arg20: memref<10000x16xf32, #tpu.memory_space<vmem_shared>>, %arg21: memref<10000x16xf32, #tpu.memory_space<vmem_shared>>, %arg22: memref<!tpu.dma_semaphore, #tpu.memory_space<semaphore_mem>>, %arg23: memref<!tpu.dma_semaphore, #tpu.memory_space<semaphore_mem>>, %arg24: memref<!tpu.dma_semaphore, #tpu.memory_space<semaphore_mem>>, %arg25: memref<!tpu.dma_semaphore, #tpu.memory_space<semaphore_mem>>, %arg26: memref<!tpu.dma_semaphore, #tpu.memory_space<semaphore_mem>>) attributes {dimension_semantics = [#tpu.dimension_semantics<core_parallel>, #tpu.dimension_semantics<subcore_parallel>], iteration_bounds = array<i64: 2, 16>, scalar_prefetch = 0 : i64, scratch_operands = 16 : i64, tpu.core_type = #tpu.core_type<sc_vector_subcore>, window_params = [{transform_indices = #map}, {transform_indices = #map1}, {transform_indices = #map1}, {transform_indices = #map2}, {transform_indices = #map2}, {transform_indices = #map2}, {transform_indices = #map1}, {transform_indices = #map}, {transform_indices = #map1}]} {
    %mul3A = arith.constant 2 : i32
    %mul3A_0 = arith.muli %arg1, %mul3A : i32
    %add3A = arith.addi %mul3A_0, %arg0 : i32
    %mul3A_1 = arith.constant 20000 : i32
    %mul3A_2 = arith.muli %add3A, %mul3A_1 : i32
    %dma_start3A = tpu.memref_slice %arg6[%mul3A_2] : memref<640000xi32, #tpu.memory_space<hbm>> -> memref<20000xi32, #tpu.memory_space<hbm>>
    %dma_start3A_3 = tpu.memref_slice %arg6[%mul3A_2] : memref<640000xi32, #tpu.memory_space<hbm>> -> memref<20000xi32, #tpu.memory_space<hbm>>
    tpu.enqueue_dma source(%dma_start3A_3 : memref<20000xi32, #tpu.memory_space<hbm>>) target(%arg11 : memref<20000xi32, #tpu.memory_space<vmem>>) target_semaphore(%arg22 : memref<!tpu.dma_semaphore, #tpu.memory_space<semaphore_mem>>)
    %mul3A_4 = arith.constant 20000 : i32
    %mul3A_5 = arith.muli %add3A, %mul3A_4 : i32
    %dma_start3A_6 = tpu.memref_slice %arg7[%mul3A_5] : memref<640000xi32, #tpu.memory_space<hbm>> -> memref<20000xi32, #tpu.memory_space<hbm>>
    %dma_start3A_7 = tpu.memref_slice %arg7[%mul3A_5] : memref<640000xi32, #tpu.memory_space<hbm>> -> memref<20000xi32, #tpu.memory_space<hbm>>
    tpu.enqueue_dma source(%dma_start3A_7 : memref<20000xi32, #tpu.memory_space<hbm>>) target(%arg12 : memref<20000xi32, #tpu.memory_space<vmem>>) target_semaphore(%arg22 : memref<!tpu.dma_semaphore, #tpu.memory_space<semaphore_mem>>)
    "tpu.region"() ({
      %run_scoped3A = tpu.sem_alloc : memref<!tpu.dma_semaphore, #tpu.memory_space<semaphore_mem>>
      tpu.enqueue_dma source(%arg5 : memref<16xf32, #tpu.memory_space<hbm>>) target(%arg19 : memref<16xf32, #tpu.memory_space<vmem>>) target_semaphore(%run_scoped3A : memref<!tpu.dma_semaphore, #tpu.memory_space<semaphore_mem>>)
      tpu.wait_dma2 semaphore(%run_scoped3A : memref<!tpu.dma_semaphore, #tpu.memory_space<semaphore_mem>>) src(%arg5 : memref<16xf32, #tpu.memory_space<hbm>>) dst(%arg19 : memref<16xf32, #tpu.memory_space<vmem>>)
      tpu.yield
    }) : () -> ()
    %mul3A_8 = arith.constant 625 : i32
    %mul3A_9 = arith.muli %arg1, %mul3A_8 : i32
    "tpu.region"() ({
      %run_scoped3A = tpu.sem_alloc : memref<!tpu.dma_semaphore, #tpu.memory_space<semaphore_mem>>
      %dma_start3A_45 = arith.constant 0 : i32
      %dma_start3A_46 = tpu.memref_slice %arg21[%mul3A_9, %dma_start3A_45] : memref<10000x16xf32, #tpu.memory_space<vmem_shared>> -> memref<625x16xf32, #tpu.memory_space<vmem_shared>>
      %dma_start3A_47 = arith.constant 0 : i32
      %dma_start3A_48 = tpu.memref_slice %arg8[%mul3A_9, %dma_start3A_47] : memref<10000x16xf32, #tpu.memory_space<hbm>> -> memref<625x16xf32, #tpu.memory_space<hbm>>
      tpu.enqueue_dma source(%dma_start3A_48 : memref<625x16xf32, #tpu.memory_space<hbm>>) target(%dma_start3A_46 : memref<625x16xf32, #tpu.memory_space<vmem_shared>>) target_semaphore(%run_scoped3A : memref<!tpu.dma_semaphore, #tpu.memory_space<semaphore_mem>>)
      %dma_wait3A_49 = arith.constant 0 : i32
      %dma_wait3A_50 = tpu.memref_slice %arg21[%mul3A_9, %dma_wait3A_49] : memref<10000x16xf32, #tpu.memory_space<vmem_shared>> -> memref<625x16xf32, #tpu.memory_space<vmem_shared>>
      %dma_wait3A_51 = arith.constant 0 : i32
      %dma_wait3A_52 = tpu.memref_slice %arg8[%mul3A_9, %dma_wait3A_51] : memref<10000x16xf32, #tpu.memory_space<hbm>> -> memref<625x16xf32, #tpu.memory_space<hbm>>
      tpu.wait_dma2 semaphore(%run_scoped3A : memref<!tpu.dma_semaphore, #tpu.memory_space<semaphore_mem>>) src(%dma_wait3A_52 : memref<625x16xf32, #tpu.memory_space<hbm>>) dst(%dma_wait3A_50 : memref<625x16xf32, #tpu.memory_space<vmem_shared>>)
      tpu.yield
    }) : () -> ()
    %scan3A = arith.constant 0 : i32
    %scan3A_10 = arith.constant 0 : i32
    %scan3A_11 = arith.constant 5 : i32
    %scan3A_12 = arith.addi %scan3A_10, %scan3A_11 : i32
    %scan3A_13 = arith.constant 1 : i32
    scf.for %scan3A_45 = %scan3A_10 to %scan3A_12 step %scan3A_13  : i32 {
      %mul3A_46 = arith.constant 625 : i32
      %mul3A_47 = arith.muli %arg1, %mul3A_46 : i32
      %mul3A_48 = arith.constant 125 : i32
      %mul3A_49 = arith.muli %scan3A_45, %mul3A_48 : i32
      %add3A_50 = arith.addi %mul3A_47, %mul3A_49 : i32
      %run_scoped3A = arith.constant 0 : i32
      "tpu.region"() ({
        %run_scoped3A_60 = tpu.sem_alloc : memref<!tpu.dma_semaphore, #tpu.memory_space<semaphore_mem>>
        %dma_start3A_61 = arith.constant 0 : i32
        %dma_start3A_62 = tpu.memref_slice %arg2[%run_scoped3A, %add3A_50, %dma_start3A_61] : memref<2x10000x16xf32, #tpu.memory_space<hbm>> -> memref<1x125x16xf32, #tpu.memory_space<hbm>>
        %dma_start3A_63 = tpu.memref_squeeze %dma_start3A_62 : memref<1x125x16xf32, #tpu.memory_space<hbm>> -> memref<125x16xf32, #tpu.memory_space<hbm>>
        %dma_start3A_64 = arith.constant 0 : i32
        %dma_start3A_65 = tpu.memref_slice %arg2[%run_scoped3A, %add3A_50, %dma_start3A_64] : memref<2x10000x16xf32, #tpu.memory_space<hbm>> -> memref<1x125x16xf32, #tpu.memory_space<hbm>>
        %dma_start3A_66 = tpu.memref_squeeze %dma_start3A_65 : memref<1x125x16xf32, #tpu.memory_space<hbm>> -> memref<125x16xf32, #tpu.memory_space<hbm>>
        tpu.enqueue_dma source(%dma_start3A_66 : memref<125x16xf32, #tpu.memory_space<hbm>>) target(%arg14 : memref<125x16xf32, #tpu.memory_space<vmem>>) target_semaphore(%run_scoped3A_60 : memref<!tpu.dma_semaphore, #tpu.memory_space<semaphore_mem>>)
        %dma_wait3A_67 = arith.constant 0 : i32
        %dma_wait3A_68 = tpu.memref_slice %arg2[%run_scoped3A, %add3A_50, %dma_wait3A_67] : memref<2x10000x16xf32, #tpu.memory_space<hbm>> -> memref<1x125x16xf32, #tpu.memory_space<hbm>>
        %dma_wait3A_69 = tpu.memref_squeeze %dma_wait3A_68 : memref<1x125x16xf32, #tpu.memory_space<hbm>> -> memref<125x16xf32, #tpu.memory_space<hbm>>
        %dma_wait3A_70 = arith.constant 0 : i32
        %dma_wait3A_71 = tpu.memref_slice %arg2[%run_scoped3A, %add3A_50, %dma_wait3A_70] : memref<2x10000x16xf32, #tpu.memory_space<hbm>> -> memref<1x125x16xf32, #tpu.memory_space<hbm>>
        %dma_wait3A_72 = tpu.memref_squeeze %dma_wait3A_71 : memref<1x125x16xf32, #tpu.memory_space<hbm>> -> memref<125x16xf32, #tpu.memory_space<hbm>>
        tpu.wait_dma2 semaphore(%run_scoped3A_60 : memref<!tpu.dma_semaphore, #tpu.memory_space<semaphore_mem>>) src(%dma_wait3A_72 : memref<125x16xf32, #tpu.memory_space<hbm>>) dst(%arg14 : memref<125x16xf32, #tpu.memory_space<vmem>>)
        tpu.yield
      }) : () -> ()
      %run_scoped3A_51 = arith.constant 1 : i32
      "tpu.region"() ({
        %run_scoped3A_60 = tpu.sem_alloc : memref<!tpu.dma_semaphore, #tpu.memory_space<semaphore_mem>>
        %dma_start3A_61 = arith.constant 0 : i32
        %dma_start3A_62 = tpu.memref_slice %arg2[%run_scoped3A_51, %add3A_50, %dma_start3A_61] : memref<2x10000x16xf32, #tpu.memory_space<hbm>> -> memref<1x125x16xf32, #tpu.memory_space<hbm>>
        %dma_start3A_63 = tpu.memref_squeeze %dma_start3A_62 : memref<1x125x16xf32, #tpu.memory_space<hbm>> -> memref<125x16xf32, #tpu.memory_space<hbm>>
        %dma_start3A_64 = arith.constant 0 : i32
        %dma_start3A_65 = tpu.memref_slice %arg2[%run_scoped3A_51, %add3A_50, %dma_start3A_64] : memref<2x10000x16xf32, #tpu.memory_space<hbm>> -> memref<1x125x16xf32, #tpu.memory_space<hbm>>
        %dma_start3A_66 = tpu.memref_squeeze %dma_start3A_65 : memref<1x125x16xf32, #tpu.memory_space<hbm>> -> memref<125x16xf32, #tpu.memory_space<hbm>>
        tpu.enqueue_dma source(%dma_start3A_66 : memref<125x16xf32, #tpu.memory_space<hbm>>) target(%arg15 : memref<125x16xf32, #tpu.memory_space<vmem>>) target_semaphore(%run_scoped3A_60 : memref<!tpu.dma_semaphore, #tpu.memory_space<semaphore_mem>>)
        %dma_wait3A_67 = arith.constant 0 : i32
        %dma_wait3A_68 = tpu.memref_slice %arg2[%run_scoped3A_51, %add3A_50, %dma_wait3A_67] : memref<2x10000x16xf32, #tpu.memory_space<hbm>> -> memref<1x125x16xf32, #tpu.memory_space<hbm>>
        %dma_wait3A_69 = tpu.memref_squeeze %dma_wait3A_68 : memref<1x125x16xf32, #tpu.memory_space<hbm>> -> memref<125x16xf32, #tpu.memory_space<hbm>>
        %dma_wait3A_70 = arith.constant 0 : i32
        %dma_wait3A_71 = tpu.memref_slice %arg2[%run_scoped3A_51, %add3A_50, %dma_wait3A_70] : memref<2x10000x16xf32, #tpu.memory_space<hbm>> -> memref<1x125x16xf32, #tpu.memory_space<hbm>>
        %dma_wait3A_72 = tpu.memref_squeeze %dma_wait3A_71 : memref<1x125x16xf32, #tpu.memory_space<hbm>> -> memref<125x16xf32, #tpu.memory_space<hbm>>
        tpu.wait_dma2 semaphore(%run_scoped3A_60 : memref<!tpu.dma_semaphore, #tpu.memory_space<semaphore_mem>>) src(%dma_wait3A_72 : memref<125x16xf32, #tpu.memory_space<hbm>>) dst(%arg15 : memref<125x16xf32, #tpu.memory_space<vmem>>)
        tpu.yield
      }) : () -> ()
      "tpu.region"() ({
        %run_scoped3A_60 = tpu.sem_alloc : memref<!tpu.dma_semaphore, #tpu.memory_space<semaphore_mem>>
        %dma_start3A_61 = arith.constant 0 : i32
        %dma_start3A_62 = tpu.memref_slice %arg3[%add3A_50, %dma_start3A_61] : memref<10000x16xf32, #tpu.memory_space<hbm>> -> memref<125x16xf32, #tpu.memory_space<hbm>>
        %dma_start3A_63 = arith.constant 0 : i32
        %dma_start3A_64 = tpu.memref_slice %arg3[%add3A_50, %dma_start3A_63] : memref<10000x16xf32, #tpu.memory_space<hbm>> -> memref<125x16xf32, #tpu.memory_space<hbm>>
        tpu.enqueue_dma source(%dma_start3A_64 : memref<125x16xf32, #tpu.memory_space<hbm>>) target(%arg16 : memref<125x16xf32, #tpu.memory_space<vmem>>) target_semaphore(%run_scoped3A_60 : memref<!tpu.dma_semaphore, #tpu.memory_space<semaphore_mem>>)
        %dma_wait3A_65 = arith.constant 0 : i32
        %dma_wait3A_66 = tpu.memref_slice %arg3[%add3A_50, %dma_wait3A_65] : memref<10000x16xf32, #tpu.memory_space<hbm>> -> memref<125x16xf32, #tpu.memory_space<hbm>>
        %dma_wait3A_67 = arith.constant 0 : i32
        %dma_wait3A_68 = tpu.memref_slice %arg3[%add3A_50, %dma_wait3A_67] : memref<10000x16xf32, #tpu.memory_space<hbm>> -> memref<125x16xf32, #tpu.memory_space<hbm>>
        tpu.wait_dma2 semaphore(%run_scoped3A_60 : memref<!tpu.dma_semaphore, #tpu.memory_space<semaphore_mem>>) src(%dma_wait3A_68 : memref<125x16xf32, #tpu.memory_space<hbm>>) dst(%arg16 : memref<125x16xf32, #tpu.memory_space<vmem>>)
        tpu.yield
      }) : () -> ()
      "tpu.region"() ({
        %run_scoped3A_60 = tpu.sem_alloc : memref<!tpu.dma_semaphore, #tpu.memory_space<semaphore_mem>>
        %dma_start3A_61 = arith.constant 0 : i32
        %dma_start3A_62 = tpu.memref_slice %arg4[%add3A_50, %dma_start3A_61] : memref<10000x16xf32, #tpu.memory_space<hbm>> -> memref<125x16xf32, #tpu.memory_space<hbm>>
        %dma_start3A_63 = arith.constant 0 : i32
        %dma_start3A_64 = tpu.memref_slice %arg4[%add3A_50, %dma_start3A_63] : memref<10000x16xf32, #tpu.memory_space<hbm>> -> memref<125x16xf32, #tpu.memory_space<hbm>>
        tpu.enqueue_dma source(%dma_start3A_64 : memref<125x16xf32, #tpu.memory_space<hbm>>) target(%arg17 : memref<125x16xf32, #tpu.memory_space<vmem>>) target_semaphore(%run_scoped3A_60 : memref<!tpu.dma_semaphore, #tpu.memory_space<semaphore_mem>>)
        %dma_wait3A_65 = arith.constant 0 : i32
        %dma_wait3A_66 = tpu.memref_slice %arg4[%add3A_50, %dma_wait3A_65] : memref<10000x16xf32, #tpu.memory_space<hbm>> -> memref<125x16xf32, #tpu.memory_space<hbm>>
        %dma_wait3A_67 = arith.constant 0 : i32
        %dma_wait3A_68 = tpu.memref_slice %arg4[%add3A_50, %dma_wait3A_67] : memref<10000x16xf32, #tpu.memory_space<hbm>> -> memref<125x16xf32, #tpu.memory_space<hbm>>
        tpu.wait_dma2 semaphore(%run_scoped3A_60 : memref<!tpu.dma_semaphore, #tpu.memory_space<semaphore_mem>>) src(%dma_wait3A_68 : memref<125x16xf32, #tpu.memory_space<hbm>>) dst(%arg17 : memref<125x16xf32, #tpu.memory_space<vmem>>)
        tpu.yield
      }) : () -> ()
      %get3A = arith.constant 0 : index
      %get3A_52 = tpu.vector_load %arg19[%get3A] {strides = array<i32>} : memref<16xf32, #tpu.memory_space<vmem>>, vector<16xf32>,
      %get3A_53 = vector.shape_cast %get3A_52 : vector<16xf32> to vector<16xf32>
      %scan3A_54 = arith.constant 0 : i32
      %scan3A_55 = arith.constant 0 : i32
      %scan3A_56 = arith.constant 125 : i32
      %scan3A_57 = arith.addi %scan3A_55, %scan3A_56 : i32
      %scan3A_58 = arith.constant 1 : i32
      scf.for %scan3A_60 = %scan3A_55 to %scan3A_57 step %scan3A_58  : i32 {
        %get3A_61 = arith.index_cast %scan3A_60 : i32 to index
        %get3A_62 = arith.constant 0 : index
        %get3A_63 = tpu.vector_load %arg17[%get3A_61, %get3A_62] {strides = array<i32>} : memref<125x16xf32, #tpu.memory_space<vmem>>, vector<1x16xf32>,
        %get3A_64 = vector.shape_cast %get3A_63 : vector<1x16xf32> to vector<16xf32>
        %get3A_65 = arith.index_cast %scan3A_60 : i32 to index
        %get3A_66 = arith.constant 0 : index
        %get3A_67 = tpu.vector_load %arg14[%get3A_65, %get3A_66] {strides = array<i32>} : memref<125x16xf32, #tpu.memory_space<vmem>>, vector<1x16xf32>,
        %get3A_68 = vector.shape_cast %get3A_67 : vector<1x16xf32> to vector<16xf32>
        %get3A_69 = arith.index_cast %scan3A_60 : i32 to index
        %get3A_70 = arith.constant 0 : index
        %get3A_71 = tpu.vector_load %arg15[%get3A_69, %get3A_70] {strides = array<i32>} : memref<125x16xf32, #tpu.memory_space<vmem>>, vector<1x16xf32>,
        %get3A_72 = vector.shape_cast %get3A_71 : vector<1x16xf32> to vector<16xf32>
        %add3A_73 = arith.addf %get3A_68, %get3A_72 : vector<16xf32>
        %get3A_74 = arith.index_cast %scan3A_60 : i32 to index
        %get3A_75 = arith.constant 0 : index
        %get3A_76 = tpu.vector_load %arg16[%get3A_74, %get3A_75] {strides = array<i32>} : memref<125x16xf32, #tpu.memory_space<vmem>>, vector<1x16xf32>,
        %get3A_77 = vector.shape_cast %get3A_76 : vector<1x16xf32> to vector<16xf32>
        %add3A_78 = arith.addf %add3A_73, %get3A_77 : vector<16xf32>
        %mul3A_79 = arith.mulf %add3A_78, %get3A_64 : vector<16xf32>
        %add3A_80 = arith.addf %mul3A_79, %get3A_53 : vector<16xf32>
        %max3A = arith.constant 0.000000e+00 : f32
        %max3A_81 = vector.broadcast %max3A : f32 to vector<16xf32>
        %max3A_82 = arith.maximumf %add3A_80, %max3A_81 : vector<16xf32>
        %mul3A_83 = arith.mulf %max3A_82, %get3A_64 : vector<16xf32>
        %swap3A = arith.index_cast %scan3A_60 : i32 to index
        %swap3A_84 = arith.constant 0 : index
        %swap3A_85 = tpu.vector_load %arg18[%swap3A, %swap3A_84] {strides = array<i32>} : memref<125x16xf32, #tpu.memory_space<vmem>>, vector<1x16xf32>,
        %swap3A_86 = vector.shape_cast %swap3A_85 : vector<1x16xf32> to vector<16xf32>
        %swap3A_87 = vector.shape_cast %mul3A_83 : vector<16xf32> to vector<1x16xf32>
        tpu.vector_store %arg18[%swap3A, %swap3A_84], %swap3A_87 {strides = array<i32>} : memref<125x16xf32, #tpu.memory_space<vmem>>, vector<1x16xf32>,
      }
      %scan3A_59 = arith.constant 125 : i32
      "tpu.region"() ({
        %run_scoped3A_60 = tpu.sem_alloc : memref<!tpu.dma_semaphore, #tpu.memory_space<semaphore_mem>>
        %dma_start3A_61 = arith.constant 0 : i32
        %dma_start3A_62 = tpu.memref_slice %arg20[%add3A_50, %dma_start3A_61] : memref<10000x16xf32, #tpu.memory_space<vmem_shared>> -> memref<125x16xf32, #tpu.memory_space<vmem_shared>>
        %dma_start3A_63 = arith.constant 0 : i32
        %dma_start3A_64 = tpu.memref_slice %arg20[%add3A_50, %dma_start3A_63] : memref<10000x16xf32, #tpu.memory_space<vmem_shared>> -> memref<125x16xf32, #tpu.memory_space<vmem_shared>>
        tpu.enqueue_dma source(%arg18 : memref<125x16xf32, #tpu.memory_space<vmem>>) target(%dma_start3A_64 : memref<125x16xf32, #tpu.memory_space<vmem_shared>>) target_semaphore(%run_scoped3A_60 : memref<!tpu.dma_semaphore, #tpu.memory_space<semaphore_mem>>)
        %dma_wait3A_65 = arith.constant 0 : i32
        %dma_wait3A_66 = tpu.memref_slice %arg20[%add3A_50, %dma_wait3A_65] : memref<10000x16xf32, #tpu.memory_space<vmem_shared>> -> memref<125x16xf32, #tpu.memory_space<vmem_shared>>
        %dma_wait3A_67 = arith.constant 0 : i32
        %dma_wait3A_68 = tpu.memref_slice %arg20[%add3A_50, %dma_wait3A_67] : memref<10000x16xf32, #tpu.memory_space<vmem_shared>> -> memref<125x16xf32, #tpu.memory_space<vmem_shared>>
        tpu.wait_dma2 semaphore(%run_scoped3A_60 : memref<!tpu.dma_semaphore, #tpu.memory_space<semaphore_mem>>) src(%arg18 : memref<125x16xf32, #tpu.memory_space<vmem>>) dst(%dma_wait3A_68 : memref<125x16xf32, #tpu.memory_space<vmem_shared>>)
        tpu.yield
      }) : () -> ()
      "tpu.region"() ({
        %run_scoped3A_60 = tpu.sem_alloc : memref<!tpu.dma_semaphore, #tpu.memory_space<semaphore_mem>>
        %dma_start3A_61 = arith.constant 0 : i32
        %dma_start3A_62 = tpu.memref_slice %arg10[%add3A_50, %dma_start3A_61] : memref<10000x16xf32, #tpu.memory_space<hbm>> -> memref<125x16xf32, #tpu.memory_space<hbm>>
        %dma_start3A_63 = arith.constant 0 : i32
        %dma_start3A_64 = tpu.memref_slice %arg10[%add3A_50, %dma_start3A_63] : memref<10000x16xf32, #tpu.memory_space<hbm>> -> memref<125x16xf32, #tpu.memory_space<hbm>>
        tpu.enqueue_dma source(%arg18 : memref<125x16xf32, #tpu.memory_space<vmem>>) target(%dma_start3A_64 : memref<125x16xf32, #tpu.memory_space<hbm>>) target_semaphore(%run_scoped3A_60 : memref<!tpu.dma_semaphore, #tpu.memory_space<semaphore_mem>>)
        %dma_wait3A_65 = arith.constant 0 : i32
        %dma_wait3A_66 = tpu.memref_slice %arg10[%add3A_50, %dma_wait3A_65] : memref<10000x16xf32, #tpu.memory_space<hbm>> -> memref<125x16xf32, #tpu.memory_space<hbm>>
        %dma_wait3A_67 = arith.constant 0 : i32
        %dma_wait3A_68 = tpu.memref_slice %arg10[%add3A_50, %dma_wait3A_67] : memref<10000x16xf32, #tpu.memory_space<hbm>> -> memref<125x16xf32, #tpu.memory_space<hbm>>
        tpu.wait_dma2 semaphore(%run_scoped3A_60 : memref<!tpu.dma_semaphore, #tpu.memory_space<semaphore_mem>>) src(%arg18 : memref<125x16xf32, #tpu.memory_space<vmem>>) dst(%dma_wait3A_68 : memref<125x16xf32, #tpu.memory_space<hbm>>)
        tpu.yield
      }) : () -> ()
    }
    %scan3A_14 = arith.constant 5 : i32
    %barrier3A = arith.constant 0 : index
    tpu.barrier barrier_id(%barrier3A)
    %dma_wait3A = tpu.memref_slice %arg6[%mul3A_2] : memref<640000xi32, #tpu.memory_space<hbm>> -> memref<20000xi32, #tpu.memory_space<hbm>>
    %dma_wait3A_15 = tpu.memref_slice %arg6[%mul3A_2] : memref<640000xi32, #tpu.memory_space<hbm>> -> memref<20000xi32, #tpu.memory_space<hbm>>
    tpu.wait_dma2 semaphore(%arg22 : memref<!tpu.dma_semaphore, #tpu.memory_space<semaphore_mem>>) src(%dma_wait3A_15 : memref<20000xi32, #tpu.memory_space<hbm>>) dst(%arg11 : memref<20000xi32, #tpu.memory_space<vmem>>)
    %dma_wait3A_16 = tpu.memref_slice %arg7[%mul3A_5] : memref<640000xi32, #tpu.memory_space<hbm>> -> memref<20000xi32, #tpu.memory_space<hbm>>
    %dma_wait3A_17 = tpu.memref_slice %arg7[%mul3A_5] : memref<640000xi32, #tpu.memory_space<hbm>> -> memref<20000xi32, #tpu.memory_space<hbm>>
    tpu.wait_dma2 semaphore(%arg22 : memref<!tpu.dma_semaphore, #tpu.memory_space<semaphore_mem>>) src(%dma_wait3A_17 : memref<20000xi32, #tpu.memory_space<hbm>>) dst(%arg12 : memref<20000xi32, #tpu.memory_space<vmem>>)
    %scan3A_18 = arith.constant 0 : i32
    %scan3A_19 = arith.constant 0 : i32
    %scan3A_20 = arith.constant 10 : i32
    %scan3A_21 = arith.addi %scan3A_19, %scan3A_20 : i32
    %scan3A_22 = arith.constant 1 : i32
    scf.for %scan3A_45 = %scan3A_19 to %scan3A_21 step %scan3A_22  : i32 {
      %mul3A_46 = arith.constant 2 : i32
      %mul3A_47 = arith.muli %scan3A_45, %mul3A_46 : i32
      %add3A_48 = arith.constant 0 : i32
      %add3A_49 = arith.addi %mul3A_47, %add3A_48 : i32
      %ge3A = arith.constant 2 : i32
      %ge3A_50 = arith.cmpi sge, %add3A_49, %ge3A : i32
      %convert_element_type3A = arith.extui %ge3A_50 : i1 to i32
      %cond3A = arith.constant 0 : i32
      %cond3A_51 = arith.cmpi ne, %convert_element_type3A, %cond3A : i32
      scf.if %cond3A_51 {
        %dma_wait3A_123 = arith.constant 0 : i32
        %dma_wait3A_124 = arith.constant 0 : i32
        %dma_wait3A_125 = arith.constant 0 : i32
        %dma_wait3A_126 = tpu.memref_slice %arg13[%dma_wait3A_123, %dma_wait3A_124, %dma_wait3A_125] : memref<2x1000x16xf32, #tpu.memory_space<vmem>> -> memref<1x1000x16xf32, #tpu.memory_space<vmem>>
        %dma_wait3A_127 = tpu.memref_squeeze %dma_wait3A_126 : memref<1x1000x16xf32, #tpu.memory_space<vmem>> -> memref<1000x16xf32, #tpu.memory_space<vmem>>
        %dma_wait3A_128 = arith.constant 0 : i32
        %dma_wait3A_129 = tpu.memref_slice %arg12[%dma_wait3A_128] : memref<20000xi32, #tpu.memory_space<vmem>> -> memref<1000xi32, #tpu.memory_space<vmem>>
        %dma_wait3A_130 = arith.constant 0 : i32
        %dma_wait3A_131 = arith.constant 0 : i32
        %dma_wait3A_132 = tpu.memref_slice %arg21[%dma_wait3A_130, %dma_wait3A_131] : memref<10000x16xf32, #tpu.memory_space<vmem_shared>> -> memref<10000x16xf32, #tpu.memory_space<vmem_shared>>
        tpu.wait_indirect_dma semaphore(%arg25 : memref<!tpu.dma_semaphore, #tpu.memory_space<semaphore_mem>>) src(%dma_wait3A_127 : memref<1000x16xf32, #tpu.memory_space<vmem>>) dst(%dma_wait3A_132 : memref<10000x16xf32, #tpu.memory_space<vmem_shared>>)
      } else {
      }
      %mul3A_52 = arith.constant 1000 : i32
      %mul3A_53 = arith.muli %add3A_49, %mul3A_52 : i32
      %dma_start3A_54 = arith.constant 0 : i32
      %dma_start3A_55 = arith.constant 0 : i32
      %dma_start3A_56 = arith.constant 0 : i32
      %dma_start3A_57 = tpu.memref_slice %arg13[%dma_start3A_54, %dma_start3A_55, %dma_start3A_56] : memref<2x1000x16xf32, #tpu.memory_space<vmem>> -> memref<1x1000x16xf32, #tpu.memory_space<vmem>>
      %dma_start3A_58 = tpu.memref_squeeze %dma_start3A_57 : memref<1x1000x16xf32, #tpu.memory_space<vmem>> -> memref<1000x16xf32, #tpu.memory_space<vmem>>
      %dma_start3A_59 = tpu.memref_slice %arg11[%mul3A_53] : memref<20000xi32, #tpu.memory_space<vmem>> -> memref<1000xi32, #tpu.memory_space<vmem>>
      %dma_start3A_60 = arith.constant 0 : i32
      %dma_start3A_61 = arith.constant 0 : i32
      %dma_start3A_62 = tpu.memref_slice %arg20[%dma_start3A_60, %dma_start3A_61] : memref<10000x16xf32, #tpu.memory_space<vmem_shared>> -> memref<10000x16xf32, #tpu.memory_space<vmem_shared>>
      tpu.enqueue_indirect_dma source(%dma_start3A_62 : memref<10000x16xf32, #tpu.memory_space<vmem_shared>>) target(%dma_start3A_58 : memref<1000x16xf32, #tpu.memory_space<vmem>>) offsets(%dma_start3A_59 : memref<1000xi32, #tpu.memory_space<vmem>>) semaphore(%arg23 : memref<!tpu.dma_semaphore, #tpu.memory_space<semaphore_mem>>)
      %dma_wait3A_63 = arith.constant 0 : i32
      %dma_wait3A_64 = arith.constant 0 : i32
      %dma_wait3A_65 = arith.constant 0 : i32
      %dma_wait3A_66 = tpu.memref_slice %arg13[%dma_wait3A_63, %dma_wait3A_64, %dma_wait3A_65] : memref<2x1000x16xf32, #tpu.memory_space<vmem>> -> memref<1x1000x16xf32, #tpu.memory_space<vmem>>
      %dma_wait3A_67 = tpu.memref_squeeze %dma_wait3A_66 : memref<1x1000x16xf32, #tpu.memory_space<vmem>> -> memref<1000x16xf32, #tpu.memory_space<vmem>>
      %dma_wait3A_68 = tpu.memref_slice %arg11[%mul3A_53] : memref<20000xi32, #tpu.memory_space<vmem>> -> memref<1000xi32, #tpu.memory_space<vmem>>
      %dma_wait3A_69 = arith.constant 0 : i32
      %dma_wait3A_70 = arith.constant 0 : i32
      %dma_wait3A_71 = tpu.memref_slice %arg20[%dma_wait3A_69, %dma_wait3A_70] : memref<10000x16xf32, #tpu.memory_space<vmem_shared>> -> memref<10000x16xf32, #tpu.memory_space<vmem_shared>>
      tpu.wait_indirect_dma semaphore(%arg23 : memref<!tpu.dma_semaphore, #tpu.memory_space<semaphore_mem>>) src(%dma_wait3A_71 : memref<10000x16xf32, #tpu.memory_space<vmem_shared>>) dst(%dma_wait3A_67 : memref<1000x16xf32, #tpu.memory_space<vmem>>)
      %mul3A_72 = arith.constant 1000 : i32
      %mul3A_73 = arith.muli %add3A_49, %mul3A_72 : i32
      %dma_start3A_74 = arith.constant 0 : i32
      %dma_start3A_75 = arith.constant 0 : i32
      %dma_start3A_76 = arith.constant 0 : i32
      %dma_start3A_77 = tpu.memref_slice %arg13[%dma_start3A_74, %dma_start3A_75, %dma_start3A_76] : memref<2x1000x16xf32, #tpu.memory_space<vmem>> -> memref<1x1000x16xf32, #tpu.memory_space<vmem>>
      %dma_start3A_78 = tpu.memref_squeeze %dma_start3A_77 : memref<1x1000x16xf32, #tpu.memory_space<vmem>> -> memref<1000x16xf32, #tpu.memory_space<vmem>>
      %dma_start3A_79 = tpu.memref_slice %arg12[%mul3A_73] : memref<20000xi32, #tpu.memory_space<vmem>> -> memref<1000xi32, #tpu.memory_space<vmem>>
      %dma_start3A_80 = arith.constant 0 : i32
      %dma_start3A_81 = arith.constant 0 : i32
      %dma_start3A_82 = tpu.memref_slice %arg21[%dma_start3A_80, %dma_start3A_81] : memref<10000x16xf32, #tpu.memory_space<vmem_shared>> -> memref<10000x16xf32, #tpu.memory_space<vmem_shared>>
      tpu.enqueue_indirect_dma source(%dma_start3A_78 : memref<1000x16xf32, #tpu.memory_space<vmem>>) target(%dma_start3A_82 : memref<10000x16xf32, #tpu.memory_space<vmem_shared>>) offsets(%dma_start3A_79 : memref<1000xi32, #tpu.memory_space<vmem>>) semaphore(%arg25 : memref<!tpu.dma_semaphore, #tpu.memory_space<semaphore_mem>>) {add = true}
      %mul3A_83 = arith.constant 2 : i32
      %mul3A_84 = arith.muli %scan3A_45, %mul3A_83 : i32
      %add3A_85 = arith.constant 1 : i32
      %add3A_86 = arith.addi %mul3A_84, %add3A_85 : i32
      %ge3A_87 = arith.constant 2 : i32
      %ge3A_88 = arith.cmpi sge, %add3A_86, %ge3A_87 : i32
      %convert_element_type3A_89 = arith.extui %ge3A_88 : i1 to i32
      %cond3A_90 = arith.constant 0 : i32
      %cond3A_91 = arith.cmpi ne, %convert_element_type3A_89, %cond3A_90 : i32
      scf.if %cond3A_91 {
        %dma_wait3A_123 = arith.constant 1 : i32
        %dma_wait3A_124 = arith.constant 0 : i32
        %dma_wait3A_125 = arith.constant 0 : i32
        %dma_wait3A_126 = tpu.memref_slice %arg13[%dma_wait3A_123, %dma_wait3A_124, %dma_wait3A_125] : memref<2x1000x16xf32, #tpu.memory_space<vmem>> -> memref<1x1000x16xf32, #tpu.memory_space<vmem>>
        %dma_wait3A_127 = tpu.memref_squeeze %dma_wait3A_126 : memref<1x1000x16xf32, #tpu.memory_space<vmem>> -> memref<1000x16xf32, #tpu.memory_space<vmem>>
        %dma_wait3A_128 = arith.constant 0 : i32
        %dma_wait3A_129 = tpu.memref_slice %arg12[%dma_wait3A_128] : memref<20000xi32, #tpu.memory_space<vmem>> -> memref<1000xi32, #tpu.memory_space<vmem>>
        %dma_wait3A_130 = arith.constant 0 : i32
        %dma_wait3A_131 = arith.constant 0 : i32
        %dma_wait3A_132 = tpu.memref_slice %arg21[%dma_wait3A_130, %dma_wait3A_131] : memref<10000x16xf32, #tpu.memory_space<vmem_shared>> -> memref<10000x16xf32, #tpu.memory_space<vmem_shared>>
        tpu.wait_indirect_dma semaphore(%arg26 : memref<!tpu.dma_semaphore, #tpu.memory_space<semaphore_mem>>) src(%dma_wait3A_127 : memref<1000x16xf32, #tpu.memory_space<vmem>>) dst(%dma_wait3A_132 : memref<10000x16xf32, #tpu.memory_space<vmem_shared>>)
      } else {
      }
      %mul3A_92 = arith.constant 1000 : i32
      %mul3A_93 = arith.muli %add3A_86, %mul3A_92 : i32
      %dma_start3A_94 = arith.constant 1 : i32
      %dma_start3A_95 = arith.constant 0 : i32
      %dma_start3A_96 = arith.constant 0 : i32
      %dma_start3A_97 = tpu.memref_slice %arg13[%dma_start3A_94, %dma_start3A_95, %dma_start3A_96] : memref<2x1000x16xf32, #tpu.memory_space<vmem>> -> memref<1x1000x16xf32, #tpu.memory_space<vmem>>
      %dma_start3A_98 = tpu.memref_squeeze %dma_start3A_97 : memref<1x1000x16xf32, #tpu.memory_space<vmem>> -> memref<1000x16xf32, #tpu.memory_space<vmem>>
      %dma_start3A_99 = tpu.memref_slice %arg11[%mul3A_93] : memref<20000xi32, #tpu.memory_space<vmem>> -> memref<1000xi32, #tpu.memory_space<vmem>>
      %dma_start3A_100 = arith.constant 0 : i32
      %dma_start3A_101 = arith.constant 0 : i32
      %dma_start3A_102 = tpu.memref_slice %arg20[%dma_start3A_100, %dma_start3A_101] : memref<10000x16xf32, #tpu.memory_space<vmem_shared>> -> memref<10000x16xf32, #tpu.memory_space<vmem_shared>>
      tpu.enqueue_indirect_dma source(%dma_start3A_102 : memref<10000x16xf32, #tpu.memory_space<vmem_shared>>) target(%dma_start3A_98 : memref<1000x16xf32, #tpu.memory_space<vmem>>) offsets(%dma_start3A_99 : memref<1000xi32, #tpu.memory_space<vmem>>) semaphore(%arg24 : memref<!tpu.dma_semaphore, #tpu.memory_space<semaphore_mem>>)
      %dma_wait3A_103 = arith.constant 1 : i32
      %dma_wait3A_104 = arith.constant 0 : i32
      %dma_wait3A_105 = arith.constant 0 : i32
      %dma_wait3A_106 = tpu.memref_slice %arg13[%dma_wait3A_103, %dma_wait3A_104, %dma_wait3A_105] : memref<2x1000x16xf32, #tpu.memory_space<vmem>> -> memref<1x1000x16xf32, #tpu.memory_space<vmem>>
      %dma_wait3A_107 = tpu.memref_squeeze %dma_wait3A_106 : memref<1x1000x16xf32, #tpu.memory_space<vmem>> -> memref<1000x16xf32, #tpu.memory_space<vmem>>
      %dma_wait3A_108 = tpu.memref_slice %arg11[%mul3A_93] : memref<20000xi32, #tpu.memory_space<vmem>> -> memref<1000xi32, #tpu.memory_space<vmem>>
      %dma_wait3A_109 = arith.constant 0 : i32
      %dma_wait3A_110 = arith.constant 0 : i32
      %dma_wait3A_111 = tpu.memref_slice %arg20[%dma_wait3A_109, %dma_wait3A_110] : memref<10000x16xf32, #tpu.memory_space<vmem_shared>> -> memref<10000x16xf32, #tpu.memory_space<vmem_shared>>
      tpu.wait_indirect_dma semaphore(%arg24 : memref<!tpu.dma_semaphore, #tpu.memory_space<semaphore_mem>>) src(%dma_wait3A_111 : memref<10000x16xf32, #tpu.memory_space<vmem_shared>>) dst(%dma_wait3A_107 : memref<1000x16xf32, #tpu.memory_space<vmem>>)
      %mul3A_112 = arith.constant 1000 : i32
      %mul3A_113 = arith.muli %add3A_86, %mul3A_112 : i32
      %dma_start3A_114 = arith.constant 1 : i32
      %dma_start3A_115 = arith.constant 0 : i32
      %dma_start3A_116 = arith.constant 0 : i32
      %dma_start3A_117 = tpu.memref_slice %arg13[%dma_start3A_114, %dma_start3A_115, %dma_start3A_116] : memref<2x1000x16xf32, #tpu.memory_space<vmem>> -> memref<1x1000x16xf32, #tpu.memory_space<vmem>>
      %dma_start3A_118 = tpu.memref_squeeze %dma_start3A_117 : memref<1x1000x16xf32, #tpu.memory_space<vmem>> -> memref<1000x16xf32, #tpu.memory_space<vmem>>
      %dma_start3A_119 = tpu.memref_slice %arg12[%mul3A_113] : memref<20000xi32, #tpu.memory_space<vmem>> -> memref<1000xi32, #tpu.memory_space<vmem>>
      %dma_start3A_120 = arith.constant 0 : i32
      %dma_start3A_121 = arith.constant 0 : i32
      %dma_start3A_122 = tpu.memref_slice %arg21[%dma_start3A_120, %dma_start3A_121] : memref<10000x16xf32, #tpu.memory_space<vmem_shared>> -> memref<10000x16xf32, #tpu.memory_space<vmem_shared>>
      tpu.enqueue_indirect_dma source(%dma_start3A_118 : memref<1000x16xf32, #tpu.memory_space<vmem>>) target(%dma_start3A_122 : memref<10000x16xf32, #tpu.memory_space<vmem_shared>>) offsets(%dma_start3A_119 : memref<1000xi32, #tpu.memory_space<vmem>>) semaphore(%arg26 : memref<!tpu.dma_semaphore, #tpu.memory_space<semaphore_mem>>) {add = true}
    }
    %scan3A_23 = arith.constant 10 : i32
    %dma_wait3A_24 = arith.constant 0 : i32
    %dma_wait3A_25 = arith.constant 0 : i32
    %dma_wait3A_26 = arith.constant 0 : i32
    %dma_wait3A_27 = tpu.memref_slice %arg13[%dma_wait3A_24, %dma_wait3A_25, %dma_wait3A_26] : memref<2x1000x16xf32, #tpu.memory_space<vmem>> -> memref<1x1000x16xf32, #tpu.memory_space<vmem>>
    %dma_wait3A_28 = tpu.memref_squeeze %dma_wait3A_27 : memref<1x1000x16xf32, #tpu.memory_space<vmem>> -> memref<1000x16xf32, #tpu.memory_space<vmem>>
    %dma_wait3A_29 = arith.constant 0 : i32
    %dma_wait3A_30 = tpu.memref_slice %arg12[%dma_wait3A_29] : memref<20000xi32, #tpu.memory_space<vmem>> -> memref<1000xi32, #tpu.memory_space<vmem>>
    %dma_wait3A_31 = arith.constant 0 : i32
    %dma_wait3A_32 = arith.constant 0 : i32
    %dma_wait3A_33 = tpu.memref_slice %arg21[%dma_wait3A_31, %dma_wait3A_32] : memref<10000x16xf32, #tpu.memory_space<vmem_shared>> -> memref<10000x16xf32, #tpu.memory_space<vmem_shared>>
    tpu.wait_indirect_dma semaphore(%arg25 : memref<!tpu.dma_semaphore, #tpu.memory_space<semaphore_mem>>) src(%dma_wait3A_28 : memref<1000x16xf32, #tpu.memory_space<vmem>>) dst(%dma_wait3A_33 : memref<10000x16xf32, #tpu.memory_space<vmem_shared>>)
    %dma_wait3A_34 = arith.constant 1 : i32
    %dma_wait3A_35 = arith.constant 0 : i32
    %dma_wait3A_36 = arith.constant 0 : i32
    %dma_wait3A_37 = tpu.memref_slice %arg13[%dma_wait3A_34, %dma_wait3A_35, %dma_wait3A_36] : memref<2x1000x16xf32, #tpu.memory_space<vmem>> -> memref<1x1000x16xf32, #tpu.memory_space<vmem>>
    %dma_wait3A_38 = tpu.memref_squeeze %dma_wait3A_37 : memref<1x1000x16xf32, #tpu.memory_space<vmem>> -> memref<1000x16xf32, #tpu.memory_space<vmem>>
    %dma_wait3A_39 = arith.constant 0 : i32
    %dma_wait3A_40 = tpu.memref_slice %arg12[%dma_wait3A_39] : memref<20000xi32, #tpu.memory_space<vmem>> -> memref<1000xi32, #tpu.memory_space<vmem>>
    %dma_wait3A_41 = arith.constant 0 : i32
    %dma_wait3A_42 = arith.constant 0 : i32
    %dma_wait3A_43 = tpu.memref_slice %arg21[%dma_wait3A_41, %dma_wait3A_42] : memref<10000x16xf32, #tpu.memory_space<vmem_shared>> -> memref<10000x16xf32, #tpu.memory_space<vmem_shared>>
    tpu.wait_indirect_dma semaphore(%arg26 : memref<!tpu.dma_semaphore, #tpu.memory_space<semaphore_mem>>) src(%dma_wait3A_38 : memref<1000x16xf32, #tpu.memory_space<vmem>>) dst(%dma_wait3A_43 : memref<10000x16xf32, #tpu.memory_space<vmem_shared>>)
    %barrier3A_44 = arith.constant 0 : index
    tpu.barrier barrier_id(%barrier3A_44)
    "tpu.region"() ({
      %run_scoped3A = tpu.sem_alloc : memref<!tpu.dma_semaphore, #tpu.memory_space<semaphore_mem>>
      %dma_start3A_45 = arith.constant 0 : i32
      %dma_start3A_46 = tpu.memref_slice %arg9[%arg0, %mul3A_9, %dma_start3A_45] : memref<2x10000x16xf32, #tpu.memory_space<hbm>> -> memref<1x625x16xf32, #tpu.memory_space<hbm>>
      %dma_start3A_47 = tpu.memref_squeeze %dma_start3A_46 : memref<1x625x16xf32, #tpu.memory_space<hbm>> -> memref<625x16xf32, #tpu.memory_space<hbm>>
      %dma_start3A_48 = arith.constant 0 : i32
      %dma_start3A_49 = tpu.memref_slice %arg21[%mul3A_9, %dma_start3A_48] : memref<10000x16xf32, #tpu.memory_space<vmem_shared>> -> memref<625x16xf32, #tpu.memory_space<vmem_shared>>
      tpu.enqueue_dma source(%dma_start3A_49 : memref<625x16xf32, #tpu.memory_space<vmem_shared>>) target(%dma_start3A_47 : memref<625x16xf32, #tpu.memory_space<hbm>>) target_semaphore(%run_scoped3A : memref<!tpu.dma_semaphore, #tpu.memory_space<semaphore_mem>>)
      %dma_wait3A_50 = arith.constant 0 : i32
      %dma_wait3A_51 = tpu.memref_slice %arg9[%arg0, %mul3A_9, %dma_wait3A_50] : memref<2x10000x16xf32, #tpu.memory_space<hbm>> -> memref<1x625x16xf32, #tpu.memory_space<hbm>>
      %dma_wait3A_52 = tpu.memref_squeeze %dma_wait3A_51 : memref<1x625x16xf32, #tpu.memory_space<hbm>> -> memref<625x16xf32, #tpu.memory_space<hbm>>
      %dma_wait3A_53 = arith.constant 0 : i32
      %dma_wait3A_54 = tpu.memref_slice %arg21[%mul3A_9, %dma_wait3A_53] : memref<10000x16xf32, #tpu.memory_space<vmem_shared>> -> memref<625x16xf32, #tpu.memory_space<vmem_shared>>
      tpu.wait_dma2 semaphore(%run_scoped3A : memref<!tpu.dma_semaphore, #tpu.memory_space<semaphore_mem>>) src(%dma_wait3A_54 : memref<625x16xf32, #tpu.memory_space<vmem_shared>>) dst(%dma_wait3A_52 : memref<625x16xf32, #tpu.memory_space<hbm>>)
      tpu.yield
    }) : () -> ()
    return
  }
}

#map = affine_map<(d0, d1) -> (0, 0)>
#map1 = affine_map<(d0, d1) -> (0, 0, 0)>
module attributes {stable_mosaic.version = 14 : i64} {
  func.func @_deg_kernel(%arg0: i32, %arg1: i32, %arg2: memref<6400x100xi32, #tpu.memory_space<hbm>>, %arg3: memref<10000x16xf32, #tpu.memory_space<hbm>>, %arg4: memref<100x16xf32, #tpu.memory_space<hbm>>, %arg5: memref<2x10000x16xf32, #tpu.memory_space<hbm>>, %arg6: memref<200x100xi32, #tpu.memory_space<vmem>>, %arg7: memref<100x16xf32, #tpu.memory_space<vmem>>, %arg8: memref<10000x16xf32, #tpu.memory_space<vmem_shared>>, %arg9: memref<!tpu.dma_semaphore, #tpu.memory_space<semaphore_mem>>, %arg10: memref<!tpu.dma_semaphore, #tpu.memory_space<semaphore_mem>>, %arg11: memref<!tpu.dma_semaphore, #tpu.memory_space<semaphore_mem>>) attributes {dimension_semantics = [#tpu.dimension_semantics<core_parallel>, #tpu.dimension_semantics<subcore_parallel>], iteration_bounds = array<i64: 2, 16>, scalar_prefetch = 0 : i64, scratch_operands = 6 : i64, tpu.core_type = #tpu.core_type<sc_vector_subcore>, window_params = [{transform_indices = #map}, {transform_indices = #map}, {transform_indices = #map}, {transform_indices = #map1}]} {
    %mul3A = arith.constant 2 : i32
    %mul3A_0 = arith.muli %arg1, %mul3A : i32
    %add3A = arith.addi %mul3A_0, %arg0 : i32
    %mul3A_1 = arith.constant 200 : i32
    %mul3A_2 = arith.muli %add3A, %mul3A_1 : i32
    %dma_start3A = arith.constant 0 : i32
    %dma_start3A_3 = tpu.memref_slice %arg2[%mul3A_2, %dma_start3A] : memref<6400x100xi32, #tpu.memory_space<hbm>> -> memref<200x100xi32, #tpu.memory_space<hbm>>
    %dma_start3A_4 = arith.constant 0 : i32
    %dma_start3A_5 = tpu.memref_slice %arg2[%mul3A_2, %dma_start3A_4] : memref<6400x100xi32, #tpu.memory_space<hbm>> -> memref<200x100xi32, #tpu.memory_space<hbm>>
    tpu.enqueue_dma source(%dma_start3A_5 : memref<200x100xi32, #tpu.memory_space<hbm>>) target(%arg6 : memref<200x100xi32, #tpu.memory_space<vmem>>) target_semaphore(%arg9 : memref<!tpu.dma_semaphore, #tpu.memory_space<semaphore_mem>>)
    "tpu.region"() ({
      %run_scoped3A = tpu.sem_alloc : memref<!tpu.dma_semaphore, #tpu.memory_space<semaphore_mem>>
      tpu.enqueue_dma source(%arg4 : memref<100x16xf32, #tpu.memory_space<hbm>>) target(%arg7 : memref<100x16xf32, #tpu.memory_space<vmem>>) target_semaphore(%run_scoped3A : memref<!tpu.dma_semaphore, #tpu.memory_space<semaphore_mem>>)
      tpu.wait_dma2 semaphore(%run_scoped3A : memref<!tpu.dma_semaphore, #tpu.memory_space<semaphore_mem>>) src(%arg4 : memref<100x16xf32, #tpu.memory_space<hbm>>) dst(%arg7 : memref<100x16xf32, #tpu.memory_space<vmem>>)
      tpu.yield
    }) : () -> ()
    %mul3A_6 = arith.constant 625 : i32
    %mul3A_7 = arith.muli %arg1, %mul3A_6 : i32
    "tpu.region"() ({
      %run_scoped3A = tpu.sem_alloc : memref<!tpu.dma_semaphore, #tpu.memory_space<semaphore_mem>>
      %dma_start3A_157 = arith.constant 0 : i32
      %dma_start3A_158 = tpu.memref_slice %arg8[%mul3A_7, %dma_start3A_157] : memref<10000x16xf32, #tpu.memory_space<vmem_shared>> -> memref<625x16xf32, #tpu.memory_space<vmem_shared>>
      %dma_start3A_159 = arith.constant 0 : i32
      %dma_start3A_160 = tpu.memref_slice %arg3[%mul3A_7, %dma_start3A_159] : memref<10000x16xf32, #tpu.memory_space<hbm>> -> memref<625x16xf32, #tpu.memory_space<hbm>>
      tpu.enqueue_dma source(%dma_start3A_160 : memref<625x16xf32, #tpu.memory_space<hbm>>) target(%dma_start3A_158 : memref<625x16xf32, #tpu.memory_space<vmem_shared>>) target_semaphore(%run_scoped3A : memref<!tpu.dma_semaphore, #tpu.memory_space<semaphore_mem>>)
      %dma_wait3A_161 = arith.constant 0 : i32
      %dma_wait3A_162 = tpu.memref_slice %arg8[%mul3A_7, %dma_wait3A_161] : memref<10000x16xf32, #tpu.memory_space<vmem_shared>> -> memref<625x16xf32, #tpu.memory_space<vmem_shared>>
      %dma_wait3A_163 = arith.constant 0 : i32
      %dma_wait3A_164 = tpu.memref_slice %arg3[%mul3A_7, %dma_wait3A_163] : memref<10000x16xf32, #tpu.memory_space<hbm>> -> memref<625x16xf32, #tpu.memory_space<hbm>>
      tpu.wait_dma2 semaphore(%run_scoped3A : memref<!tpu.dma_semaphore, #tpu.memory_space<semaphore_mem>>) src(%dma_wait3A_164 : memref<625x16xf32, #tpu.memory_space<hbm>>) dst(%dma_wait3A_162 : memref<625x16xf32, #tpu.memory_space<vmem_shared>>)
      tpu.yield
    }) : () -> ()
    %barrier3A = arith.constant 0 : index
    tpu.barrier barrier_id(%barrier3A)
    %dma_wait3A = arith.constant 0 : i32
    %dma_wait3A_8 = tpu.memref_slice %arg2[%mul3A_2, %dma_wait3A] : memref<6400x100xi32, #tpu.memory_space<hbm>> -> memref<200x100xi32, #tpu.memory_space<hbm>>
    %dma_wait3A_9 = arith.constant 0 : i32
    %dma_wait3A_10 = tpu.memref_slice %arg2[%mul3A_2, %dma_wait3A_9] : memref<6400x100xi32, #tpu.memory_space<hbm>> -> memref<200x100xi32, #tpu.memory_space<hbm>>
    tpu.wait_dma2 semaphore(%arg9 : memref<!tpu.dma_semaphore, #tpu.memory_space<semaphore_mem>>) src(%dma_wait3A_10 : memref<200x100xi32, #tpu.memory_space<hbm>>) dst(%arg6 : memref<200x100xi32, #tpu.memory_space<vmem>>)
    %scan3A = arith.constant 0 : i32
    %scan3A_11 = arith.constant 0 : i32
    %scan3A_12 = arith.constant 10 : i32
    %scan3A_13 = arith.addi %scan3A_11, %scan3A_12 : i32
    %scan3A_14 = arith.constant 1 : i32
    scf.for %scan3A_157 = %scan3A_11 to %scan3A_13 step %scan3A_14  : i32 {
      %mul3A_158 = arith.constant 2 : i32
      %mul3A_159 = arith.muli %scan3A_157, %mul3A_158 : i32
      %add3A_160 = arith.constant 0 : i32
      %add3A_161 = arith.addi %mul3A_159, %add3A_160 : i32
      %ge3A = arith.constant 2 : i32
      %ge3A_162 = arith.cmpi sge, %add3A_161, %ge3A : i32
      %convert_element_type3A = arith.extui %ge3A_162 : i1 to i32
      %cond3A = arith.constant 0 : i32
      %cond3A_163 = arith.cmpi ne, %convert_element_type3A, %cond3A : i32
      scf.if %cond3A_163 {
        %dma_wait3A_373 = arith.constant 0 : i32
        %dma_wait3A_374 = arith.constant 0 : i32
        %dma_wait3A_375 = tpu.memref_slice %arg6[%dma_wait3A_373, %dma_wait3A_374] : memref<200x100xi32, #tpu.memory_space<vmem>> -> memref<1x100xi32, #tpu.memory_space<vmem>>
        %dma_wait3A_376 = tpu.memref_squeeze %dma_wait3A_375 : memref<1x100xi32, #tpu.memory_space<vmem>> -> memref<100xi32, #tpu.memory_space<vmem>>
        %dma_wait3A_377 = arith.constant 0 : i32
        %dma_wait3A_378 = arith.constant 0 : i32
        %dma_wait3A_379 = tpu.memref_slice %arg8[%dma_wait3A_377, %dma_wait3A_378] : memref<10000x16xf32, #tpu.memory_space<vmem_shared>> -> memref<10000x16xf32, #tpu.memory_space<vmem_shared>>
        tpu.wait_indirect_dma semaphore(%arg10 : memref<!tpu.dma_semaphore, #tpu.memory_space<semaphore_mem>>) src(%arg7 : memref<100x16xf32, #tpu.memory_space<vmem>>) dst(%dma_wait3A_379 : memref<10000x16xf32, #tpu.memory_space<vmem_shared>>)
        %dma_wait3A_380 = arith.constant 0 : i32
        %dma_wait3A_381 = arith.constant 0 : i32
        %dma_wait3A_382 = tpu.memref_slice %arg6[%dma_wait3A_380, %dma_wait3A_381] : memref<200x100xi32, #tpu.memory_space<vmem>> -> memref<1x100xi32, #tpu.memory_space<vmem>>
        %dma_wait3A_383 = tpu.memref_squeeze %dma_wait3A_382 : memref<1x100xi32, #tpu.memory_space<vmem>> -> memref<100xi32, #tpu.memory_space<vmem>>
        %dma_wait3A_384 = arith.constant 0 : i32
        %dma_wait3A_385 = arith.constant 0 : i32
        %dma_wait3A_386 = tpu.memref_slice %arg8[%dma_wait3A_384, %dma_wait3A_385] : memref<10000x16xf32, #tpu.memory_space<vmem_shared>> -> memref<10000x16xf32, #tpu.memory_space<vmem_shared>>
        tpu.wait_indirect_dma semaphore(%arg10 : memref<!tpu.dma_semaphore, #tpu.memory_space<semaphore_mem>>) src(%arg7 : memref<100x16xf32, #tpu.memory_space<vmem>>) dst(%dma_wait3A_386 : memref<10000x16xf32, #tpu.memory_space<vmem_shared>>)
        %dma_wait3A_387 = arith.constant 0 : i32
        %dma_wait3A_388 = arith.constant 0 : i32
        %dma_wait3A_389 = tpu.memref_slice %arg6[%dma_wait3A_387, %dma_wait3A_388] : memref<200x100xi32, #tpu.memory_space<vmem>> -> memref<1x100xi32, #tpu.memory_space<vmem>>
        %dma_wait3A_390 = tpu.memref_squeeze %dma_wait3A_389 : memref<1x100xi32, #tpu.memory_space<vmem>> -> memref<100xi32, #tpu.memory_space<vmem>>
        %dma_wait3A_391 = arith.constant 0 : i32
        %dma_wait3A_392 = arith.constant 0 : i32
        %dma_wait3A_393 = tpu.memref_slice %arg8[%dma_wait3A_391, %dma_wait3A_392] : memref<10000x16xf32, #tpu.memory_space<vmem_shared>> -> memref<10000x16xf32, #tpu.memory_space<vmem_shared>>
        tpu.wait_indirect_dma semaphore(%arg10 : memref<!tpu.dma_semaphore, #tpu.memory_space<semaphore_mem>>) src(%arg7 : memref<100x16xf32, #tpu.memory_space<vmem>>) dst(%dma_wait3A_393 : memref<10000x16xf32, #tpu.memory_space<vmem_shared>>)
        %dma_wait3A_394 = arith.constant 0 : i32
        %dma_wait3A_395 = arith.constant 0 : i32
        %dma_wait3A_396 = tpu.memref_slice %arg6[%dma_wait3A_394, %dma_wait3A_395] : memref<200x100xi32, #tpu.memory_space<vmem>> -> memref<1x100xi32, #tpu.memory_space<vmem>>
        %dma_wait3A_397 = tpu.memref_squeeze %dma_wait3A_396 : memref<1x100xi32, #tpu.memory_space<vmem>> -> memref<100xi32, #tpu.memory_space<vmem>>
        %dma_wait3A_398 = arith.constant 0 : i32
        %dma_wait3A_399 = arith.constant 0 : i32
        %dma_wait3A_400 = tpu.memref_slice %arg8[%dma_wait3A_398, %dma_wait3A_399] : memref<10000x16xf32, #tpu.memory_space<vmem_shared>> -> memref<10000x16xf32, #tpu.memory_space<vmem_shared>>
        tpu.wait_indirect_dma semaphore(%arg10 : memref<!tpu.dma_semaphore, #tpu.memory_space<semaphore_mem>>) src(%arg7 : memref<100x16xf32, #tpu.memory_space<vmem>>) dst(%dma_wait3A_400 : memref<10000x16xf32, #tpu.memory_space<vmem_shared>>)
        %dma_wait3A_401 = arith.constant 0 : i32
        %dma_wait3A_402 = arith.constant 0 : i32
        %dma_wait3A_403 = tpu.memref_slice %arg6[%dma_wait3A_401, %dma_wait3A_402] : memref<200x100xi32, #tpu.memory_space<vmem>> -> memref<1x100xi32, #tpu.memory_space<vmem>>
        %dma_wait3A_404 = tpu.memref_squeeze %dma_wait3A_403 : memref<1x100xi32, #tpu.memory_space<vmem>> -> memref<100xi32, #tpu.memory_space<vmem>>
        %dma_wait3A_405 = arith.constant 0 : i32
        %dma_wait3A_406 = arith.constant 0 : i32
        %dma_wait3A_407 = tpu.memref_slice %arg8[%dma_wait3A_405, %dma_wait3A_406] : memref<10000x16xf32, #tpu.memory_space<vmem_shared>> -> memref<10000x16xf32, #tpu.memory_space<vmem_shared>>
        tpu.wait_indirect_dma semaphore(%arg10 : memref<!tpu.dma_semaphore, #tpu.memory_space<semaphore_mem>>) src(%arg7 : memref<100x16xf32, #tpu.memory_space<vmem>>) dst(%dma_wait3A_407 : memref<10000x16xf32, #tpu.memory_space<vmem_shared>>)
        %dma_wait3A_408 = arith.constant 0 : i32
        %dma_wait3A_409 = arith.constant 0 : i32
        %dma_wait3A_410 = tpu.memref_slice %arg6[%dma_wait3A_408, %dma_wait3A_409] : memref<200x100xi32, #tpu.memory_space<vmem>> -> memref<1x100xi32, #tpu.memory_space<vmem>>
        %dma_wait3A_411 = tpu.memref_squeeze %dma_wait3A_410 : memref<1x100xi32, #tpu.memory_space<vmem>> -> memref<100xi32, #tpu.memory_space<vmem>>
        %dma_wait3A_412 = arith.constant 0 : i32
        %dma_wait3A_413 = arith.constant 0 : i32
        %dma_wait3A_414 = tpu.memref_slice %arg8[%dma_wait3A_412, %dma_wait3A_413] : memref<10000x16xf32, #tpu.memory_space<vmem_shared>> -> memref<10000x16xf32, #tpu.memory_space<vmem_shared>>
        tpu.wait_indirect_dma semaphore(%arg10 : memref<!tpu.dma_semaphore, #tpu.memory_space<semaphore_mem>>) src(%arg7 : memref<100x16xf32, #tpu.memory_space<vmem>>) dst(%dma_wait3A_414 : memref<10000x16xf32, #tpu.memory_space<vmem_shared>>)
        %dma_wait3A_415 = arith.constant 0 : i32
        %dma_wait3A_416 = arith.constant 0 : i32
        %dma_wait3A_417 = tpu.memref_slice %arg6[%dma_wait3A_415, %dma_wait3A_416] : memref<200x100xi32, #tpu.memory_space<vmem>> -> memref<1x100xi32, #tpu.memory_space<vmem>>
        %dma_wait3A_418 = tpu.memref_squeeze %dma_wait3A_417 : memref<1x100xi32, #tpu.memory_space<vmem>> -> memref<100xi32, #tpu.memory_space<vmem>>
        %dma_wait3A_419 = arith.constant 0 : i32
        %dma_wait3A_420 = arith.constant 0 : i32
        %dma_wait3A_421 = tpu.memref_slice %arg8[%dma_wait3A_419, %dma_wait3A_420] : memref<10000x16xf32, #tpu.memory_space<vmem_shared>> -> memref<10000x16xf32, #tpu.memory_space<vmem_shared>>
        tpu.wait_indirect_dma semaphore(%arg10 : memref<!tpu.dma_semaphore, #tpu.memory_space<semaphore_mem>>) src(%arg7 : memref<100x16xf32, #tpu.memory_space<vmem>>) dst(%dma_wait3A_421 : memref<10000x16xf32, #tpu.memory_space<vmem_shared>>)
        %dma_wait3A_422 = arith.constant 0 : i32
        %dma_wait3A_423 = arith.constant 0 : i32
        %dma_wait3A_424 = tpu.memref_slice %arg6[%dma_wait3A_422, %dma_wait3A_423] : memref<200x100xi32, #tpu.memory_space<vmem>> -> memref<1x100xi32, #tpu.memory_space<vmem>>
        %dma_wait3A_425 = tpu.memref_squeeze %dma_wait3A_424 : memref<1x100xi32, #tpu.memory_space<vmem>> -> memref<100xi32, #tpu.memory_space<vmem>>
        %dma_wait3A_426 = arith.constant 0 : i32
        %dma_wait3A_427 = arith.constant 0 : i32
        %dma_wait3A_428 = tpu.memref_slice %arg8[%dma_wait3A_426, %dma_wait3A_427] : memref<10000x16xf32, #tpu.memory_space<vmem_shared>> -> memref<10000x16xf32, #tpu.memory_space<vmem_shared>>
        tpu.wait_indirect_dma semaphore(%arg10 : memref<!tpu.dma_semaphore, #tpu.memory_space<semaphore_mem>>) src(%arg7 : memref<100x16xf32, #tpu.memory_space<vmem>>) dst(%dma_wait3A_428 : memref<10000x16xf32, #tpu.memory_space<vmem_shared>>)
        %dma_wait3A_429 = arith.constant 0 : i32
        %dma_wait3A_430 = arith.constant 0 : i32
        %dma_wait3A_431 = tpu.memref_slice %arg6[%dma_wait3A_429, %dma_wait3A_430] : memref<200x100xi32, #tpu.memory_space<vmem>> -> memref<1x100xi32, #tpu.memory_space<vmem>>
        %dma_wait3A_432 = tpu.memref_squeeze %dma_wait3A_431 : memref<1x100xi32, #tpu.memory_space<vmem>> -> memref<100xi32, #tpu.memory_space<vmem>>
        %dma_wait3A_433 = arith.constant 0 : i32
        %dma_wait3A_434 = arith.constant 0 : i32
        %dma_wait3A_435 = tpu.memref_slice %arg8[%dma_wait3A_433, %dma_wait3A_434] : memref<10000x16xf32, #tpu.memory_space<vmem_shared>> -> memref<10000x16xf32, #tpu.memory_space<vmem_shared>>
        tpu.wait_indirect_dma semaphore(%arg10 : memref<!tpu.dma_semaphore, #tpu.memory_space<semaphore_mem>>) src(%arg7 : memref<100x16xf32, #tpu.memory_space<vmem>>) dst(%dma_wait3A_435 : memref<10000x16xf32, #tpu.memory_space<vmem_shared>>)
        %dma_wait3A_436 = arith.constant 0 : i32
        %dma_wait3A_437 = arith.constant 0 : i32
        %dma_wait3A_438 = tpu.memref_slice %arg6[%dma_wait3A_436, %dma_wait3A_437] : memref<200x100xi32, #tpu.memory_space<vmem>> -> memref<1x100xi32, #tpu.memory_space<vmem>>
        %dma_wait3A_439 = tpu.memref_squeeze %dma_wait3A_438 : memref<1x100xi32, #tpu.memory_space<vmem>> -> memref<100xi32, #tpu.memory_space<vmem>>
        %dma_wait3A_440 = arith.constant 0 : i32
        %dma_wait3A_441 = arith.constant 0 : i32
        %dma_wait3A_442 = tpu.memref_slice %arg8[%dma_wait3A_440, %dma_wait3A_441] : memref<10000x16xf32, #tpu.memory_space<vmem_shared>> -> memref<10000x16xf32, #tpu.memory_space<vmem_shared>>
        tpu.wait_indirect_dma semaphore(%arg10 : memref<!tpu.dma_semaphore, #tpu.memory_space<semaphore_mem>>) src(%arg7 : memref<100x16xf32, #tpu.memory_space<vmem>>) dst(%dma_wait3A_442 : memref<10000x16xf32, #tpu.memory_space<vmem_shared>>)
      } else {
      }
      %mul3A_164 = arith.constant 10 : i32
      %mul3A_165 = arith.muli %add3A_161, %mul3A_164 : i32
      %add3A_166 = arith.constant 0 : i32
      %add3A_167 = arith.addi %mul3A_165, %add3A_166 : i32
      %dma_start3A_168 = arith.constant 0 : i32
      %dma_start3A_169 = tpu.memref_slice %arg6[%add3A_167, %dma_start3A_168] : memref<200x100xi32, #tpu.memory_space<vmem>> -> memref<1x100xi32, #tpu.memory_space<vmem>>
      %dma_start3A_170 = tpu.memref_squeeze %dma_start3A_169 : memref<1x100xi32, #tpu.memory_space<vmem>> -> memref<100xi32, #tpu.memory_space<vmem>>
      %dma_start3A_171 = arith.constant 0 : i32
      %dma_start3A_172 = arith.constant 0 : i32
      %dma_start3A_173 = tpu.memref_slice %arg8[%dma_start3A_171, %dma_start3A_172] : memref<10000x16xf32, #tpu.memory_space<vmem_shared>> -> memref<10000x16xf32, #tpu.memory_space<vmem_shared>>
      tpu.enqueue_indirect_dma source(%arg7 : memref<100x16xf32, #tpu.memory_space<vmem>>) target(%dma_start3A_173 : memref<10000x16xf32, #tpu.memory_space<vmem_shared>>) offsets(%dma_start3A_170 : memref<100xi32, #tpu.memory_space<vmem>>) semaphore(%arg10 : memref<!tpu.dma_semaphore, #tpu.memory_space<semaphore_mem>>) {add = true}
      %mul3A_174 = arith.constant 10 : i32
      %mul3A_175 = arith.muli %add3A_161, %mul3A_174 : i32
      %add3A_176 = arith.constant 1 : i32
      %add3A_177 = arith.addi %mul3A_175, %add3A_176 : i32
      %dma_start3A_178 = arith.constant 0 : i32
      %dma_start3A_179 = tpu.memref_slice %arg6[%add3A_177, %dma_start3A_178] : memref<200x100xi32, #tpu.memory_space<vmem>> -> memref<1x100xi32, #tpu.memory_space<vmem>>
      %dma_start3A_180 = tpu.memref_squeeze %dma_start3A_179 : memref<1x100xi32, #tpu.memory_space<vmem>> -> memref<100xi32, #tpu.memory_space<vmem>>
      %dma_start3A_181 = arith.constant 0 : i32
      %dma_start3A_182 = arith.constant 0 : i32
      %dma_start3A_183 = tpu.memref_slice %arg8[%dma_start3A_181, %dma_start3A_182] : memref<10000x16xf32, #tpu.memory_space<vmem_shared>> -> memref<10000x16xf32, #tpu.memory_space<vmem_shared>>
      tpu.enqueue_indirect_dma source(%arg7 : memref<100x16xf32, #tpu.memory_space<vmem>>) target(%dma_start3A_183 : memref<10000x16xf32, #tpu.memory_space<vmem_shared>>) offsets(%dma_start3A_180 : memref<100xi32, #tpu.memory_space<vmem>>) semaphore(%arg10 : memref<!tpu.dma_semaphore, #tpu.memory_space<semaphore_mem>>) {add = true}
      %mul3A_184 = arith.constant 10 : i32
      %mul3A_185 = arith.muli %add3A_161, %mul3A_184 : i32
      %add3A_186 = arith.constant 2 : i32
      %add3A_187 = arith.addi %mul3A_185, %add3A_186 : i32
      %dma_start3A_188 = arith.constant 0 : i32
      %dma_start3A_189 = tpu.memref_slice %arg6[%add3A_187, %dma_start3A_188] : memref<200x100xi32, #tpu.memory_space<vmem>> -> memref<1x100xi32, #tpu.memory_space<vmem>>
      %dma_start3A_190 = tpu.memref_squeeze %dma_start3A_189 : memref<1x100xi32, #tpu.memory_space<vmem>> -> memref<100xi32, #tpu.memory_space<vmem>>
      %dma_start3A_191 = arith.constant 0 : i32
      %dma_start3A_192 = arith.constant 0 : i32
      %dma_start3A_193 = tpu.memref_slice %arg8[%dma_start3A_191, %dma_start3A_192] : memref<10000x16xf32, #tpu.memory_space<vmem_shared>> -> memref<10000x16xf32, #tpu.memory_space<vmem_shared>>
      tpu.enqueue_indirect_dma source(%arg7 : memref<100x16xf32, #tpu.memory_space<vmem>>) target(%dma_start3A_193 : memref<10000x16xf32, #tpu.memory_space<vmem_shared>>) offsets(%dma_start3A_190 : memref<100xi32, #tpu.memory_space<vmem>>) semaphore(%arg10 : memref<!tpu.dma_semaphore, #tpu.memory_space<semaphore_mem>>) {add = true}
      %mul3A_194 = arith.constant 10 : i32
      %mul3A_195 = arith.muli %add3A_161, %mul3A_194 : i32
      %add3A_196 = arith.constant 3 : i32
      %add3A_197 = arith.addi %mul3A_195, %add3A_196 : i32
      %dma_start3A_198 = arith.constant 0 : i32
      %dma_start3A_199 = tpu.memref_slice %arg6[%add3A_197, %dma_start3A_198] : memref<200x100xi32, #tpu.memory_space<vmem>> -> memref<1x100xi32, #tpu.memory_space<vmem>>
      %dma_start3A_200 = tpu.memref_squeeze %dma_start3A_199 : memref<1x100xi32, #tpu.memory_space<vmem>> -> memref<100xi32, #tpu.memory_space<vmem>>
      %dma_start3A_201 = arith.constant 0 : i32
      %dma_start3A_202 = arith.constant 0 : i32
      %dma_start3A_203 = tpu.memref_slice %arg8[%dma_start3A_201, %dma_start3A_202] : memref<10000x16xf32, #tpu.memory_space<vmem_shared>> -> memref<10000x16xf32, #tpu.memory_space<vmem_shared>>
      tpu.enqueue_indirect_dma source(%arg7 : memref<100x16xf32, #tpu.memory_space<vmem>>) target(%dma_start3A_203 : memref<10000x16xf32, #tpu.memory_space<vmem_shared>>) offsets(%dma_start3A_200 : memref<100xi32, #tpu.memory_space<vmem>>) semaphore(%arg10 : memref<!tpu.dma_semaphore, #tpu.memory_space<semaphore_mem>>) {add = true}
      %mul3A_204 = arith.constant 10 : i32
      %mul3A_205 = arith.muli %add3A_161, %mul3A_204 : i32
      %add3A_206 = arith.constant 4 : i32
      %add3A_207 = arith.addi %mul3A_205, %add3A_206 : i32
      %dma_start3A_208 = arith.constant 0 : i32
      %dma_start3A_209 = tpu.memref_slice %arg6[%add3A_207, %dma_start3A_208] : memref<200x100xi32, #tpu.memory_space<vmem>> -> memref<1x100xi32, #tpu.memory_space<vmem>>
      %dma_start3A_210 = tpu.memref_squeeze %dma_start3A_209 : memref<1x100xi32, #tpu.memory_space<vmem>> -> memref<100xi32, #tpu.memory_space<vmem>>
      %dma_start3A_211 = arith.constant 0 : i32
      %dma_start3A_212 = arith.constant 0 : i32
      %dma_start3A_213 = tpu.memref_slice %arg8[%dma_start3A_211, %dma_start3A_212] : memref<10000x16xf32, #tpu.memory_space<vmem_shared>> -> memref<10000x16xf32, #tpu.memory_space<vmem_shared>>
      tpu.enqueue_indirect_dma source(%arg7 : memref<100x16xf32, #tpu.memory_space<vmem>>) target(%dma_start3A_213 : memref<10000x16xf32, #tpu.memory_space<vmem_shared>>) offsets(%dma_start3A_210 : memref<100xi32, #tpu.memory_space<vmem>>) semaphore(%arg10 : memref<!tpu.dma_semaphore, #tpu.memory_space<semaphore_mem>>) {add = true}
      %mul3A_214 = arith.constant 10 : i32
      %mul3A_215 = arith.muli %add3A_161, %mul3A_214 : i32
      %add3A_216 = arith.constant 5 : i32
      %add3A_217 = arith.addi %mul3A_215, %add3A_216 : i32
      %dma_start3A_218 = arith.constant 0 : i32
      %dma_start3A_219 = tpu.memref_slice %arg6[%add3A_217, %dma_start3A_218] : memref<200x100xi32, #tpu.memory_space<vmem>> -> memref<1x100xi32, #tpu.memory_space<vmem>>
      %dma_start3A_220 = tpu.memref_squeeze %dma_start3A_219 : memref<1x100xi32, #tpu.memory_space<vmem>> -> memref<100xi32, #tpu.memory_space<vmem>>
      %dma_start3A_221 = arith.constant 0 : i32
      %dma_start3A_222 = arith.constant 0 : i32
      %dma_start3A_223 = tpu.memref_slice %arg8[%dma_start3A_221, %dma_start3A_222] : memref<10000x16xf32, #tpu.memory_space<vmem_shared>> -> memref<10000x16xf32, #tpu.memory_space<vmem_shared>>
      tpu.enqueue_indirect_dma source(%arg7 : memref<100x16xf32, #tpu.memory_space<vmem>>) target(%dma_start3A_223 : memref<10000x16xf32, #tpu.memory_space<vmem_shared>>) offsets(%dma_start3A_220 : memref<100xi32, #tpu.memory_space<vmem>>) semaphore(%arg10 : memref<!tpu.dma_semaphore, #tpu.memory_space<semaphore_mem>>) {add = true}
      %mul3A_224 = arith.constant 10 : i32
      %mul3A_225 = arith.muli %add3A_161, %mul3A_224 : i32
      %add3A_226 = arith.constant 6 : i32
      %add3A_227 = arith.addi %mul3A_225, %add3A_226 : i32
      %dma_start3A_228 = arith.constant 0 : i32
      %dma_start3A_229 = tpu.memref_slice %arg6[%add3A_227, %dma_start3A_228] : memref<200x100xi32, #tpu.memory_space<vmem>> -> memref<1x100xi32, #tpu.memory_space<vmem>>
      %dma_start3A_230 = tpu.memref_squeeze %dma_start3A_229 : memref<1x100xi32, #tpu.memory_space<vmem>> -> memref<100xi32, #tpu.memory_space<vmem>>
      %dma_start3A_231 = arith.constant 0 : i32
      %dma_start3A_232 = arith.constant 0 : i32
      %dma_start3A_233 = tpu.memref_slice %arg8[%dma_start3A_231, %dma_start3A_232] : memref<10000x16xf32, #tpu.memory_space<vmem_shared>> -> memref<10000x16xf32, #tpu.memory_space<vmem_shared>>
      tpu.enqueue_indirect_dma source(%arg7 : memref<100x16xf32, #tpu.memory_space<vmem>>) target(%dma_start3A_233 : memref<10000x16xf32, #tpu.memory_space<vmem_shared>>) offsets(%dma_start3A_230 : memref<100xi32, #tpu.memory_space<vmem>>) semaphore(%arg10 : memref<!tpu.dma_semaphore, #tpu.memory_space<semaphore_mem>>) {add = true}
      %mul3A_234 = arith.constant 10 : i32
      %mul3A_235 = arith.muli %add3A_161, %mul3A_234 : i32
      %add3A_236 = arith.constant 7 : i32
      %add3A_237 = arith.addi %mul3A_235, %add3A_236 : i32
      %dma_start3A_238 = arith.constant 0 : i32
      %dma_start3A_239 = tpu.memref_slice %arg6[%add3A_237, %dma_start3A_238] : memref<200x100xi32, #tpu.memory_space<vmem>> -> memref<1x100xi32, #tpu.memory_space<vmem>>
      %dma_start3A_240 = tpu.memref_squeeze %dma_start3A_239 : memref<1x100xi32, #tpu.memory_space<vmem>> -> memref<100xi32, #tpu.memory_space<vmem>>
      %dma_start3A_241 = arith.constant 0 : i32
      %dma_start3A_242 = arith.constant 0 : i32
      %dma_start3A_243 = tpu.memref_slice %arg8[%dma_start3A_241, %dma_start3A_242] : memref<10000x16xf32, #tpu.memory_space<vmem_shared>> -> memref<10000x16xf32, #tpu.memory_space<vmem_shared>>
      tpu.enqueue_indirect_dma source(%arg7 : memref<100x16xf32, #tpu.memory_space<vmem>>) target(%dma_start3A_243 : memref<10000x16xf32, #tpu.memory_space<vmem_shared>>) offsets(%dma_start3A_240 : memref<100xi32, #tpu.memory_space<vmem>>) semaphore(%arg10 : memref<!tpu.dma_semaphore, #tpu.memory_space<semaphore_mem>>) {add = true}
      %mul3A_244 = arith.constant 10 : i32
      %mul3A_245 = arith.muli %add3A_161, %mul3A_244 : i32
      %add3A_246 = arith.constant 8 : i32
      %add3A_247 = arith.addi %mul3A_245, %add3A_246 : i32
      %dma_start3A_248 = arith.constant 0 : i32
      %dma_start3A_249 = tpu.memref_slice %arg6[%add3A_247, %dma_start3A_248] : memref<200x100xi32, #tpu.memory_space<vmem>> -> memref<1x100xi32, #tpu.memory_space<vmem>>
      %dma_start3A_250 = tpu.memref_squeeze %dma_start3A_249 : memref<1x100xi32, #tpu.memory_space<vmem>> -> memref<100xi32, #tpu.memory_space<vmem>>
      %dma_start3A_251 = arith.constant 0 : i32
      %dma_start3A_252 = arith.constant 0 : i32
      %dma_start3A_253 = tpu.memref_slice %arg8[%dma_start3A_251, %dma_start3A_252] : memref<10000x16xf32, #tpu.memory_space<vmem_shared>> -> memref<10000x16xf32, #tpu.memory_space<vmem_shared>>
      tpu.enqueue_indirect_dma source(%arg7 : memref<100x16xf32, #tpu.memory_space<vmem>>) target(%dma_start3A_253 : memref<10000x16xf32, #tpu.memory_space<vmem_shared>>) offsets(%dma_start3A_250 : memref<100xi32, #tpu.memory_space<vmem>>) semaphore(%arg10 : memref<!tpu.dma_semaphore, #tpu.memory_space<semaphore_mem>>) {add = true}
      %mul3A_254 = arith.constant 10 : i32
      %mul3A_255 = arith.muli %add3A_161, %mul3A_254 : i32
      %add3A_256 = arith.constant 9 : i32
      %add3A_257 = arith.addi %mul3A_255, %add3A_256 : i32
      %dma_start3A_258 = arith.constant 0 : i32
      %dma_start3A_259 = tpu.memref_slice %arg6[%add3A_257, %dma_start3A_258] : memref<200x100xi32, #tpu.memory_space<vmem>> -> memref<1x100xi32, #tpu.memory_space<vmem>>
      %dma_start3A_260 = tpu.memref_squeeze %dma_start3A_259 : memref<1x100xi32, #tpu.memory_space<vmem>> -> memref<100xi32, #tpu.memory_space<vmem>>
      %dma_start3A_261 = arith.constant 0 : i32
      %dma_start3A_262 = arith.constant 0 : i32
      %dma_start3A_263 = tpu.memref_slice %arg8[%dma_start3A_261, %dma_start3A_262] : memref<10000x16xf32, #tpu.memory_space<vmem_shared>> -> memref<10000x16xf32, #tpu.memory_space<vmem_shared>>
      tpu.enqueue_indirect_dma source(%arg7 : memref<100x16xf32, #tpu.memory_space<vmem>>) target(%dma_start3A_263 : memref<10000x16xf32, #tpu.memory_space<vmem_shared>>) offsets(%dma_start3A_260 : memref<100xi32, #tpu.memory_space<vmem>>) semaphore(%arg10 : memref<!tpu.dma_semaphore, #tpu.memory_space<semaphore_mem>>) {add = true}
      %mul3A_264 = arith.constant 2 : i32
      %mul3A_265 = arith.muli %scan3A_157, %mul3A_264 : i32
      %add3A_266 = arith.constant 1 : i32
      %add3A_267 = arith.addi %mul3A_265, %add3A_266 : i32
      %ge3A_268 = arith.constant 2 : i32
      %ge3A_269 = arith.cmpi sge, %add3A_267, %ge3A_268 : i32
      %convert_element_type3A_270 = arith.extui %ge3A_269 : i1 to i32
      %cond3A_271 = arith.constant 0 : i32
      %cond3A_272 = arith.cmpi ne, %convert_element_type3A_270, %cond3A_271 : i32
      scf.if %cond3A_272 {
        %dma_wait3A_373 = arith.constant 0 : i32
        %dma_wait3A_374 = arith.constant 0 : i32
        %dma_wait3A_375 = tpu.memref_slice %arg6[%dma_wait3A_373, %dma_wait3A_374] : memref<200x100xi32, #tpu.memory_space<vmem>> -> memref<1x100xi32, #tpu.memory_space<vmem>>
        %dma_wait3A_376 = tpu.memref_squeeze %dma_wait3A_375 : memref<1x100xi32, #tpu.memory_space<vmem>> -> memref<100xi32, #tpu.memory_space<vmem>>
        %dma_wait3A_377 = arith.constant 0 : i32
        %dma_wait3A_378 = arith.constant 0 : i32
        %dma_wait3A_379 = tpu.memref_slice %arg8[%dma_wait3A_377, %dma_wait3A_378] : memref<10000x16xf32, #tpu.memory_space<vmem_shared>> -> memref<10000x16xf32, #tpu.memory_space<vmem_shared>>
        tpu.wait_indirect_dma semaphore(%arg11 : memref<!tpu.dma_semaphore, #tpu.memory_space<semaphore_mem>>) src(%arg7 : memref<100x16xf32, #tpu.memory_space<vmem>>) dst(%dma_wait3A_379 : memref<10000x16xf32, #tpu.memory_space<vmem_shared>>)
        %dma_wait3A_380 = arith.constant 0 : i32
        %dma_wait3A_381 = arith.constant 0 : i32
        %dma_wait3A_382 = tpu.memref_slice %arg6[%dma_wait3A_380, %dma_wait3A_381] : memref<200x100xi32, #tpu.memory_space<vmem>> -> memref<1x100xi32, #tpu.memory_space<vmem>>
        %dma_wait3A_383 = tpu.memref_squeeze %dma_wait3A_382 : memref<1x100xi32, #tpu.memory_space<vmem>> -> memref<100xi32, #tpu.memory_space<vmem>>
        %dma_wait3A_384 = arith.constant 0 : i32
        %dma_wait3A_385 = arith.constant 0 : i32
        %dma_wait3A_386 = tpu.memref_slice %arg8[%dma_wait3A_384, %dma_wait3A_385] : memref<10000x16xf32, #tpu.memory_space<vmem_shared>> -> memref<10000x16xf32, #tpu.memory_space<vmem_shared>>
        tpu.wait_indirect_dma semaphore(%arg11 : memref<!tpu.dma_semaphore, #tpu.memory_space<semaphore_mem>>) src(%arg7 : memref<100x16xf32, #tpu.memory_space<vmem>>) dst(%dma_wait3A_386 : memref<10000x16xf32, #tpu.memory_space<vmem_shared>>)
        %dma_wait3A_387 = arith.constant 0 : i32
        %dma_wait3A_388 = arith.constant 0 : i32
        %dma_wait3A_389 = tpu.memref_slice %arg6[%dma_wait3A_387, %dma_wait3A_388] : memref<200x100xi32, #tpu.memory_space<vmem>> -> memref<1x100xi32, #tpu.memory_space<vmem>>
        %dma_wait3A_390 = tpu.memref_squeeze %dma_wait3A_389 : memref<1x100xi32, #tpu.memory_space<vmem>> -> memref<100xi32, #tpu.memory_space<vmem>>
        %dma_wait3A_391 = arith.constant 0 : i32
        %dma_wait3A_392 = arith.constant 0 : i32
        %dma_wait3A_393 = tpu.memref_slice %arg8[%dma_wait3A_391, %dma_wait3A_392] : memref<10000x16xf32, #tpu.memory_space<vmem_shared>> -> memref<10000x16xf32, #tpu.memory_space<vmem_shared>>
        tpu.wait_indirect_dma semaphore(%arg11 : memref<!tpu.dma_semaphore, #tpu.memory_space<semaphore_mem>>) src(%arg7 : memref<100x16xf32, #tpu.memory_space<vmem>>) dst(%dma_wait3A_393 : memref<10000x16xf32, #tpu.memory_space<vmem_shared>>)
        %dma_wait3A_394 = arith.constant 0 : i32
        %dma_wait3A_395 = arith.constant 0 : i32
        %dma_wait3A_396 = tpu.memref_slice %arg6[%dma_wait3A_394, %dma_wait3A_395] : memref<200x100xi32, #tpu.memory_space<vmem>> -> memref<1x100xi32, #tpu.memory_space<vmem>>
        %dma_wait3A_397 = tpu.memref_squeeze %dma_wait3A_396 : memref<1x100xi32, #tpu.memory_space<vmem>> -> memref<100xi32, #tpu.memory_space<vmem>>
        %dma_wait3A_398 = arith.constant 0 : i32
        %dma_wait3A_399 = arith.constant 0 : i32
        %dma_wait3A_400 = tpu.memref_slice %arg8[%dma_wait3A_398, %dma_wait3A_399] : memref<10000x16xf32, #tpu.memory_space<vmem_shared>> -> memref<10000x16xf32, #tpu.memory_space<vmem_shared>>
        tpu.wait_indirect_dma semaphore(%arg11 : memref<!tpu.dma_semaphore, #tpu.memory_space<semaphore_mem>>) src(%arg7 : memref<100x16xf32, #tpu.memory_space<vmem>>) dst(%dma_wait3A_400 : memref<10000x16xf32, #tpu.memory_space<vmem_shared>>)
        %dma_wait3A_401 = arith.constant 0 : i32
        %dma_wait3A_402 = arith.constant 0 : i32
        %dma_wait3A_403 = tpu.memref_slice %arg6[%dma_wait3A_401, %dma_wait3A_402] : memref<200x100xi32, #tpu.memory_space<vmem>> -> memref<1x100xi32, #tpu.memory_space<vmem>>
        %dma_wait3A_404 = tpu.memref_squeeze %dma_wait3A_403 : memref<1x100xi32, #tpu.memory_space<vmem>> -> memref<100xi32, #tpu.memory_space<vmem>>
        %dma_wait3A_405 = arith.constant 0 : i32
        %dma_wait3A_406 = arith.constant 0 : i32
        %dma_wait3A_407 = tpu.memref_slice %arg8[%dma_wait3A_405, %dma_wait3A_406] : memref<10000x16xf32, #tpu.memory_space<vmem_shared>> -> memref<10000x16xf32, #tpu.memory_space<vmem_shared>>
        tpu.wait_indirect_dma semaphore(%arg11 : memref<!tpu.dma_semaphore, #tpu.memory_space<semaphore_mem>>) src(%arg7 : memref<100x16xf32, #tpu.memory_space<vmem>>) dst(%dma_wait3A_407 : memref<10000x16xf32, #tpu.memory_space<vmem_shared>>)
        %dma_wait3A_408 = arith.constant 0 : i32
        %dma_wait3A_409 = arith.constant 0 : i32
        %dma_wait3A_410 = tpu.memref_slice %arg6[%dma_wait3A_408, %dma_wait3A_409] : memref<200x100xi32, #tpu.memory_space<vmem>> -> memref<1x100xi32, #tpu.memory_space<vmem>>
        %dma_wait3A_411 = tpu.memref_squeeze %dma_wait3A_410 : memref<1x100xi32, #tpu.memory_space<vmem>> -> memref<100xi32, #tpu.memory_space<vmem>>
        %dma_wait3A_412 = arith.constant 0 : i32
        %dma_wait3A_413 = arith.constant 0 : i32
        %dma_wait3A_414 = tpu.memref_slice %arg8[%dma_wait3A_412, %dma_wait3A_413] : memref<10000x16xf32, #tpu.memory_space<vmem_shared>> -> memref<10000x16xf32, #tpu.memory_space<vmem_shared>>
        tpu.wait_indirect_dma semaphore(%arg11 : memref<!tpu.dma_semaphore, #tpu.memory_space<semaphore_mem>>) src(%arg7 : memref<100x16xf32, #tpu.memory_space<vmem>>) dst(%dma_wait3A_414 : memref<10000x16xf32, #tpu.memory_space<vmem_shared>>)
        %dma_wait3A_415 = arith.constant 0 : i32
        %dma_wait3A_416 = arith.constant 0 : i32
        %dma_wait3A_417 = tpu.memref_slice %arg6[%dma_wait3A_415, %dma_wait3A_416] : memref<200x100xi32, #tpu.memory_space<vmem>> -> memref<1x100xi32, #tpu.memory_space<vmem>>
        %dma_wait3A_418 = tpu.memref_squeeze %dma_wait3A_417 : memref<1x100xi32, #tpu.memory_space<vmem>> -> memref<100xi32, #tpu.memory_space<vmem>>
        %dma_wait3A_419 = arith.constant 0 : i32
        %dma_wait3A_420 = arith.constant 0 : i32
        %dma_wait3A_421 = tpu.memref_slice %arg8[%dma_wait3A_419, %dma_wait3A_420] : memref<10000x16xf32, #tpu.memory_space<vmem_shared>> -> memref<10000x16xf32, #tpu.memory_space<vmem_shared>>
        tpu.wait_indirect_dma semaphore(%arg11 : memref<!tpu.dma_semaphore, #tpu.memory_space<semaphore_mem>>) src(%arg7 : memref<100x16xf32, #tpu.memory_space<vmem>>) dst(%dma_wait3A_421 : memref<10000x16xf32, #tpu.memory_space<vmem_shared>>)
        %dma_wait3A_422 = arith.constant 0 : i32
        %dma_wait3A_423 = arith.constant 0 : i32
        %dma_wait3A_424 = tpu.memref_slice %arg6[%dma_wait3A_422, %dma_wait3A_423] : memref<200x100xi32, #tpu.memory_space<vmem>> -> memref<1x100xi32, #tpu.memory_space<vmem>>
        %dma_wait3A_425 = tpu.memref_squeeze %dma_wait3A_424 : memref<1x100xi32, #tpu.memory_space<vmem>> -> memref<100xi32, #tpu.memory_space<vmem>>
        %dma_wait3A_426 = arith.constant 0 : i32
        %dma_wait3A_427 = arith.constant 0 : i32
        %dma_wait3A_428 = tpu.memref_slice %arg8[%dma_wait3A_426, %dma_wait3A_427] : memref<10000x16xf32, #tpu.memory_space<vmem_shared>> -> memref<10000x16xf32, #tpu.memory_space<vmem_shared>>
        tpu.wait_indirect_dma semaphore(%arg11 : memref<!tpu.dma_semaphore, #tpu.memory_space<semaphore_mem>>) src(%arg7 : memref<100x16xf32, #tpu.memory_space<vmem>>) dst(%dma_wait3A_428 : memref<10000x16xf32, #tpu.memory_space<vmem_shared>>)
        %dma_wait3A_429 = arith.constant 0 : i32
        %dma_wait3A_430 = arith.constant 0 : i32
        %dma_wait3A_431 = tpu.memref_slice %arg6[%dma_wait3A_429, %dma_wait3A_430] : memref<200x100xi32, #tpu.memory_space<vmem>> -> memref<1x100xi32, #tpu.memory_space<vmem>>
        %dma_wait3A_432 = tpu.memref_squeeze %dma_wait3A_431 : memref<1x100xi32, #tpu.memory_space<vmem>> -> memref<100xi32, #tpu.memory_space<vmem>>
        %dma_wait3A_433 = arith.constant 0 : i32
        %dma_wait3A_434 = arith.constant 0 : i32
        %dma_wait3A_435 = tpu.memref_slice %arg8[%dma_wait3A_433, %dma_wait3A_434] : memref<10000x16xf32, #tpu.memory_space<vmem_shared>> -> memref<10000x16xf32, #tpu.memory_space<vmem_shared>>
        tpu.wait_indirect_dma semaphore(%arg11 : memref<!tpu.dma_semaphore, #tpu.memory_space<semaphore_mem>>) src(%arg7 : memref<100x16xf32, #tpu.memory_space<vmem>>) dst(%dma_wait3A_435 : memref<10000x16xf32, #tpu.memory_space<vmem_shared>>)
        %dma_wait3A_436 = arith.constant 0 : i32
        %dma_wait3A_437 = arith.constant 0 : i32
        %dma_wait3A_438 = tpu.memref_slice %arg6[%dma_wait3A_436, %dma_wait3A_437] : memref<200x100xi32, #tpu.memory_space<vmem>> -> memref<1x100xi32, #tpu.memory_space<vmem>>
        %dma_wait3A_439 = tpu.memref_squeeze %dma_wait3A_438 : memref<1x100xi32, #tpu.memory_space<vmem>> -> memref<100xi32, #tpu.memory_space<vmem>>
        %dma_wait3A_440 = arith.constant 0 : i32
        %dma_wait3A_441 = arith.constant 0 : i32
        %dma_wait3A_442 = tpu.memref_slice %arg8[%dma_wait3A_440, %dma_wait3A_441] : memref<10000x16xf32, #tpu.memory_space<vmem_shared>> -> memref<10000x16xf32, #tpu.memory_space<vmem_shared>>
        tpu.wait_indirect_dma semaphore(%arg11 : memref<!tpu.dma_semaphore, #tpu.memory_space<semaphore_mem>>) src(%arg7 : memref<100x16xf32, #tpu.memory_space<vmem>>) dst(%dma_wait3A_442 : memref<10000x16xf32, #tpu.memory_space<vmem_shared>>)
      } else {
      }
      %mul3A_273 = arith.constant 10 : i32
      %mul3A_274 = arith.muli %add3A_267, %mul3A_273 : i32
      %add3A_275 = arith.constant 0 : i32
      %add3A_276 = arith.addi %mul3A_274, %add3A_275 : i32
      %dma_start3A_277 = arith.constant 0 : i32
      %dma_start3A_278 = tpu.memref_slice %arg6[%add3A_276, %dma_start3A_277] : memref<200x100xi32, #tpu.memory_space<vmem>> -> memref<1x100xi32, #tpu.memory_space<vmem>>
      %dma_start3A_279 = tpu.memref_squeeze %dma_start3A_278 : memref<1x100xi32, #tpu.memory_space<vmem>> -> memref<100xi32, #tpu.memory_space<vmem>>
      %dma_start3A_280 = arith.constant 0 : i32
      %dma_start3A_281 = arith.constant 0 : i32
      %dma_start3A_282 = tpu.memref_slice %arg8[%dma_start3A_280, %dma_start3A_281] : memref<10000x16xf32, #tpu.memory_space<vmem_shared>> -> memref<10000x16xf32, #tpu.memory_space<vmem_shared>>
      tpu.enqueue_indirect_dma source(%arg7 : memref<100x16xf32, #tpu.memory_space<vmem>>) target(%dma_start3A_282 : memref<10000x16xf32, #tpu.memory_space<vmem_shared>>) offsets(%dma_start3A_279 : memref<100xi32, #tpu.memory_space<vmem>>) semaphore(%arg11 : memref<!tpu.dma_semaphore, #tpu.memory_space<semaphore_mem>>) {add = true}
      %mul3A_283 = arith.constant 10 : i32
      %mul3A_284 = arith.muli %add3A_267, %mul3A_283 : i32
      %add3A_285 = arith.constant 1 : i32
      %add3A_286 = arith.addi %mul3A_284, %add3A_285 : i32
      %dma_start3A_287 = arith.constant 0 : i32
      %dma_start3A_288 = tpu.memref_slice %arg6[%add3A_286, %dma_start3A_287] : memref<200x100xi32, #tpu.memory_space<vmem>> -> memref<1x100xi32, #tpu.memory_space<vmem>>
      %dma_start3A_289 = tpu.memref_squeeze %dma_start3A_288 : memref<1x100xi32, #tpu.memory_space<vmem>> -> memref<100xi32, #tpu.memory_space<vmem>>
      %dma_start3A_290 = arith.constant 0 : i32
      %dma_start3A_291 = arith.constant 0 : i32
      %dma_start3A_292 = tpu.memref_slice %arg8[%dma_start3A_290, %dma_start3A_291] : memref<10000x16xf32, #tpu.memory_space<vmem_shared>> -> memref<10000x16xf32, #tpu.memory_space<vmem_shared>>
      tpu.enqueue_indirect_dma source(%arg7 : memref<100x16xf32, #tpu.memory_space<vmem>>) target(%dma_start3A_292 : memref<10000x16xf32, #tpu.memory_space<vmem_shared>>) offsets(%dma_start3A_289 : memref<100xi32, #tpu.memory_space<vmem>>) semaphore(%arg11 : memref<!tpu.dma_semaphore, #tpu.memory_space<semaphore_mem>>) {add = true}
      %mul3A_293 = arith.constant 10 : i32
      %mul3A_294 = arith.muli %add3A_267, %mul3A_293 : i32
      %add3A_295 = arith.constant 2 : i32
      %add3A_296 = arith.addi %mul3A_294, %add3A_295 : i32
      %dma_start3A_297 = arith.constant 0 : i32
      %dma_start3A_298 = tpu.memref_slice %arg6[%add3A_296, %dma_start3A_297] : memref<200x100xi32, #tpu.memory_space<vmem>> -> memref<1x100xi32, #tpu.memory_space<vmem>>
      %dma_start3A_299 = tpu.memref_squeeze %dma_start3A_298 : memref<1x100xi32, #tpu.memory_space<vmem>> -> memref<100xi32, #tpu.memory_space<vmem>>
      %dma_start3A_300 = arith.constant 0 : i32
      %dma_start3A_301 = arith.constant 0 : i32
      %dma_start3A_302 = tpu.memref_slice %arg8[%dma_start3A_300, %dma_start3A_301] : memref<10000x16xf32, #tpu.memory_space<vmem_shared>> -> memref<10000x16xf32, #tpu.memory_space<vmem_shared>>
      tpu.enqueue_indirect_dma source(%arg7 : memref<100x16xf32, #tpu.memory_space<vmem>>) target(%dma_start3A_302 : memref<10000x16xf32, #tpu.memory_space<vmem_shared>>) offsets(%dma_start3A_299 : memref<100xi32, #tpu.memory_space<vmem>>) semaphore(%arg11 : memref<!tpu.dma_semaphore, #tpu.memory_space<semaphore_mem>>) {add = true}
      %mul3A_303 = arith.constant 10 : i32
      %mul3A_304 = arith.muli %add3A_267, %mul3A_303 : i32
      %add3A_305 = arith.constant 3 : i32
      %add3A_306 = arith.addi %mul3A_304, %add3A_305 : i32
      %dma_start3A_307 = arith.constant 0 : i32
      %dma_start3A_308 = tpu.memref_slice %arg6[%add3A_306, %dma_start3A_307] : memref<200x100xi32, #tpu.memory_space<vmem>> -> memref<1x100xi32, #tpu.memory_space<vmem>>
      %dma_start3A_309 = tpu.memref_squeeze %dma_start3A_308 : memref<1x100xi32, #tpu.memory_space<vmem>> -> memref<100xi32, #tpu.memory_space<vmem>>
      %dma_start3A_310 = arith.constant 0 : i32
      %dma_start3A_311 = arith.constant 0 : i32
      %dma_start3A_312 = tpu.memref_slice %arg8[%dma_start3A_310, %dma_start3A_311] : memref<10000x16xf32, #tpu.memory_space<vmem_shared>> -> memref<10000x16xf32, #tpu.memory_space<vmem_shared>>
      tpu.enqueue_indirect_dma source(%arg7 : memref<100x16xf32, #tpu.memory_space<vmem>>) target(%dma_start3A_312 : memref<10000x16xf32, #tpu.memory_space<vmem_shared>>) offsets(%dma_start3A_309 : memref<100xi32, #tpu.memory_space<vmem>>) semaphore(%arg11 : memref<!tpu.dma_semaphore, #tpu.memory_space<semaphore_mem>>) {add = true}
      %mul3A_313 = arith.constant 10 : i32
      %mul3A_314 = arith.muli %add3A_267, %mul3A_313 : i32
      %add3A_315 = arith.constant 4 : i32
      %add3A_316 = arith.addi %mul3A_314, %add3A_315 : i32
      %dma_start3A_317 = arith.constant 0 : i32
      %dma_start3A_318 = tpu.memref_slice %arg6[%add3A_316, %dma_start3A_317] : memref<200x100xi32, #tpu.memory_space<vmem>> -> memref<1x100xi32, #tpu.memory_space<vmem>>
      %dma_start3A_319 = tpu.memref_squeeze %dma_start3A_318 : memref<1x100xi32, #tpu.memory_space<vmem>> -> memref<100xi32, #tpu.memory_space<vmem>>
      %dma_start3A_320 = arith.constant 0 : i32
      %dma_start3A_321 = arith.constant 0 : i32
      %dma_start3A_322 = tpu.memref_slice %arg8[%dma_start3A_320, %dma_start3A_321] : memref<10000x16xf32, #tpu.memory_space<vmem_shared>> -> memref<10000x16xf32, #tpu.memory_space<vmem_shared>>
      tpu.enqueue_indirect_dma source(%arg7 : memref<100x16xf32, #tpu.memory_space<vmem>>) target(%dma_start3A_322 : memref<10000x16xf32, #tpu.memory_space<vmem_shared>>) offsets(%dma_start3A_319 : memref<100xi32, #tpu.memory_space<vmem>>) semaphore(%arg11 : memref<!tpu.dma_semaphore, #tpu.memory_space<semaphore_mem>>) {add = true}
      %mul3A_323 = arith.constant 10 : i32
      %mul3A_324 = arith.muli %add3A_267, %mul3A_323 : i32
      %add3A_325 = arith.constant 5 : i32
      %add3A_326 = arith.addi %mul3A_324, %add3A_325 : i32
      %dma_start3A_327 = arith.constant 0 : i32
      %dma_start3A_328 = tpu.memref_slice %arg6[%add3A_326, %dma_start3A_327] : memref<200x100xi32, #tpu.memory_space<vmem>> -> memref<1x100xi32, #tpu.memory_space<vmem>>
      %dma_start3A_329 = tpu.memref_squeeze %dma_start3A_328 : memref<1x100xi32, #tpu.memory_space<vmem>> -> memref<100xi32, #tpu.memory_space<vmem>>
      %dma_start3A_330 = arith.constant 0 : i32
      %dma_start3A_331 = arith.constant 0 : i32
      %dma_start3A_332 = tpu.memref_slice %arg8[%dma_start3A_330, %dma_start3A_331] : memref<10000x16xf32, #tpu.memory_space<vmem_shared>> -> memref<10000x16xf32, #tpu.memory_space<vmem_shared>>
      tpu.enqueue_indirect_dma source(%arg7 : memref<100x16xf32, #tpu.memory_space<vmem>>) target(%dma_start3A_332 : memref<10000x16xf32, #tpu.memory_space<vmem_shared>>) offsets(%dma_start3A_329 : memref<100xi32, #tpu.memory_space<vmem>>) semaphore(%arg11 : memref<!tpu.dma_semaphore, #tpu.memory_space<semaphore_mem>>) {add = true}
      %mul3A_333 = arith.constant 10 : i32
      %mul3A_334 = arith.muli %add3A_267, %mul3A_333 : i32
      %add3A_335 = arith.constant 6 : i32
      %add3A_336 = arith.addi %mul3A_334, %add3A_335 : i32
      %dma_start3A_337 = arith.constant 0 : i32
      %dma_start3A_338 = tpu.memref_slice %arg6[%add3A_336, %dma_start3A_337] : memref<200x100xi32, #tpu.memory_space<vmem>> -> memref<1x100xi32, #tpu.memory_space<vmem>>
      %dma_start3A_339 = tpu.memref_squeeze %dma_start3A_338 : memref<1x100xi32, #tpu.memory_space<vmem>> -> memref<100xi32, #tpu.memory_space<vmem>>
      %dma_start3A_340 = arith.constant 0 : i32
      %dma_start3A_341 = arith.constant 0 : i32
      %dma_start3A_342 = tpu.memref_slice %arg8[%dma_start3A_340, %dma_start3A_341] : memref<10000x16xf32, #tpu.memory_space<vmem_shared>> -> memref<10000x16xf32, #tpu.memory_space<vmem_shared>>
      tpu.enqueue_indirect_dma source(%arg7 : memref<100x16xf32, #tpu.memory_space<vmem>>) target(%dma_start3A_342 : memref<10000x16xf32, #tpu.memory_space<vmem_shared>>) offsets(%dma_start3A_339 : memref<100xi32, #tpu.memory_space<vmem>>) semaphore(%arg11 : memref<!tpu.dma_semaphore, #tpu.memory_space<semaphore_mem>>) {add = true}
      %mul3A_343 = arith.constant 10 : i32
      %mul3A_344 = arith.muli %add3A_267, %mul3A_343 : i32
      %add3A_345 = arith.constant 7 : i32
      %add3A_346 = arith.addi %mul3A_344, %add3A_345 : i32
      %dma_start3A_347 = arith.constant 0 : i32
      %dma_start3A_348 = tpu.memref_slice %arg6[%add3A_346, %dma_start3A_347] : memref<200x100xi32, #tpu.memory_space<vmem>> -> memref<1x100xi32, #tpu.memory_space<vmem>>
      %dma_start3A_349 = tpu.memref_squeeze %dma_start3A_348 : memref<1x100xi32, #tpu.memory_space<vmem>> -> memref<100xi32, #tpu.memory_space<vmem>>
      %dma_start3A_350 = arith.constant 0 : i32
      %dma_start3A_351 = arith.constant 0 : i32
      %dma_start3A_352 = tpu.memref_slice %arg8[%dma_start3A_350, %dma_start3A_351] : memref<10000x16xf32, #tpu.memory_space<vmem_shared>> -> memref<10000x16xf32, #tpu.memory_space<vmem_shared>>
      tpu.enqueue_indirect_dma source(%arg7 : memref<100x16xf32, #tpu.memory_space<vmem>>) target(%dma_start3A_352 : memref<10000x16xf32, #tpu.memory_space<vmem_shared>>) offsets(%dma_start3A_349 : memref<100xi32, #tpu.memory_space<vmem>>) semaphore(%arg11 : memref<!tpu.dma_semaphore, #tpu.memory_space<semaphore_mem>>) {add = true}
      %mul3A_353 = arith.constant 10 : i32
      %mul3A_354 = arith.muli %add3A_267, %mul3A_353 : i32
      %add3A_355 = arith.constant 8 : i32
      %add3A_356 = arith.addi %mul3A_354, %add3A_355 : i32
      %dma_start3A_357 = arith.constant 0 : i32
      %dma_start3A_358 = tpu.memref_slice %arg6[%add3A_356, %dma_start3A_357] : memref<200x100xi32, #tpu.memory_space<vmem>> -> memref<1x100xi32, #tpu.memory_space<vmem>>
      %dma_start3A_359 = tpu.memref_squeeze %dma_start3A_358 : memref<1x100xi32, #tpu.memory_space<vmem>> -> memref<100xi32, #tpu.memory_space<vmem>>
      %dma_start3A_360 = arith.constant 0 : i32
      %dma_start3A_361 = arith.constant 0 : i32
      %dma_start3A_362 = tpu.memref_slice %arg8[%dma_start3A_360, %dma_start3A_361] : memref<10000x16xf32, #tpu.memory_space<vmem_shared>> -> memref<10000x16xf32, #tpu.memory_space<vmem_shared>>
      tpu.enqueue_indirect_dma source(%arg7 : memref<100x16xf32, #tpu.memory_space<vmem>>) target(%dma_start3A_362 : memref<10000x16xf32, #tpu.memory_space<vmem_shared>>) offsets(%dma_start3A_359 : memref<100xi32, #tpu.memory_space<vmem>>) semaphore(%arg11 : memref<!tpu.dma_semaphore, #tpu.memory_space<semaphore_mem>>) {add = true}
      %mul3A_363 = arith.constant 10 : i32
      %mul3A_364 = arith.muli %add3A_267, %mul3A_363 : i32
      %add3A_365 = arith.constant 9 : i32
      %add3A_366 = arith.addi %mul3A_364, %add3A_365 : i32
      %dma_start3A_367 = arith.constant 0 : i32
      %dma_start3A_368 = tpu.memref_slice %arg6[%add3A_366, %dma_start3A_367] : memref<200x100xi32, #tpu.memory_space<vmem>> -> memref<1x100xi32, #tpu.memory_space<vmem>>
      %dma_start3A_369 = tpu.memref_squeeze %dma_start3A_368 : memref<1x100xi32, #tpu.memory_space<vmem>> -> memref<100xi32, #tpu.memory_space<vmem>>
      %dma_start3A_370 = arith.constant 0 : i32
      %dma_start3A_371 = arith.constant 0 : i32
      %dma_start3A_372 = tpu.memref_slice %arg8[%dma_start3A_370, %dma_start3A_371] : memref<10000x16xf32, #tpu.memory_space<vmem_shared>> -> memref<10000x16xf32, #tpu.memory_space<vmem_shared>>
      tpu.enqueue_indirect_dma source(%arg7 : memref<100x16xf32, #tpu.memory_space<vmem>>) target(%dma_start3A_372 : memref<10000x16xf32, #tpu.memory_space<vmem_shared>>) offsets(%dma_start3A_369 : memref<100xi32, #tpu.memory_space<vmem>>) semaphore(%arg11 : memref<!tpu.dma_semaphore, #tpu.memory_space<semaphore_mem>>) {add = true}
    }
    %scan3A_15 = arith.constant 10 : i32
    %dma_wait3A_16 = arith.constant 0 : i32
    %dma_wait3A_17 = arith.constant 0 : i32
    %dma_wait3A_18 = tpu.memref_slice %arg6[%dma_wait3A_16, %dma_wait3A_17] : memref<200x100xi32, #tpu.memory_space<vmem>> -> memref<1x100xi32, #tpu.memory_space<vmem>>
    %dma_wait3A_19 = tpu.memref_squeeze %dma_wait3A_18 : memref<1x100xi32, #tpu.memory_space<vmem>> -> memref<100xi32, #tpu.memory_space<vmem>>
    %dma_wait3A_20 = arith.constant 0 : i32
    %dma_wait3A_21 = arith.constant 0 : i32
    %dma_wait3A_22 = tpu.memref_slice %arg8[%dma_wait3A_20, %dma_wait3A_21] : memref<10000x16xf32, #tpu.memory_space<vmem_shared>> -> memref<10000x16xf32, #tpu.memory_space<vmem_shared>>
    tpu.wait_indirect_dma semaphore(%arg10 : memref<!tpu.dma_semaphore, #tpu.memory_space<semaphore_mem>>) src(%arg7 : memref<100x16xf32, #tpu.memory_space<vmem>>) dst(%dma_wait3A_22 : memref<10000x16xf32, #tpu.memory_space<vmem_shared>>)
    %dma_wait3A_23 = arith.constant 0 : i32
    %dma_wait3A_24 = arith.constant 0 : i32
    %dma_wait3A_25 = tpu.memref_slice %arg6[%dma_wait3A_23, %dma_wait3A_24] : memref<200x100xi32, #tpu.memory_space<vmem>> -> memref<1x100xi32, #tpu.memory_space<vmem>>
    %dma_wait3A_26 = tpu.memref_squeeze %dma_wait3A_25 : memref<1x100xi32, #tpu.memory_space<vmem>> -> memref<100xi32, #tpu.memory_space<vmem>>
    %dma_wait3A_27 = arith.constant 0 : i32
    %dma_wait3A_28 = arith.constant 0 : i32
    %dma_wait3A_29 = tpu.memref_slice %arg8[%dma_wait3A_27, %dma_wait3A_28] : memref<10000x16xf32, #tpu.memory_space<vmem_shared>> -> memref<10000x16xf32, #tpu.memory_space<vmem_shared>>
    tpu.wait_indirect_dma semaphore(%arg10 : memref<!tpu.dma_semaphore, #tpu.memory_space<semaphore_mem>>) src(%arg7 : memref<100x16xf32, #tpu.memory_space<vmem>>) dst(%dma_wait3A_29 : memref<10000x16xf32, #tpu.memory_space<vmem_shared>>)
    %dma_wait3A_30 = arith.constant 0 : i32
    %dma_wait3A_31 = arith.constant 0 : i32
    %dma_wait3A_32 = tpu.memref_slice %arg6[%dma_wait3A_30, %dma_wait3A_31] : memref<200x100xi32, #tpu.memory_space<vmem>> -> memref<1x100xi32, #tpu.memory_space<vmem>>
    %dma_wait3A_33 = tpu.memref_squeeze %dma_wait3A_32 : memref<1x100xi32, #tpu.memory_space<vmem>> -> memref<100xi32, #tpu.memory_space<vmem>>
    %dma_wait3A_34 = arith.constant 0 : i32
    %dma_wait3A_35 = arith.constant 0 : i32
    %dma_wait3A_36 = tpu.memref_slice %arg8[%dma_wait3A_34, %dma_wait3A_35] : memref<10000x16xf32, #tpu.memory_space<vmem_shared>> -> memref<10000x16xf32, #tpu.memory_space<vmem_shared>>
    tpu.wait_indirect_dma semaphore(%arg10 : memref<!tpu.dma_semaphore, #tpu.memory_space<semaphore_mem>>) src(%arg7 : memref<100x16xf32, #tpu.memory_space<vmem>>) dst(%dma_wait3A_36 : memref<10000x16xf32, #tpu.memory_space<vmem_shared>>)
    %dma_wait3A_37 = arith.constant 0 : i32
    %dma_wait3A_38 = arith.constant 0 : i32
    %dma_wait3A_39 = tpu.memref_slice %arg6[%dma_wait3A_37, %dma_wait3A_38] : memref<200x100xi32, #tpu.memory_space<vmem>> -> memref<1x100xi32, #tpu.memory_space<vmem>>
    %dma_wait3A_40 = tpu.memref_squeeze %dma_wait3A_39 : memref<1x100xi32, #tpu.memory_space<vmem>> -> memref<100xi32, #tpu.memory_space<vmem>>
    %dma_wait3A_41 = arith.constant 0 : i32
    %dma_wait3A_42 = arith.constant 0 : i32
    %dma_wait3A_43 = tpu.memref_slice %arg8[%dma_wait3A_41, %dma_wait3A_42] : memref<10000x16xf32, #tpu.memory_space<vmem_shared>> -> memref<10000x16xf32, #tpu.memory_space<vmem_shared>>
    tpu.wait_indirect_dma semaphore(%arg10 : memref<!tpu.dma_semaphore, #tpu.memory_space<semaphore_mem>>) src(%arg7 : memref<100x16xf32, #tpu.memory_space<vmem>>) dst(%dma_wait3A_43 : memref<10000x16xf32, #tpu.memory_space<vmem_shared>>)
    %dma_wait3A_44 = arith.constant 0 : i32
    %dma_wait3A_45 = arith.constant 0 : i32
    %dma_wait3A_46 = tpu.memref_slice %arg6[%dma_wait3A_44, %dma_wait3A_45] : memref<200x100xi32, #tpu.memory_space<vmem>> -> memref<1x100xi32, #tpu.memory_space<vmem>>
    %dma_wait3A_47 = tpu.memref_squeeze %dma_wait3A_46 : memref<1x100xi32, #tpu.memory_space<vmem>> -> memref<100xi32, #tpu.memory_space<vmem>>
    %dma_wait3A_48 = arith.constant 0 : i32
    %dma_wait3A_49 = arith.constant 0 : i32
    %dma_wait3A_50 = tpu.memref_slice %arg8[%dma_wait3A_48, %dma_wait3A_49] : memref<10000x16xf32, #tpu.memory_space<vmem_shared>> -> memref<10000x16xf32, #tpu.memory_space<vmem_shared>>
    tpu.wait_indirect_dma semaphore(%arg10 : memref<!tpu.dma_semaphore, #tpu.memory_space<semaphore_mem>>) src(%arg7 : memref<100x16xf32, #tpu.memory_space<vmem>>) dst(%dma_wait3A_50 : memref<10000x16xf32, #tpu.memory_space<vmem_shared>>)
    %dma_wait3A_51 = arith.constant 0 : i32
    %dma_wait3A_52 = arith.constant 0 : i32
    %dma_wait3A_53 = tpu.memref_slice %arg6[%dma_wait3A_51, %dma_wait3A_52] : memref<200x100xi32, #tpu.memory_space<vmem>> -> memref<1x100xi32, #tpu.memory_space<vmem>>
    %dma_wait3A_54 = tpu.memref_squeeze %dma_wait3A_53 : memref<1x100xi32, #tpu.memory_space<vmem>> -> memref<100xi32, #tpu.memory_space<vmem>>
    %dma_wait3A_55 = arith.constant 0 : i32
    %dma_wait3A_56 = arith.constant 0 : i32
    %dma_wait3A_57 = tpu.memref_slice %arg8[%dma_wait3A_55, %dma_wait3A_56] : memref<10000x16xf32, #tpu.memory_space<vmem_shared>> -> memref<10000x16xf32, #tpu.memory_space<vmem_shared>>
    tpu.wait_indirect_dma semaphore(%arg10 : memref<!tpu.dma_semaphore, #tpu.memory_space<semaphore_mem>>) src(%arg7 : memref<100x16xf32, #tpu.memory_space<vmem>>) dst(%dma_wait3A_57 : memref<10000x16xf32, #tpu.memory_space<vmem_shared>>)
    %dma_wait3A_58 = arith.constant 0 : i32
    %dma_wait3A_59 = arith.constant 0 : i32
    %dma_wait3A_60 = tpu.memref_slice %arg6[%dma_wait3A_58, %dma_wait3A_59] : memref<200x100xi32, #tpu.memory_space<vmem>> -> memref<1x100xi32, #tpu.memory_space<vmem>>
    %dma_wait3A_61 = tpu.memref_squeeze %dma_wait3A_60 : memref<1x100xi32, #tpu.memory_space<vmem>> -> memref<100xi32, #tpu.memory_space<vmem>>
    %dma_wait3A_62 = arith.constant 0 : i32
    %dma_wait3A_63 = arith.constant 0 : i32
    %dma_wait3A_64 = tpu.memref_slice %arg8[%dma_wait3A_62, %dma_wait3A_63] : memref<10000x16xf32, #tpu.memory_space<vmem_shared>> -> memref<10000x16xf32, #tpu.memory_space<vmem_shared>>
    tpu.wait_indirect_dma semaphore(%arg10 : memref<!tpu.dma_semaphore, #tpu.memory_space<semaphore_mem>>) src(%arg7 : memref<100x16xf32, #tpu.memory_space<vmem>>) dst(%dma_wait3A_64 : memref<10000x16xf32, #tpu.memory_space<vmem_shared>>)
    %dma_wait3A_65 = arith.constant 0 : i32
    %dma_wait3A_66 = arith.constant 0 : i32
    %dma_wait3A_67 = tpu.memref_slice %arg6[%dma_wait3A_65, %dma_wait3A_66] : memref<200x100xi32, #tpu.memory_space<vmem>> -> memref<1x100xi32, #tpu.memory_space<vmem>>
    %dma_wait3A_68 = tpu.memref_squeeze %dma_wait3A_67 : memref<1x100xi32, #tpu.memory_space<vmem>> -> memref<100xi32, #tpu.memory_space<vmem>>
    %dma_wait3A_69 = arith.constant 0 : i32
    %dma_wait3A_70 = arith.constant 0 : i32
    %dma_wait3A_71 = tpu.memref_slice %arg8[%dma_wait3A_69, %dma_wait3A_70] : memref<10000x16xf32, #tpu.memory_space<vmem_shared>> -> memref<10000x16xf32, #tpu.memory_space<vmem_shared>>
    tpu.wait_indirect_dma semaphore(%arg10 : memref<!tpu.dma_semaphore, #tpu.memory_space<semaphore_mem>>) src(%arg7 : memref<100x16xf32, #tpu.memory_space<vmem>>) dst(%dma_wait3A_71 : memref<10000x16xf32, #tpu.memory_space<vmem_shared>>)
    %dma_wait3A_72 = arith.constant 0 : i32
    %dma_wait3A_73 = arith.constant 0 : i32
    %dma_wait3A_74 = tpu.memref_slice %arg6[%dma_wait3A_72, %dma_wait3A_73] : memref<200x100xi32, #tpu.memory_space<vmem>> -> memref<1x100xi32, #tpu.memory_space<vmem>>
    %dma_wait3A_75 = tpu.memref_squeeze %dma_wait3A_74 : memref<1x100xi32, #tpu.memory_space<vmem>> -> memref<100xi32, #tpu.memory_space<vmem>>
    %dma_wait3A_76 = arith.constant 0 : i32
    %dma_wait3A_77 = arith.constant 0 : i32
    %dma_wait3A_78 = tpu.memref_slice %arg8[%dma_wait3A_76, %dma_wait3A_77] : memref<10000x16xf32, #tpu.memory_space<vmem_shared>> -> memref<10000x16xf32, #tpu.memory_space<vmem_shared>>
    tpu.wait_indirect_dma semaphore(%arg10 : memref<!tpu.dma_semaphore, #tpu.memory_space<semaphore_mem>>) src(%arg7 : memref<100x16xf32, #tpu.memory_space<vmem>>) dst(%dma_wait3A_78 : memref<10000x16xf32, #tpu.memory_space<vmem_shared>>)
    %dma_wait3A_79 = arith.constant 0 : i32
    %dma_wait3A_80 = arith.constant 0 : i32
    %dma_wait3A_81 = tpu.memref_slice %arg6[%dma_wait3A_79, %dma_wait3A_80] : memref<200x100xi32, #tpu.memory_space<vmem>> -> memref<1x100xi32, #tpu.memory_space<vmem>>
    %dma_wait3A_82 = tpu.memref_squeeze %dma_wait3A_81 : memref<1x100xi32, #tpu.memory_space<vmem>> -> memref<100xi32, #tpu.memory_space<vmem>>
    %dma_wait3A_83 = arith.constant 0 : i32
    %dma_wait3A_84 = arith.constant 0 : i32
    %dma_wait3A_85 = tpu.memref_slice %arg8[%dma_wait3A_83, %dma_wait3A_84] : memref<10000x16xf32, #tpu.memory_space<vmem_shared>> -> memref<10000x16xf32, #tpu.memory_space<vmem_shared>>
    tpu.wait_indirect_dma semaphore(%arg10 : memref<!tpu.dma_semaphore, #tpu.memory_space<semaphore_mem>>) src(%arg7 : memref<100x16xf32, #tpu.memory_space<vmem>>) dst(%dma_wait3A_85 : memref<10000x16xf32, #tpu.memory_space<vmem_shared>>)
    %dma_wait3A_86 = arith.constant 0 : i32
    %dma_wait3A_87 = arith.constant 0 : i32
    %dma_wait3A_88 = tpu.memref_slice %arg6[%dma_wait3A_86, %dma_wait3A_87] : memref<200x100xi32, #tpu.memory_space<vmem>> -> memref<1x100xi32, #tpu.memory_space<vmem>>
    %dma_wait3A_89 = tpu.memref_squeeze %dma_wait3A_88 : memref<1x100xi32, #tpu.memory_space<vmem>> -> memref<100xi32, #tpu.memory_space<vmem>>
    %dma_wait3A_90 = arith.constant 0 : i32
    %dma_wait3A_91 = arith.constant 0 : i32
    %dma_wait3A_92 = tpu.memref_slice %arg8[%dma_wait3A_90, %dma_wait3A_91] : memref<10000x16xf32, #tpu.memory_space<vmem_shared>> -> memref<10000x16xf32, #tpu.memory_space<vmem_shared>>
    tpu.wait_indirect_dma semaphore(%arg11 : memref<!tpu.dma_semaphore, #tpu.memory_space<semaphore_mem>>) src(%arg7 : memref<100x16xf32, #tpu.memory_space<vmem>>) dst(%dma_wait3A_92 : memref<10000x16xf32, #tpu.memory_space<vmem_shared>>)
    %dma_wait3A_93 = arith.constant 0 : i32
    %dma_wait3A_94 = arith.constant 0 : i32
    %dma_wait3A_95 = tpu.memref_slice %arg6[%dma_wait3A_93, %dma_wait3A_94] : memref<200x100xi32, #tpu.memory_space<vmem>> -> memref<1x100xi32, #tpu.memory_space<vmem>>
    %dma_wait3A_96 = tpu.memref_squeeze %dma_wait3A_95 : memref<1x100xi32, #tpu.memory_space<vmem>> -> memref<100xi32, #tpu.memory_space<vmem>>
    %dma_wait3A_97 = arith.constant 0 : i32
    %dma_wait3A_98 = arith.constant 0 : i32
    %dma_wait3A_99 = tpu.memref_slice %arg8[%dma_wait3A_97, %dma_wait3A_98] : memref<10000x16xf32, #tpu.memory_space<vmem_shared>> -> memref<10000x16xf32, #tpu.memory_space<vmem_shared>>
    tpu.wait_indirect_dma semaphore(%arg11 : memref<!tpu.dma_semaphore, #tpu.memory_space<semaphore_mem>>) src(%arg7 : memref<100x16xf32, #tpu.memory_space<vmem>>) dst(%dma_wait3A_99 : memref<10000x16xf32, #tpu.memory_space<vmem_shared>>)
    %dma_wait3A_100 = arith.constant 0 : i32
    %dma_wait3A_101 = arith.constant 0 : i32
    %dma_wait3A_102 = tpu.memref_slice %arg6[%dma_wait3A_100, %dma_wait3A_101] : memref<200x100xi32, #tpu.memory_space<vmem>> -> memref<1x100xi32, #tpu.memory_space<vmem>>
    %dma_wait3A_103 = tpu.memref_squeeze %dma_wait3A_102 : memref<1x100xi32, #tpu.memory_space<vmem>> -> memref<100xi32, #tpu.memory_space<vmem>>
    %dma_wait3A_104 = arith.constant 0 : i32
    %dma_wait3A_105 = arith.constant 0 : i32
    %dma_wait3A_106 = tpu.memref_slice %arg8[%dma_wait3A_104, %dma_wait3A_105] : memref<10000x16xf32, #tpu.memory_space<vmem_shared>> -> memref<10000x16xf32, #tpu.memory_space<vmem_shared>>
    tpu.wait_indirect_dma semaphore(%arg11 : memref<!tpu.dma_semaphore, #tpu.memory_space<semaphore_mem>>) src(%arg7 : memref<100x16xf32, #tpu.memory_space<vmem>>) dst(%dma_wait3A_106 : memref<10000x16xf32, #tpu.memory_space<vmem_shared>>)
    %dma_wait3A_107 = arith.constant 0 : i32
    %dma_wait3A_108 = arith.constant 0 : i32
    %dma_wait3A_109 = tpu.memref_slice %arg6[%dma_wait3A_107, %dma_wait3A_108] : memref<200x100xi32, #tpu.memory_space<vmem>> -> memref<1x100xi32, #tpu.memory_space<vmem>>
    %dma_wait3A_110 = tpu.memref_squeeze %dma_wait3A_109 : memref<1x100xi32, #tpu.memory_space<vmem>> -> memref<100xi32, #tpu.memory_space<vmem>>
    %dma_wait3A_111 = arith.constant 0 : i32
    %dma_wait3A_112 = arith.constant 0 : i32
    %dma_wait3A_113 = tpu.memref_slice %arg8[%dma_wait3A_111, %dma_wait3A_112] : memref<10000x16xf32, #tpu.memory_space<vmem_shared>> -> memref<10000x16xf32, #tpu.memory_space<vmem_shared>>
    tpu.wait_indirect_dma semaphore(%arg11 : memref<!tpu.dma_semaphore, #tpu.memory_space<semaphore_mem>>) src(%arg7 : memref<100x16xf32, #tpu.memory_space<vmem>>) dst(%dma_wait3A_113 : memref<10000x16xf32, #tpu.memory_space<vmem_shared>>)
    %dma_wait3A_114 = arith.constant 0 : i32
    %dma_wait3A_115 = arith.constant 0 : i32
    %dma_wait3A_116 = tpu.memref_slice %arg6[%dma_wait3A_114, %dma_wait3A_115] : memref<200x100xi32, #tpu.memory_space<vmem>> -> memref<1x100xi32, #tpu.memory_space<vmem>>
    %dma_wait3A_117 = tpu.memref_squeeze %dma_wait3A_116 : memref<1x100xi32, #tpu.memory_space<vmem>> -> memref<100xi32, #tpu.memory_space<vmem>>
    %dma_wait3A_118 = arith.constant 0 : i32
    %dma_wait3A_119 = arith.constant 0 : i32
    %dma_wait3A_120 = tpu.memref_slice %arg8[%dma_wait3A_118, %dma_wait3A_119] : memref<10000x16xf32, #tpu.memory_space<vmem_shared>> -> memref<10000x16xf32, #tpu.memory_space<vmem_shared>>
    tpu.wait_indirect_dma semaphore(%arg11 : memref<!tpu.dma_semaphore, #tpu.memory_space<semaphore_mem>>) src(%arg7 : memref<100x16xf32, #tpu.memory_space<vmem>>) dst(%dma_wait3A_120 : memref<10000x16xf32, #tpu.memory_space<vmem_shared>>)
    %dma_wait3A_121 = arith.constant 0 : i32
    %dma_wait3A_122 = arith.constant 0 : i32
    %dma_wait3A_123 = tpu.memref_slice %arg6[%dma_wait3A_121, %dma_wait3A_122] : memref<200x100xi32, #tpu.memory_space<vmem>> -> memref<1x100xi32, #tpu.memory_space<vmem>>
    %dma_wait3A_124 = tpu.memref_squeeze %dma_wait3A_123 : memref<1x100xi32, #tpu.memory_space<vmem>> -> memref<100xi32, #tpu.memory_space<vmem>>
    %dma_wait3A_125 = arith.constant 0 : i32
    %dma_wait3A_126 = arith.constant 0 : i32
    %dma_wait3A_127 = tpu.memref_slice %arg8[%dma_wait3A_125, %dma_wait3A_126] : memref<10000x16xf32, #tpu.memory_space<vmem_shared>> -> memref<10000x16xf32, #tpu.memory_space<vmem_shared>>
    tpu.wait_indirect_dma semaphore(%arg11 : memref<!tpu.dma_semaphore, #tpu.memory_space<semaphore_mem>>) src(%arg7 : memref<100x16xf32, #tpu.memory_space<vmem>>) dst(%dma_wait3A_127 : memref<10000x16xf32, #tpu.memory_space<vmem_shared>>)
    %dma_wait3A_128 = arith.constant 0 : i32
    %dma_wait3A_129 = arith.constant 0 : i32
    %dma_wait3A_130 = tpu.memref_slice %arg6[%dma_wait3A_128, %dma_wait3A_129] : memref<200x100xi32, #tpu.memory_space<vmem>> -> memref<1x100xi32, #tpu.memory_space<vmem>>
    %dma_wait3A_131 = tpu.memref_squeeze %dma_wait3A_130 : memref<1x100xi32, #tpu.memory_space<vmem>> -> memref<100xi32, #tpu.memory_space<vmem>>
    %dma_wait3A_132 = arith.constant 0 : i32
    %dma_wait3A_133 = arith.constant 0 : i32
    %dma_wait3A_134 = tpu.memref_slice %arg8[%dma_wait3A_132, %dma_wait3A_133] : memref<10000x16xf32, #tpu.memory_space<vmem_shared>> -> memref<10000x16xf32, #tpu.memory_space<vmem_shared>>
    tpu.wait_indirect_dma semaphore(%arg11 : memref<!tpu.dma_semaphore, #tpu.memory_space<semaphore_mem>>) src(%arg7 : memref<100x16xf32, #tpu.memory_space<vmem>>) dst(%dma_wait3A_134 : memref<10000x16xf32, #tpu.memory_space<vmem_shared>>)
    %dma_wait3A_135 = arith.constant 0 : i32
    %dma_wait3A_136 = arith.constant 0 : i32
    %dma_wait3A_137 = tpu.memref_slice %arg6[%dma_wait3A_135, %dma_wait3A_136] : memref<200x100xi32, #tpu.memory_space<vmem>> -> memref<1x100xi32, #tpu.memory_space<vmem>>
    %dma_wait3A_138 = tpu.memref_squeeze %dma_wait3A_137 : memref<1x100xi32, #tpu.memory_space<vmem>> -> memref<100xi32, #tpu.memory_space<vmem>>
    %dma_wait3A_139 = arith.constant 0 : i32
    %dma_wait3A_140 = arith.constant 0 : i32
    %dma_wait3A_141 = tpu.memref_slice %arg8[%dma_wait3A_139, %dma_wait3A_140] : memref<10000x16xf32, #tpu.memory_space<vmem_shared>> -> memref<10000x16xf32, #tpu.memory_space<vmem_shared>>
    tpu.wait_indirect_dma semaphore(%arg11 : memref<!tpu.dma_semaphore, #tpu.memory_space<semaphore_mem>>) src(%arg7 : memref<100x16xf32, #tpu.memory_space<vmem>>) dst(%dma_wait3A_141 : memref<10000x16xf32, #tpu.memory_space<vmem_shared>>)
    %dma_wait3A_142 = arith.constant 0 : i32
    %dma_wait3A_143 = arith.constant 0 : i32
    %dma_wait3A_144 = tpu.memref_slice %arg6[%dma_wait3A_142, %dma_wait3A_143] : memref<200x100xi32, #tpu.memory_space<vmem>> -> memref<1x100xi32, #tpu.memory_space<vmem>>
    %dma_wait3A_145 = tpu.memref_squeeze %dma_wait3A_144 : memref<1x100xi32, #tpu.memory_space<vmem>> -> memref<100xi32, #tpu.memory_space<vmem>>
    %dma_wait3A_146 = arith.constant 0 : i32
    %dma_wait3A_147 = arith.constant 0 : i32
    %dma_wait3A_148 = tpu.memref_slice %arg8[%dma_wait3A_146, %dma_wait3A_147] : memref<10000x16xf32, #tpu.memory_space<vmem_shared>> -> memref<10000x16xf32, #tpu.memory_space<vmem_shared>>
    tpu.wait_indirect_dma semaphore(%arg11 : memref<!tpu.dma_semaphore, #tpu.memory_space<semaphore_mem>>) src(%arg7 : memref<100x16xf32, #tpu.memory_space<vmem>>) dst(%dma_wait3A_148 : memref<10000x16xf32, #tpu.memory_space<vmem_shared>>)
    %dma_wait3A_149 = arith.constant 0 : i32
    %dma_wait3A_150 = arith.constant 0 : i32
    %dma_wait3A_151 = tpu.memref_slice %arg6[%dma_wait3A_149, %dma_wait3A_150] : memref<200x100xi32, #tpu.memory_space<vmem>> -> memref<1x100xi32, #tpu.memory_space<vmem>>
    %dma_wait3A_152 = tpu.memref_squeeze %dma_wait3A_151 : memref<1x100xi32, #tpu.memory_space<vmem>> -> memref<100xi32, #tpu.memory_space<vmem>>
    %dma_wait3A_153 = arith.constant 0 : i32
    %dma_wait3A_154 = arith.constant 0 : i32
    %dma_wait3A_155 = tpu.memref_slice %arg8[%dma_wait3A_153, %dma_wait3A_154] : memref<10000x16xf32, #tpu.memory_space<vmem_shared>> -> memref<10000x16xf32, #tpu.memory_space<vmem_shared>>
    tpu.wait_indirect_dma semaphore(%arg11 : memref<!tpu.dma_semaphore, #tpu.memory_space<semaphore_mem>>) src(%arg7 : memref<100x16xf32, #tpu.memory_space<vmem>>) dst(%dma_wait3A_155 : memref<10000x16xf32, #tpu.memory_space<vmem_shared>>)
    %barrier3A_156 = arith.constant 0 : index
    tpu.barrier barrier_id(%barrier3A_156)
    "tpu.region"() ({
      %run_scoped3A = tpu.sem_alloc : memref<!tpu.dma_semaphore, #tpu.memory_space<semaphore_mem>>
      %dma_start3A_157 = arith.constant 0 : i32
      %dma_start3A_158 = tpu.memref_slice %arg5[%arg0, %mul3A_7, %dma_start3A_157] : memref<2x10000x16xf32, #tpu.memory_space<hbm>> -> memref<1x625x16xf32, #tpu.memory_space<hbm>>
      %dma_start3A_159 = tpu.memref_squeeze %dma_start3A_158 : memref<1x625x16xf32, #tpu.memory_space<hbm>> -> memref<625x16xf32, #tpu.memory_space<hbm>>
      %dma_start3A_160 = arith.constant 0 : i32
      %dma_start3A_161 = tpu.memref_slice %arg8[%mul3A_7, %dma_start3A_160] : memref<10000x16xf32, #tpu.memory_space<vmem_shared>> -> memref<625x16xf32, #tpu.memory_space<vmem_shared>>
      tpu.enqueue_dma source(%dma_start3A_161 : memref<625x16xf32, #tpu.memory_space<vmem_shared>>) target(%dma_start3A_159 : memref<625x16xf32, #tpu.memory_space<hbm>>) target_semaphore(%run_scoped3A : memref<!tpu.dma_semaphore, #tpu.memory_space<semaphore_mem>>)
      %dma_wait3A_162 = arith.constant 0 : i32
      %dma_wait3A_163 = tpu.memref_slice %arg5[%arg0, %mul3A_7, %dma_wait3A_162] : memref<2x10000x16xf32, #tpu.memory_space<hbm>> -> memref<1x625x16xf32, #tpu.memory_space<hbm>>
      %dma_wait3A_164 = tpu.memref_squeeze %dma_wait3A_163 : memref<1x625x16xf32, #tpu.memory_space<hbm>> -> memref<625x16xf32, #tpu.memory_space<hbm>>
      %dma_wait3A_165 = arith.constant 0 : i32
      %dma_wait3A_166 = tpu.memref_slice %arg8[%mul3A_7, %dma_wait3A_165] : memref<10000x16xf32, #tpu.memory_space<vmem_shared>> -> memref<625x16xf32, #tpu.memory_space<vmem_shared>>
      tpu.wait_dma2 semaphore(%run_scoped3A : memref<!tpu.dma_semaphore, #tpu.memory_space<semaphore_mem>>) src(%dma_wait3A_166 : memref<625x16xf32, #tpu.memory_space<vmem_shared>>) dst(%dma_wait3A_164 : memref<625x16xf32, #tpu.memory_space<hbm>>)
      tpu.yield
    }) : () -> ()
    return
  }
}

module attributes {stable_mosaic.version = 14 : i64} {
  func.func @_prep_body(%arg0: memref<10000x128xf32, #tpu.memory_space<vmem>>, %arg1: memref<128x16xf32, #tpu.memory_space<vmem>>, %arg2: memref<10000x16xf32, #tpu.memory_space<vmem>>, %arg3: memref<10000x16xf32, #tpu.memory_space<vmem>>, %arg4: memref<10000x16xf32, #tpu.memory_space<vmem>>, %arg5: memref<10000x16xf32, #tpu.memory_space<vmem>>) attributes {dimension_semantics = [], scalar_prefetch = 0 : i64, scratch_operands = 0 : i64, tpu.core_type = #tpu.core_type<tc>} {
    %get3A = arith.constant 0 : index
    %get3A_0 = arith.constant 0 : index
    %get3A_1 = vector.load %arg2[%get3A, %get3A_0] : memref<10000x16xf32, #tpu.memory_space<vmem>>, vector<10000x1xf32>
    %get3A_2 = arith.constant 0 : index
    %get3A_3 = arith.constant 0 : index
    %get3A_4 = vector.load %arg3[%get3A_2, %get3A_3] : memref<10000x16xf32, #tpu.memory_space<vmem>>, vector<10000x1xf32>
    %add3A = arith.addf %get3A_1, %get3A_4 : vector<10000x1xf32>
    %add3A_5 = arith.constant 1.000000e+00 : f32
    %add3A_6 = vector.broadcast %add3A_5 : f32 to vector<10000x1xf32>
    %add3A_7 = arith.addf %add3A, %add3A_6 : vector<10000x1xf32>
    %rsqrt3A = math.rsqrt %add3A_7 : vector<10000x1xf32>
    %get3A_8 = arith.constant 0 : index
    %get3A_9 = arith.constant 0 : index
    %get3A_10 = vector.load %arg0[%get3A_8, %get3A_9] : memref<10000x128xf32, #tpu.memory_space<vmem>>, vector<10000x128xf32>
    %get3A_11 = arith.constant 0 : index
    %get3A_12 = arith.constant 0 : index
    %get3A_13 = vector.load %arg1[%get3A_11, %get3A_12] : memref<128x16xf32, #tpu.memory_space<vmem>>, vector<128x16xf32>
    %dot_general3A = arith.constant dense<0.000000e+00> : vector<10000x16xf32>
    %dot_general3A_14 = tpu.matmul %get3A_10, %get3A_13, %dot_general3A {dimension_numbers = #tpu.dot_dimension_numbers<[1], [0], [0], [1], [0, 0, 1, 1], [], []>, transpose_lhs_hint = false} : vector<10000x128xf32>, vector<128x16xf32>, vector<10000x16xf32> -> vector<10000x16xf32>
    %mul3A = vector.broadcast %rsqrt3A : vector<10000x1xf32> to vector<10000x16xf32>
    %mul3A_15 = arith.mulf %dot_general3A_14, %mul3A : vector<10000x16xf32>
    %swap3A = arith.constant 0 : index
    %swap3A_16 = arith.constant 0 : index
    %swap3A_17 = vector.load %arg4[%swap3A, %swap3A_16] : memref<10000x16xf32, #tpu.memory_space<vmem>>, vector<10000x16xf32>
    tpu.vector_store %arg4[%swap3A, %swap3A_16], %mul3A_15 {strides = array<i32>} : memref<10000x16xf32, #tpu.memory_space<vmem>>, vector<10000x16xf32>,
    %broadcast_in_dim3A = vector.shape_cast %rsqrt3A : vector<10000x1xf32> to vector<10000x1xf32>
    %broadcast_in_dim3A_18 = vector.broadcast %broadcast_in_dim3A : vector<10000x1xf32> to vector<10000x16xf32>
    %swap3A_19 = arith.constant 0 : index
    %swap3A_20 = arith.constant 0 : index
    %swap3A_21 = vector.load %arg5[%swap3A_19, %swap3A_20] : memref<10000x16xf32, #tpu.memory_space<vmem>>, vector<10000x16xf32>
    tpu.vector_store %arg5[%swap3A_19, %swap3A_20], %broadcast_in_dim3A_18 {strides = array<i32>} : memref<10000x16xf32, #tpu.memory_space<vmem>>, vector<10000x16xf32>,
    return
  }
}

module attributes {stable_mosaic.version = 14 : i64} {
  func.func @_out_body(%arg0: memref<10000x16xf32, #tpu.memory_space<vmem>>, %arg1: memref<10000x16xf32, #tpu.memory_space<vmem>>, %arg2: memref<10000x16xf32, #tpu.memory_space<vmem>>, %arg3: memref<10000x16xf32, #tpu.memory_space<vmem>>, %arg4: memref<16x128xf32, #tpu.memory_space<vmem>>, %arg5: memref<1x128xf32, #tpu.memory_space<vmem>>, %arg6: memref<10000x128xf32, #tpu.memory_space<vmem>>) attributes {dimension_semantics = [], scalar_prefetch = 0 : i64, scratch_operands = 0 : i64, tpu.core_type = #tpu.core_type<tc>} {
    %get3A = arith.constant 0 : index
    %get3A_0 = arith.constant 0 : index
    %get3A_1 = vector.load %arg0[%get3A, %get3A_0] : memref<10000x16xf32, #tpu.memory_space<vmem>>, vector<10000x16xf32>
    %get3A_2 = arith.constant 0 : index
    %get3A_3 = arith.constant 0 : index
    %get3A_4 = vector.load %arg1[%get3A_2, %get3A_3] : memref<10000x16xf32, #tpu.memory_space<vmem>>, vector<10000x16xf32>
    %add3A = arith.addf %get3A_1, %get3A_4 : vector<10000x16xf32>
    %get3A_5 = arith.constant 0 : index
    %get3A_6 = arith.constant 0 : index
    %get3A_7 = vector.load %arg2[%get3A_5, %get3A_6] : memref<10000x16xf32, #tpu.memory_space<vmem>>, vector<10000x16xf32>
    %add3A_8 = arith.addf %add3A, %get3A_7 : vector<10000x16xf32>
    %get3A_9 = arith.constant 0 : index
    %get3A_10 = arith.constant 0 : index
    %get3A_11 = vector.load %arg3[%get3A_9, %get3A_10] : memref<10000x16xf32, #tpu.memory_space<vmem>>, vector<10000x16xf32>
    %mul3A = arith.mulf %add3A_8, %get3A_11 : vector<10000x16xf32>
    %get3A_12 = arith.constant 0 : index
    %get3A_13 = arith.constant 0 : index
    %get3A_14 = vector.load %arg4[%get3A_12, %get3A_13] : memref<16x128xf32, #tpu.memory_space<vmem>>, vector<16x128xf32>
    %dot_general3A = arith.constant dense<0.000000e+00> : vector<10000x128xf32>
    %dot_general3A_15 = tpu.matmul %mul3A, %get3A_14, %dot_general3A {dimension_numbers = #tpu.dot_dimension_numbers<[1], [0], [0], [1], [0, 0, 1, 1], [], []>, transpose_lhs_hint = false} : vector<10000x16xf32>, vector<16x128xf32>, vector<10000x128xf32> -> vector<10000x128xf32>
    %get3A_16 = arith.constant 0 : index
    %get3A_17 = arith.constant 0 : index
    %get3A_18 = vector.load %arg5[%get3A_16, %get3A_17] : memref<1x128xf32, #tpu.memory_space<vmem>>, vector<1x128xf32>
    %add3A_19 = vector.broadcast %get3A_18 : vector<1x128xf32> to vector<10000x128xf32>
    %add3A_20 = arith.addf %dot_general3A_15, %add3A_19 : vector<10000x128xf32>
    %reduce_max3A = arith.constant dense<0xFF800000> : vector<10000xf32>
    %reduce_max3A_21 = vector.multi_reduction <maximumf>, %add3A_20, %reduce_max3A [1] : vector<10000x128xf32> to vector<10000xf32>
    %broadcast_in_dim3A = vector.shape_cast %reduce_max3A_21 : vector<10000xf32> to vector<10000x1xf32>
    %sub3A = vector.broadcast %broadcast_in_dim3A : vector<10000x1xf32> to vector<10000x128xf32>
    %sub3A_22 = arith.subf %add3A_20, %sub3A : vector<10000x128xf32>
    %exp3A = math.exp %sub3A_22 : vector<10000x128xf32>
    %reduce_sum3A = arith.constant dense<0.000000e+00> : vector<10000xf32>
    %reduce_sum3A_23 = vector.multi_reduction <add>, %exp3A, %reduce_sum3A [1] : vector<10000x128xf32> to vector<10000xf32>
    %broadcast_in_dim3A_24 = vector.shape_cast %reduce_sum3A_23 : vector<10000xf32> to vector<10000x1xf32>
    %sub3A_25 = vector.broadcast %broadcast_in_dim3A : vector<10000x1xf32> to vector<10000x128xf32>
    %sub3A_26 = arith.subf %add3A_20, %sub3A_25 : vector<10000x128xf32>
    %log3A = math.log %broadcast_in_dim3A_24 : vector<10000x1xf32>
    %sub3A_27 = vector.broadcast %log3A : vector<10000x1xf32> to vector<10000x128xf32>
    %sub3A_28 = arith.subf %sub3A_26, %sub3A_27 : vector<10000x128xf32>
    %swap3A = arith.constant 0 : index
    %swap3A_29 = arith.constant 0 : index
    %swap3A_30 = vector.load %arg6[%swap3A, %swap3A_29] : memref<10000x128xf32, #tpu.memory_space<vmem>>, vector<10000x128xf32>
    tpu.vector_store %arg6[%swap3A, %swap3A_29], %sub3A_28 {strides = array<i32>} : memref<10000x128xf32, #tpu.memory_space<vmem>>, vector<10000x128xf32>,
    return
  }
}

</mosaic_0001>

<sc_bundles>
// kernel: kernel.10.cloned.1.call-start
scs
__scs_entry_jumppad:
0x0: {  	(pc) =	sbr.rel $0x88, $3  }
0x1: {  	(tag) =	ssettag $0x0;
	lr =	simm.s32 $0x1  }
0x2: {  	[smem:$0x3F9B] =	sst lr;
	_ =	strace $0xD0000000  }
0x3: {  	_ = 	snop  }
0x4: {  	_ = 	snop  }
0x5: {  	_ = 	snop  }
0x6: {  	_ = 	snop  }
0x7: {  	_ = 	snop  }
__scs_overlays_trampoline_lowered:
0x8: {  	[smem:$0x3FAA] =	sst s0  }
0x9: {  	[smem:$0x3FAB] =	sst s1  }
0xa: {  	[smem:$0x3FAC] =	sst s2  }
0xb: {  	[smem:$0x3FAD] =	sst s3  }
0xc: {  	[smem:$0x3FAE] =	sst s4  }
0xd: {  	[smem:$0x3FAF] =	sst s5  }
0xe: {  	[smem:$0x3FB0] =	sst s6  }
0xf: {  	[smem:$0x3FB1] =	sst s7  }
0x10: {  	[smem:$0x3FB2] =	sst s8  }
0x11: {  	[smem:$0x3FB3] =	sst s9;
	s0 =	simm.s32 @!p0 $0x0  }
0x12: {  	s1 =	sld [smem:$0x3F99];
	s0 =	simm.s32 @p0 $0x1  }
0x13: {  	[smem:$0x3FB4] =	sst s0;
	s0 =	simm.s32 @!p1 $0x0  }
0x14: {  	s2 =	sld [smem:$0x3F98];
	s0 =	simm.s32 @p1 $0x1  }
0x15: {  	[smem:$0x3FB5] =	sst s0;
	s0 =	simm.s32 @!p2 $0x0  }
0x16: {  	s3 =	sld [smem:$0x3FDB];
	s0 =	simm.s32 @p2 $0x1  }
0x17: {  	s4 =	simm.s32 $0x1BF5;
	[smem:$0x3FB7] =	sst s0  }
0x18: {  	s0 =	sld [smem:$0x3F9A];
	_ =	swait.ge [sflag:s4], $0x0  }
0x19: {  	s7 =	sld [smem:$0x3F9B]  }
0x1a: {  	s8 =	sadd.s32 $0xFFFFE003, lr  }
0x1b: {  	s9 =	sadd.s32 $0xFFFFFEF7, lr;
	s5 =	simm.s32 $0xFFFFFFFF;
	p2 =	slt.u32 s8, $0xFFFFF086  }
0x1c: {  	p1 =	slt.u32 s9, $0xF7A;
	s5 =	simm.s32 @!p2 $0x0  }
0x1d: {  	s5 =	simm.s32 @p1 $0x1;
	p0 =	seq.s32 s7, s2  }
0x1e: {  	s7 =	smul.u32 @!p0 $0xF7A, s2;
	p2 =	seq.s32 @!p0 s5, $0x0  }
0x1f: {  	s9 =	smul.u32 $0xF7A, s1;
	s8 =	simm.s32 @!p0 $0x1BF5;
	p2 =	por !p2, p0  }
0x20: {  	[sflag:s8] =	ssyncset.s32 @!p0 $0xFFFFF086;
	s6 =	sadd.s32 @!p0 s3, s7;
	s7 =	simm.s32 @!p0 $0x108  }
0x21: {  	s3 =	sadd.s32 s3, s9;
	s6 =	sadd.s32 @!p0 $0x88, s6;
	s7 =	simm.s32 @p2 $0x1082  }
0x22: {  	[simem:s7], [sflag:s8] =	dma.local @!p0 [hbm:s6], $0xF7A  }
0x23: {  	s9 =	sor.u32 $0xD0000000, s2;
	s6 =	simm.s32 $0x108;
	_ =	swait.ge @!p0 [sflag:s8], $0x0  }
0x24: {  	s3 =	sadd.s32 $0x88, s3;
	s6 =	simm.s32 @!p1 $0x1082;
	[sflag:s4] =	ssyncset.s32 $0xFFFFF086  }
0x25: {  	[simem:s6], [sflag:s4] =	dma.local [hbm:s3], $0xF7A  }
0x26: {  	[smem:$0x3F9B] =	sst s1;
	(tag) =	ssettag s2;
	_ =	strace s9  }
0x27: {  	s1 =	sld [smem:$0x3FAB]  }
0x28: {  	s2 =	sld [smem:$0x3FAC]  }
0x29: {  	s4 =	sld [smem:$0x3FAE]  }
0x2a: {  	p0 =	seq.s32 s5, $0x0;
	s5 =	sld [smem:$0x3FAF]  }
0x2b: {  	s6 =	sld [smem:$0x3FB0]  }
0x2c: {  	s7 =	sld [smem:$0x3FB1]  }
0x2d: {  	s3 =	simm.s32 $0x108;
	s8 =	sld [smem:$0x3FB2]  }
0x2e: {  	s3 =	simm.s32 @!p0 $0x1082;
	s9 =	sld [smem:$0x3FB3]  }
0x2f: {  	lr =	sadd.s32 s0, s3;
	s0 =	sld [smem:$0x3FAA]  }
0x30: {  	s3 =	sld [smem:$0x3FAD]  }
0x31: {  	[smem:$0x3FB6] =	sst s10  }
0x32: {  	s10 =	sld [smem:$0x3FB4];
	_ =	sdelay $0x3  }
0x33: {  	p0 =	seq.s32 s10, $0x1;
	s10 =	sld [smem:$0x3FB6];
	_ =	sdelay $0x3  }
0x34: {  	[smem:$0x3FB6] =	sst s10  }
0x35: {  	s10 =	sld [smem:$0x3FB5];
	_ =	sdelay $0x3  }
0x36: {  	p1 =	seq.s32 s10, $0x1;
	s10 =	sld [smem:$0x3FB6];
	_ =	sdelay $0x3  }
0x37: {  	[smem:$0x3FB6] =	sst s10  }
0x38: {  	s10 =	sld [smem:$0x3FB7]  }
0x39: {  	_ = 	snop;
	(pc) =	sbr.ind lr, $3  }
0x3a: {  	_ = 	snop  }
0x3b: {  	_ = 	snop  }
0x3c: {  	p2 =	seq.s32 s10, $0x1;
	s10 =	sld [smem:$0x3FB6]  }
0x3d: {  	_ =	shalt  }
0x3e: {  	_ =	shalt  }
0x3f: {  	_ =	shalt  }
0x40: {  	_ =	shalt  }
0x41: {  	_ =	shalt  }
0x42: {  	_ =	shalt  }
0x43: {  	_ =	shalt  }
0x44: {  	_ =	shalt  }
0x45: {  	_ =	shalt  }
0x46: {  	_ =	shalt  }
0x47: {  	_ =	shalt  }
0x48: {  	_ =	shalt  }
0x49: {  	_ =	shalt  }
0x4a: {  	_ =	shalt  }
0x4b: {  	_ =	shalt  }
0x4c: {  	_ =	shalt  }
0x4d: {  	_ =	shalt  }
0x4e: {  	_ =	shalt  }
0x4f: {  	_ =	shalt  }
0x50: {  	_ =	shalt  }
0x51: {  	_ =	shalt  }
0x52: {  	_ =	shalt  }
0x53: {  	_ =	shalt  }
0x54: {  	_ =	shalt  }
0x55: {  	_ =	shalt  }
0x56: {  	_ =	shalt  }
0x57: {  	_ =	shalt  }
0x58: {  	_ =	shalt  }
0x59: {  	_ =	shalt  }
0x5a: {  	_ =	shalt  }
0x5b: {  	_ =	shalt  }
0x5c: {  	_ =	shalt  }
0x5d: {  	_ =	shalt  }
0x5e: {  	_ =	shalt  }
0x5f: {  	_ =	shalt  }
0x60: {  	_ =	shalt  }
0x61: {  	_ =	shalt  }
0x62: {  	_ =	shalt  }
0x63: {  	_ =	shalt  }
0x64: {  	_ =	shalt  }
0x65: {  	_ =	shalt  }
0x66: {  	_ =	shalt  }
0x67: {  	_ =	shalt  }
0x68: {  	_ =	shalt  }
0x69: {  	_ =	shalt  }
0x6a: {  	_ =	shalt  }
0x6b: {  	_ =	shalt  }
0x6c: {  	_ =	shalt  }
0x6d: {  	_ =	shalt  }
0x6e: {  	_ =	shalt  }
0x6f: {  	_ =	shalt  }
0x70: {  	_ =	shalt  }
0x71: {  	_ =	shalt  }
0x72: {  	_ =	shalt  }
0x73: {  	_ =	shalt  }
0x74: {  	_ =	shalt  }
0x75: {  	_ =	shalt  }
0x76: {  	_ =	shalt  }
0x77: {  	_ =	shalt  }
0x78: {  	_ =	shalt  }
0x79: {  	_ =	shalt  }
0x7a: {  	_ =	shalt  }
0x7b: {  	_ =	shalt  }
0x7c: {  	_ =	shalt  }
0x7d: {  	_ =	shalt  }
0x7e: {  	_ =	shalt  }
0x7f: {  	_ =	shalt  }
0x80: {  	_ =	shalt  }
0x81: {  	_ =	shalt  }
0x82: {  	_ =	shalt  }
0x83: {  	_ =	shalt  }
0x84: {  	_ =	shalt  }
0x85: {  	_ =	shalt  }
0x86: {  	_ =	shalt  }
0x87: {  	_ =	shalt  }
.Lfunc_end0:
.L_simem_size_0:
called_computation.1_lowered:
.L_overlay_start_0:
0x88: {  	s2 =	sld [smem:$0x3FD9]  }
0x89: {  	s3 =	sld [smem:$0x3FFE];
	_ =	sdelay $0x1  }
0x8a: {  	s1 =	srdreg.scid  }
0x8b: {  	s0 =	sand.u32 $0x1, s1  }
0x8c: {  	s16 =	sshll.u32 s0, $0xA;
	s2 =	sadd.s32 s3, s2  }
0x8d: {  	s2 =	sadd.s32 s2, s16  }
0x8e: {  	[smem:$0x3FC2] =	sst s2  }
0x8f: {  	_ = 	snop  }
0x90: {  	(tm) =	ssettm $0x1  }
0x91: {  	s17 =	sld [smem:$0x3FFB];
	_ =	sdelay $0x3  }
0x92: {  	_ =	strace s17  }
0x93: {  	s2 =	sld [smem:$0x3FFC];
	_ =	sdelay $0x3  }
0x94: {  	_ =	strace s2  }
0x95: {  	s2 =	sld [smem:$0x3FFD];
	_ =	sdelay $0x3  }
0x96: {  	_ =	strace s2  }
0x97: {  	_ =	strace $0x8FFFFFFF  }
0x98: {  	s18 =	sld [smem:$0x3FDB];
	_ =	sdelay $0x1  }
0x99: {  	s19 =	simm.s32 $_scs_section_size  }
0x9a: {  	s4 =	simm.s32 $_size__tile_overlayer_lowered;
	s5 =	simm.s32 $_tile_overlayer_lowered  }
0x9b: {  	s22 =	simm.s32 $0x1BFF;
	s21 =	sshll.u32 s5, $0x1;
	s2 =	sadd.s32 s19, s18  }
0x9c: {  	s6 =	simm.s32 $0x0;
	s20 =	sshll.u32 s4, $0x1;
	s4 =	sadd.s32 s21, s2  }
0x9d: {  	[timem:s6], [sflag:s22] =	dma.local [hbm:s4], s20  }
0x9e: {  	_ =	swait.ge [sflag:s22], s20  }
0x9f: {  	s3 =	ssub.s32 $0x0, s20;
	[sflag:s22] =	ssyncset.done $0x0  }
0xa0: {  	[sflag:s22] =	ssyncadd.s32 s3;
	_ =	sdelay $0x1  }
0xa1: {  	s23 =	simm.s32 $0x1B8B  }
0xa2: {  	_ =	swait.ge [sflag:s23], $0x1  }
0xa3: {  	[sflag:s23] =	ssyncset.done $0x0  }
0xa4: {  	s25 =	simm.s32 $0x1B8E;
	s24 =	sld [smem:$0x3FFE];
	[sflag:s23] =	ssyncadd.s32 $0xFFFFFFFF  }
0xa5: {  	s26 =	simm.s32 $execute0_lowered;
	[smem:$0x3FD2] =	sst s25  }
0xa6: {  	s4 =	sshll.u32 s26, $0x1;
	_ =	strace $0x80000049;
	[dreg:$0x1] =	wrdreg $0xFFFFFFFF  }
0xa7: {  	s28 =	simm.s32 $_size_execute0_lowered;
	s2 =	sadd.s32 s2, s4;
	[dreg:$0x0] =	wrdreg $0x0  }
0xa8: {  	s4 =	sshll.u32 s28, $0x1;
	[dreg:$0x2] =	wrdreg s2  }
0xa9: {  	[dreg:$0x3] =	wrdreg s4  }
0xaa: {  	[dreg:$0x4] =	wrdreg $0xC0  }
0xab: {  	_ =	task [dreg:s6], $0x5FFFF  }
0xac: {  	[dreg:$0x1] =	wrdreg $0xFFFFFFFF  }
0xad: {  	[dreg:$0x0] =	wrdreg $0x60  }
0xae: {  	[dreg:$0x2] =	wrdreg s24  }
0xaf: {  	[dreg:$0x3] =	wrdreg $0x119400  }
0xb0: {  	[dreg:$0x4] =	wrdreg $0x140500  }
0xb1: {  	[dreg:$0x5] =	wrdreg $0x9  }
0xb2: {  	_ =	task.clear_ibuf [dreg:s6], $0x6FFFF;
	_ =	strace $0x90000049  }
0xb3: {  	s29 =	simm.s32 $0x9;
	_ =	strace $0x8000004B  }
0xb4: {  	_ =	swait.ge [sflag:s29], $0x1  }
0xb5: {  	[sflag:s29] =	ssyncadd.s32 $0xFFFFFFFF  }
0xb6: {  	_ =	strace $0x9000004B  }
0xb7: {  	_ =	sfence  }
0xb8: {  	s30 =	sld [smem:$0x0];
	_ =	sdelay $0x2  }
0xb9: {  	s31 =	sshll.u32 s1, $0xD;
	s1 =	sshrl.u32 s1, $0x2  }
0xba: {  	s3 =	sand.u32 $0x4000, s31;
	s1 =	sadd.s32 s1, s30  }
0xbb: {  	s0 =	sor.u32 s3, s0;
	s1 =	sshll.u32 s1, $0x11  }
0xbc: {  	s0 =	sor.u32 s1, s0  }
0xbd: {  	s0 =	sadd.s32 $0x8F2B, s0  }
0xbe: {  	[sflag:s0] =	ssyncadd.remote.s32 $0x1  }
0xbf: {  	_ =	sfence.sel $0xFFFF  }
0xc0: {  	[dreg:$0x0] =	wrdreg $0xFFFFFFFF;
	(pc) =	sbr.abs _section_cstart, $3  }
0xc1: {  	[dreg:$0x1] =	wrdreg $0xFFFFFFFF  }
0xc2: {  	_ =	task.clear_ibuf [dreg:s6], $0x2FFFF;
	_ =	strace $0x9FFFFFFF  }
0xc3: {  	(tm) =	ssettm $0x7FFFFFFF  }
tec
execute0_lowered:
.L_overlay_start_1:
0x0: {  	(tag) =	ssettag $0x1  }
0x1: {  	s1 =	rddreg [dreg:$0x0]  }
0x2: {  	s0 =	srdreg.scid;
	s3 =	rddreg [dreg:$0x1]  }
0x3: {  	s15 =	stileid.u32;
	s16 =	rddreg [dreg:$0x3];
	s29 =	simm.s32 $0x0  }
0x4: {  	s0 =	sand.u32 $0x1, s0;
	s2 =	sshll.u32 s15, $0x1;
	[smem:$0x7FF] =	sst s29  }
0x5: {  	s21 =	simm.s32 $0x5208;
	s4 =	sor.u32 s0, s2;
	s2 =	rddreg [dreg:$0x2]  }
0x6: {  	s22 =	simm.s32 $0x7D0;
	_ =	strace $0x8000004A;
	[dreg:$0xa] =	wrdreg s21  }
0x7: {  	s23 =	simm.s32 $0x55F0;
	[dreg:$0xb] =	wrdreg s22  }
0x8: {  	s24 =	simm.s32 $0xBB8;
	[dreg:$0xc] =	wrdreg s23  }
0x9: {  	s25 =	simm.s32 $0x59D8;
	s26 =	simm.s32 $0xFA0;
	[dreg:$0xd] =	wrdreg s24  }
0xa: {  	s9 =	simm.s32 $0x1770;
	s11 =	simm.s32 $0x6590;
	[dreg:$0xe] =	wrdreg s25  }
0xb: {  	s12 =	simm.s32 $0x1B58;
	s14 =	simm.s32 $0x6978;
	[dreg:$0xf] =	wrdreg s26  }
0xc: {  	s30 =	simm.s32 $0x4E20;
	s31 =	simm.s32 $0x1;
	[dreg:$0x13] =	wrdreg s9  }
0xd: {  	s28 =	simm.s32 $0x36B0;
	p0 =	por $0x0, $0x0;
	[dreg:$0x14] =	wrdreg s11  }
0xe: {  	s5 =	smul.u32 $0x2710, s15;
	s10 =	sshll.u32 s15, $0x6;
	[dreg:$0x15] =	wrdreg s12  }
0xf: {  	s7 =	smul.u32 $0x27100, s0;
	s0 =	ssub.s32 $0x2, s0;
	[dreg:$0x16] =	wrdreg s14  }
0x10: {  	s21 =	simm.s32 $0x2710;
	s22 =	simm.s32 $0x7530;
	s23 =	simm.s32 $0x2AF8  }
0x11: {  	s24 =	simm.s32 $0x7918;
	s25 =	simm.s32 $0x2EE0;
	[dreg:$0x1b] =	wrdreg s21  }
0x12: {  	s12 =	simm.s32 $0x3;
	s26 =	simm.s32 $0x7D00;
	[dreg:$0x1c] =	wrdreg s22  }
0x13: {  	s11 =	simm.s32 $0x4;
	s9 =	simm.s32 $0x5;
	[dreg:$0x1d] =	wrdreg s23  }
0x14: {  	s14 =	simm.s32 $0x9858;
	s4 =	smul.u32 $0x9C4, s4;
	[dreg:$0x1e] =	wrdreg s24  }
0x15: {  	s6 =	sshrl.u32 s5, $0x3;
	s19 =	sadd.s32 s5, s3;
	[dreg:$0x1f] =	wrdreg s25  }
0x16: {  	s13 =	sadd.s32 s5, s2;
	[smem:$0x7FD] =	sst s26;
	s21 =	simm.s32 $0x80E8  }
0x17: {  	s26 =	simm.s32 $0x84D0;
	s25 =	simm.s32 $0x3A98;
	s24 =	simm.s32 $0x88B8  }
0x18: {  	s23 =	simm.s32 $0x3E80;
	s22 =	simm.s32 $0x4268;
	s6 =	sadd.s32 s6, s1  }
0x19: {  	s7 =	sadd.s32 s5, s7;
	s20 =	sshrl.u32 s19, $0x3;
	s5 =	simm.s32 $0x6  }
0x1a: {  	s19 =	simm.s32 $0x2328;
	s4 =	sadd.s32 s4, s1;
	s7 =	sshrl.u32 s7, $0x3  }
0x1b: {  	s17 =	sadd.s32 $0x2E800, s6;
	s18 =	sadd.s32 $0x29800, s6;
	[dreg:$0x9] =	wrdreg s20  }
0x1c: {  	s6 =	simm.s32 $0x1388;
	[dreg:$0x19] =	wrdreg s19;
	s20 =	simm.s32 $0x7148  }
0x1d: {  	s19 =	simm.s32 $0x4650;
	s8 =	sadd.s32 $0x15E00, s4;
	[dreg:$0x6] =	wrdreg s17  }
0x1e: {  	s4 =	sadd.s32 $0x2400, s4;
	s1 =	sadd.s32 s7, s1;
	[dreg:$0x7] =	wrdreg s18  }
0x1f: {  	s7 =	sshrl.u32 s0, $0x1;
	[dreg:$0x11] =	wrdreg s6;
	s17 =	simm.s32 $0x1F40  }
0x20: {  	s18 =	simm.s32 $0x6D60;
	s6 =	sshrl.u32 s13, $0x3;
	[dreg:$0x1a] =	wrdreg s20  }
0x21: {  	s13 =	simm.s32 $0x2;
	[dreg:$0x4] =	wrdreg s8;
	s0 =	ssub.s32 s0, s7  }
0x22: {  	s20 =	simm.s32 $0x9088;
	[dreg:$0x5] =	wrdreg s4;
	s0 =	smax.u32 s0, $0x1  }
0x23: {  	s1 =	sadd.s32 $0x33800, s1;
	[dreg:$0x17] =	wrdreg s17;
	p1 =	sne.s32 s0, $0x1  }
.Ltmp0:
0x24: {  	s4 =	simm.s32 $0x5DC0;
	[dreg:$0x18] =	wrdreg s18;
	(pc) =	sbr.rel @!p1 .LBB2_1-.Ltmp0, $4  }
0x25: {  	s8 =	simm.s32 $0x61A8;
	s7 =	simm.s32 $0x3E8;
	[dreg:$0x8] =	wrdreg s1  }
0x26: {  	s18 =	simm.s32 $0x9470;
	s17 =	simm.s32 $0x4A38;
	[dreg:$0x10] =	wrdreg s4  }
0x27: {  	[dreg:$0x12] =	wrdreg s8;
	s4 =	sor.u32 $0x1C06, s10;
	s10 =	simm.s32 $0x9C40  }
0x28: {  	s8 =	simm.s32 $0xDAC0;
	s1 =	sadd.s32 $0xFFFFFFFF, s0;
	s0 =	rddreg [dreg:$0x9]  }
0x29: {  	s15 =	smov.u32 s1;
	s1 =	rddreg [dreg:$0x4]  }
0x2a: {  	s16 =	rddreg [dreg:$0x5]  }
0x2b: {  	[tilespmem:s29], [sflag:$0x1] =	stream.linear.gather [hbm4b:s1+s29], $0x4E20, $0x38;
	[tilespmem:$0x16760] =	vst v63  }
0x2c: {  	s1 =	rddreg [dreg:$0x6]  }
0x2d: {  	[tilespmem:s30], [sflag:$0x1] =	stream.linear.gather [hbm4b:s16+s29], $0x4E20, $0x38;
	[tilespmem:$0x16760] =	vst v63  }
0x2e: {  	[spmem:s0], [sflag:s4] =	dma.local [hbm:s1], $0x4E2  }
0x2f: {  	_ =	swait.ge [sflag:s5], $0x4E2  }
0x30: {  	[sflag:s5] =	ssyncset.done $0x0  }
0x31: {  	s16 =	rddreg [dreg:$0x7];
	[sflag:s5] =	ssyncadd.s32 $0xFFFFFB1E  }
0x32: {  	[spmem:s6], [sflag:s4] =	dma.local [hbm:s16], $0x4E2  }
0x33: {  	_ =	swait.ge [sflag:s5], $0x4E2  }
0x34: {  	[sflag:s5] =	ssyncset.done $0x0  }
0x35: {  	[sflag:s5] =	ssyncadd.s32 $0xFFFFFB1E  }
0x36: {  	[bflag:$0x0] =	sbarrier.arrive $0xFFFF  }
0x37: {  	_ =	swait.ge [sflag:s31], $0x4E20  }
0x38: {  	[sflag:s31] =	ssyncset.done $0x0  }
0x39: {  	[sflag:s31] =	ssyncadd.s32 $0xFFFFB1E0  }
0x3a: {  	_ =	swait.ge [sflag:s31], $0x4E20  }
0x3b: {  	[sflag:s31] =	ssyncset.done $0x0  }
0x3c: {  	[sflag:s31] =	ssyncadd.s32 $0xFFFFB1E0  }
0x3d: {  	[tilespmem:s10], [sflag:$0x2] =	stream.indirect.gather [spmem:s3], $0x10, s29, s7, $0xb8;
	[tilespmem:$0x16760] =	vst v63  }
0x3e: {  	_ =	swait.ge [sflag:s13], $0x3E80  }
0x3f: {  	[sflag:s13] =	ssyncset.done $0x0  }
0x40: {  	[sflag:s13] =	ssyncadd.s32 $0xFFFFC180  }
0x41: {  	[spmem:s2] =	stream.indirect.scatter.add.f32 [tilespmem:s10], [sflag:$0x4], $0x10, s30, s7, $0xb8;
	[tilespmem:$0x16760] =	vst v63  }
0x42: {  	_ = 	snop  }
0x43: {  	[tilespmem:s8], [sflag:$0x3] =	stream.indirect.gather [spmem:s3], $0x10, s7, s7, $0xb8;
	[tilespmem:$0x16760] =	vst v63  }
0x44: {  	_ =	swait.ge [sflag:s12], $0x3E80  }
0x45: {  	[sflag:s12] =	ssyncset.done $0x0  }
0x46: {  	s1 =	rddreg [dreg:$0xa];
	[sflag:s12] =	ssyncadd.s32 $0xFFFFC180  }
0x47: {  	[spmem:s2] =	stream.indirect.scatter.add.f32 [tilespmem:s8], [sflag:$0x5], $0x10, s1, s7, $0xb8;
	[tilespmem:$0x16760] =	vst v63  }
0x48: {  	_ =	swait.ge [sflag:s11], $0x3E80  }
0x49: {  	[sflag:s11] =	ssyncset.done $0x0  }
0x4a: {  	s16 =	rddreg [dreg:$0xb];
	[sflag:s11] =	ssyncadd.s32 $0xFFFFC180  }
0x4b: {  	[tilespmem:s10], [sflag:$0x2] =	stream.indirect.gather [spmem:s3], $0x10, s16, s7, $0xb8;
	[tilespmem:$0x16760] =	vst v63  }
0x4c: {  	_ =	swait.ge [sflag:s13], $0x3E80  }
0x4d: {  	[sflag:s13] =	ssyncset.done $0x0  }
0x4e: {  	s1 =	rddreg [dreg:$0xc];
	[sflag:s13] =	ssyncadd.s32 $0xFFFFC180  }
0x4f: {  	[spmem:s2] =	stream.indirect.scatter.add.f32 [tilespmem:s10], [sflag:$0x4], $0x10, s1, s7, $0xb8;
	[tilespmem:$0x16760] =	vst v63  }
0x50: {  	_ =	swait.ge [sflag:s9], $0x3E80  }
0x51: {  	[sflag:s9] =	ssyncset.done $0x0  }
0x52: {  	s16 =	rddreg [dreg:$0xd];
	[sflag:s9] =	ssyncadd.s32 $0xFFFFC180  }
0x53: {  	[tilespmem:s8], [sflag:$0x3] =	stream.indirect.gather [spmem:s3], $0x10, s16, s7, $0xb8;
	[tilespmem:$0x16760] =	vst v63  }
0x54: {  	_ =	swait.ge [sflag:s12], $0x3E80  }
0x55: {  	[sflag:s12] =	ssyncset.done $0x0  }
0x56: {  	s1 =	rddreg [dreg:$0xe];
	[sflag:s12] =	ssyncadd.s32 $0xFFFFC180  }
0x57: {  	[spmem:s2] =	stream.indirect.scatter.add.f32 [tilespmem:s8], [sflag:$0x5], $0x10, s1, s7, $0xb8;
	[tilespmem:$0x16760] =	vst v63  }
0x58: {  	_ =	swait.ge [sflag:s11], $0x3E80  }
0x59: {  	[sflag:s11] =	ssyncset.done $0x0  }
0x5a: {  	s16 =	rddreg [dreg:$0xf];
	[sflag:s11] =	ssyncadd.s32 $0xFFFFC180  }
0x5b: {  	[tilespmem:s10], [sflag:$0x2] =	stream.indirect.gather [spmem:s3], $0x10, s16, s7, $0xb8;
	[tilespmem:$0x16760] =	vst v63  }
0x5c: {  	_ =	swait.ge [sflag:s13], $0x3E80  }
0x5d: {  	[sflag:s13] =	ssyncset.done $0x0  }
0x5e: {  	s1 =	rddreg [dreg:$0x10];
	[sflag:s13] =	ssyncadd.s32 $0xFFFFC180  }
0x5f: {  	[spmem:s2] =	stream.indirect.scatter.add.f32 [tilespmem:s10], [sflag:$0x4], $0x10, s1, s7, $0xb8;
	[tilespmem:$0x16760] =	vst v63  }
0x60: {  	_ =	swait.ge [sflag:s9], $0x3E80  }
0x61: {  	[sflag:s9] =	ssyncset.done $0x0  }
0x62: {  	s16 =	rddreg [dreg:$0x11];
	[sflag:s9] =	ssyncadd.s32 $0xFFFFC180  }
0x63: {  	[tilespmem:s8], [sflag:$0x3] =	stream.indirect.gather [spmem:s3], $0x10, s16, s7, $0xb8;
	[tilespmem:$0x16760] =	vst v63  }
0x64: {  	_ =	swait.ge [sflag:s12], $0x3E80  }
0x65: {  	[sflag:s12] =	ssyncset.done $0x0  }
0x66: {  	s1 =	rddreg [dreg:$0x12];
	[sflag:s12] =	ssyncadd.s32 $0xFFFFC180  }
0x67: {  	[spmem:s2] =	stream.indirect.scatter.add.f32 [tilespmem:s8], [sflag:$0x5], $0x10, s1, s7, $0xb8;
	[tilespmem:$0x16760] =	vst v63  }
0x68: {  	_ =	swait.ge [sflag:s11], $0x3E80  }
0x69: {  	[sflag:s11] =	ssyncset.done $0x0  }
0x6a: {  	s16 =	rddreg [dreg:$0x13];
	[sflag:s11] =	ssyncadd.s32 $0xFFFFC180  }
0x6b: {  	[tilespmem:s10], [sflag:$0x2] =	stream.indirect.gather [spmem:s3], $0x10, s16, s7, $0xb8;
	[tilespmem:$0x16760] =	vst v63  }
0x6c: {  	_ =	swait.ge [sflag:s13], $0x3E80  }
0x6d: {  	[sflag:s13] =	ssyncset.done $0x0  }
0x6e: {  	s1 =	rddreg [dreg:$0x14];
	[sflag:s13] =	ssyncadd.s32 $0xFFFFC180  }
0x6f: {  	[spmem:s2] =	stream.indirect.scatter.add.f32 [tilespmem:s10], [sflag:$0x4], $0x10, s1, s7, $0xb8;
	[tilespmem:$0x16760] =	vst v63  }
0x70: {  	_ =	swait.ge [sflag:s9], $0x3E80  }
0x71: {  	[sflag:s9] =	ssyncset.done $0x0  }
0x72: {  	s16 =	rddreg [dreg:$0x15];
	[sflag:s9] =	ssyncadd.s32 $0xFFFFC180  }
0x73: {  	[tilespmem:s8], [sflag:$0x3] =	stream.indirect.gather [spmem:s3], $0x10, s16, s7, $0xb8;
	[tilespmem:$0x16760] =	vst v63  }
0x74: {  	_ =	swait.ge [sflag:s12], $0x3E80  }
0x75: {  	[sflag:s12] =	ssyncset.done $0x0  }
0x76: {  	s1 =	rddreg [dreg:$0x16];
	[sflag:s12] =	ssyncadd.s32 $0xFFFFC180  }
0x77: {  	[spmem:s2] =	stream.indirect.scatter.add.f32 [tilespmem:s8], [sflag:$0x5], $0x10, s1, s7, $0xb8;
	[tilespmem:$0x16760] =	vst v63  }
0x78: {  	_ =	swait.ge [sflag:s11], $0x3E80  }
0x79: {  	[sflag:s11] =	ssyncset.done $0x0  }
0x7a: {  	s16 =	rddreg [dreg:$0x17];
	[sflag:s11] =	ssyncadd.s32 $0xFFFFC180  }
0x7b: {  	[tilespmem:s10], [sflag:$0x2] =	stream.indirect.gather [spmem:s3], $0x10, s16, s7, $0xb8;
	[tilespmem:$0x16760] =	vst v63  }
0x7c: {  	_ =	swait.ge [sflag:s13], $0x3E80  }
0x7d: {  	[sflag:s13] =	ssyncset.done $0x0  }
0x7e: {  	s1 =	rddreg [dreg:$0x18];
	[sflag:s13] =	ssyncadd.s32 $0xFFFFC180  }
0x7f: {  	[spmem:s2] =	stream.indirect.scatter.add.f32 [tilespmem:s10], [sflag:$0x4], $0x10, s1, s7, $0xb8;
	[tilespmem:$0x16760] =	vst v63  }
0x80: {  	_ =	swait.ge [sflag:s9], $0x3E80  }
0x81: {  	[sflag:s9] =	ssyncset.done $0x0  }
0x82: {  	s16 =	rddreg [dreg:$0x19];
	[sflag:s9] =	ssyncadd.s32 $0xFFFFC180  }
0x83: {  	[tilespmem:s8], [sflag:$0x3] =	stream.indirect.gather [spmem:s3], $0x10, s16, s7, $0xb8;
	[tilespmem:$0x16760] =	vst v63  }
0x84: {  	_ =	swait.ge [sflag:s12], $0x3E80  }
0x85: {  	[sflag:s12] =	ssyncset.done $0x0  }
0x86: {  	s1 =	rddreg [dreg:$0x1a];
	[sflag:s12] =	ssyncadd.s32 $0xFFFFC180  }
0x87: {  	[spmem:s2] =	stream.indirect.scatter.add.f32 [tilespmem:s8], [sflag:$0x5], $0x10, s1, s7, $0xb8;
	[tilespmem:$0x16760] =	vst v63  }
0x88: {  	_ =	swait.ge [sflag:s11], $0x3E80  }
0x89: {  	[sflag:s11] =	ssyncset.done $0x0  }
0x8a: {  	s16 =	rddreg [dreg:$0x1b];
	[sflag:s11] =	ssyncadd.s32 $0xFFFFC180  }
0x8b: {  	[tilespmem:s10], [sflag:$0x2] =	stream.indirect.gather [spmem:s3], $0x10, s16, s7, $0xb8;
	[tilespmem:$0x16760] =	vst v63  }
0x8c: {  	_ =	swait.ge [sflag:s13], $0x3E80  }
0x8d: {  	[sflag:s13] =	ssyncset.done $0x0  }
0x8e: {  	s1 =	rddreg [dreg:$0x1c];
	[sflag:s13] =	ssyncadd.s32 $0xFFFFC180  }
0x8f: {  	[spmem:s2] =	stream.indirect.scatter.add.f32 [tilespmem:s10], [sflag:$0x4], $0x10, s1, s7, $0xb8;
	[tilespmem:$0x16760] =	vst v63  }
0x90: {  	_ =	swait.ge [sflag:s9], $0x3E80  }
0x91: {  	[sflag:s9] =	ssyncset.done $0x0  }
0x92: {  	s16 =	rddreg [dreg:$0x1d];
	[sflag:s9] =	ssyncadd.s32 $0xFFFFC180  }
0x93: {  	[tilespmem:s8], [sflag:$0x3] =	stream.indirect.gather [spmem:s3], $0x10, s16, s7, $0xb8;
	[tilespmem:$0x16760] =	vst v63  }
0x94: {  	_ =	swait.ge [sflag:s12], $0x3E80  }
0x95: {  	[sflag:s12] =	ssyncset.done $0x0  }
0x96: {  	s1 =	rddreg [dreg:$0x1e];
	[sflag:s12] =	ssyncadd.s32 $0xFFFFC180  }
0x97: {  	[spmem:s2] =	stream.indirect.scatter.add.f32 [tilespmem:s8], [sflag:$0x5], $0x10, s1, s7, $0xb8;
	[tilespmem:$0x16760] =	vst v63  }
0x98: {  	_ =	swait.ge [sflag:s11], $0x3E80  }
0x99: {  	[sflag:s11] =	ssyncset.done $0x0  }
0x9a: {  	s16 =	rddreg [dreg:$0x1f];
	[sflag:s11] =	ssyncadd.s32 $0xFFFFC180  }
0x9b: {  	[tilespmem:s10], [sflag:$0x2] =	stream.indirect.gather [spmem:s3], $0x10, s16, s7, $0xb8;
	[tilespmem:$0x16760] =	vst v63  }
0x9c: {  	_ =	swait.ge [sflag:s13], $0x3E80  }
0x9d: {  	s1 =	sld [smem:$0x7FD]  }
0x9e: {  	[sflag:s13] =	ssyncset.done $0x0  }
0x9f: {  	[sflag:s13] =	ssyncadd.s32 $0xFFFFC180  }
0xa0: {  	[spmem:s2] =	stream.indirect.scatter.add.f32 [tilespmem:s10], [sflag:$0x4], $0x10, s1, s7, $0xb8;
	[tilespmem:$0x16760] =	vst v63  }
0xa1: {  	_ =	swait.ge [sflag:s9], $0x3E80  }
0xa2: {  	[sflag:s9] =	ssyncset.done $0x0  }
0xa3: {  	s16 =	simm.s32 $0x32C8;
	[sflag:s9] =	ssyncadd.s32 $0xFFFFC180  }
0xa4: {  	[tilespmem:s8], [sflag:$0x3] =	stream.indirect.gather [spmem:s3], $0x10, s16, s7, $0xb8;
	[tilespmem:$0x16760] =	vst v63  }
0xa5: {  	_ =	swait.ge [sflag:s12], $0x3E80  }
0xa6: {  	[sflag:s12] =	ssyncset.done $0x0  }
0xa7: {  	[sflag:s12] =	ssyncadd.s32 $0xFFFFC180  }
0xa8: {  	[spmem:s2] =	stream.indirect.scatter.add.f32 [tilespmem:s8], [sflag:$0x5], $0x10, s21, s7, $0xb8;
	[tilespmem:$0x16760] =	vst v63  }
0xa9: {  	_ =	swait.ge [sflag:s11], $0x3E80  }
0xaa: {  	[sflag:s11] =	ssyncset.done $0x0  }
0xab: {  	[sflag:s11] =	ssyncadd.s32 $0xFFFFC180  }
0xac: {  	[tilespmem:s10], [sflag:$0x2] =	stream.indirect.gather [spmem:s3], $0x10, s28, s7, $0xb8;
	[tilespmem:$0x16760] =	vst v63  }
0xad: {  	_ =	swait.ge [sflag:s13], $0x3E80  }
0xae: {  	[sflag:s13] =	ssyncset.done $0x0  }
0xaf: {  	[sflag:s13] =	ssyncadd.s32 $0xFFFFC180  }
0xb0: {  	[spmem:s2] =	stream.indirect.scatter.add.f32 [tilespmem:s10], [sflag:$0x4], $0x10, s26, s7, $0xb8;
	[tilespmem:$0x16760] =	vst v63  }
0xb1: {  	_ =	swait.ge [sflag:s9], $0x3E80  }
0xb2: {  	[sflag:s9] =	ssyncset.done $0x0  }
0xb3: {  	[sflag:s9] =	ssyncadd.s32 $0xFFFFC180  }
0xb4: {  	[tilespmem:s8], [sflag:$0x3] =	stream.indirect.gather [spmem:s3], $0x10, s25, s7, $0xb8;
	[tilespmem:$0x16760] =	vst v63  }
0xb5: {  	_ =	swait.ge [sflag:s12], $0x3E80  }
0xb6: {  	[sflag:s12] =	ssyncset.done $0x0  }
0xb7: {  	[sflag:s12] =	ssyncadd.s32 $0xFFFFC180  }
0xb8: {  	[spmem:s2] =	stream.indirect.scatter.add.f32 [tilespmem:s8], [sflag:$0x5], $0x10, s24, s7, $0xb8;
	[tilespmem:$0x16760] =	vst v63  }
0xb9: {  	_ =	swait.ge [sflag:s11], $0x3E80  }
0xba: {  	[sflag:s11] =	ssyncset.done $0x0  }
0xbb: {  	[sflag:s11] =	ssyncadd.s32 $0xFFFFC180  }
0xbc: {  	[tilespmem:s10], [sflag:$0x2] =	stream.indirect.gather [spmem:s3], $0x10, s23, s7, $0xb8;
	[tilespmem:$0x16760] =	vst v63  }
0xbd: {  	_ =	swait.ge [sflag:s13], $0x3E80  }
0xbe: {  	[sflag:s13] =	ssyncset.done $0x0  }
0xbf: {  	s1 =	simm.s32 $0x8CA0;
	[sflag:s13] =	ssyncadd.s32 $0xFFFFC180  }
0xc0: {  	[spmem:s2] =	stream.indirect.scatter.add.f32 [tilespmem:s10], [sflag:$0x4], $0x10, s1, s7, $0xb8;
	[tilespmem:$0x16760] =	vst v63  }
0xc1: {  	_ =	swait.ge [sflag:s9], $0x3E80  }
0xc2: {  	[sflag:s9] =	ssyncset.done $0x0  }
0xc3: {  	[sflag:s9] =	ssyncadd.s32 $0xFFFFC180  }
0xc4: {  	[tilespmem:s8], [sflag:$0x3] =	stream.indirect.gather [spmem:s3], $0x10, s22, s7, $0xb8;
	[tilespmem:$0x16760] =	vst v63  }
0xc5: {  	_ =	swait.ge [sflag:s12], $0x3E80  }
0xc6: {  	[sflag:s12] =	ssyncset.done $0x0  }
0xc7: {  	[sflag:s12] =	ssyncadd.s32 $0xFFFFC180  }
0xc8: {  	[spmem:s2] =	stream.indirect.scatter.add.f32 [tilespmem:s8], [sflag:$0x5], $0x10, s20, s7, $0xb8;
	[tilespmem:$0x16760] =	vst v63  }
0xc9: {  	_ =	swait.ge [sflag:s11], $0x3E80  }
0xca: {  	[sflag:s11] =	ssyncset.done $0x0  }
0xcb: {  	[sflag:s11] =	ssyncadd.s32 $0xFFFFC180  }
0xcc: {  	[tilespmem:s10], [sflag:$0x2] =	stream.indirect.gather [spmem:s3], $0x10, s19, s7, $0xb8;
	[tilespmem:$0x16760] =	vst v63  }
0xcd: {  	_ =	swait.ge [sflag:s13], $0x3E80  }
0xce: {  	[sflag:s13] =	ssyncset.done $0x0  }
0xcf: {  	[sflag:s13] =	ssyncadd.s32 $0xFFFFC180  }
0xd0: {  	[spmem:s2] =	stream.indirect.scatter.add.f32 [tilespmem:s10], [sflag:$0x4], $0x10, s18, s7, $0xb8;
	[tilespmem:$0x16760] =	vst v63  }
0xd1: {  	_ =	swait.ge [sflag:s9], $0x3E80  }
0xd2: {  	[sflag:s9] =	ssyncset.done $0x0  }
0xd3: {  	[sflag:s9] =	ssyncadd.s32 $0xFFFFC180  }
0xd4: {  	[tilespmem:s8], [sflag:$0x3] =	stream.indirect.gather [spmem:s3], $0x10, s17, s7, $0xb8;
	[tilespmem:$0x16760] =	vst v63  }
0xd5: {  	_ =	swait.ge [sflag:s12], $0x3E80  }
0xd6: {  	[sflag:s12] =	ssyncset.done $0x0  }
0xd7: {  	[sflag:s12] =	ssyncadd.s32 $0xFFFFC180  }
0xd8: {  	[spmem:s2] =	stream.indirect.scatter.add.f32 [tilespmem:s8], [sflag:$0x5], $0x10, s14, s7, $0xb8;
	[tilespmem:$0x16760] =	vst v63  }
0xd9: {  	_ =	swait.ge [sflag:s11], $0x3E80  }
0xda: {  	[sflag:s11] =	ssyncset.done $0x0  }
0xdb: {  	[sflag:s11] =	ssyncadd.s32 $0xFFFFC180  }
0xdc: {  	_ =	swait.ge [sflag:s9], $0x3E80  }
0xdd: {  	[sflag:s9] =	ssyncset.done $0x0  }
0xde: {  	p1 =	sne.s32 s15, $0x1;
	[sflag:s9] =	ssyncadd.s32 $0xFFFFC180  }
.Ltmp1:
0xdf: {  	[bflag:$0x0] =	sbarrier.arrive $0xFFFF;
	(pc) =	sbr.rel @!p1 .LBB2_3-.Ltmp1, $4  }
0xe0: {  	s16 =	rddreg [dreg:$0x8]  }
0xe1: {  	[hbm:s16], [sflag:s4] =	dma.local [spmem:s6], $0x4E2  }
0xe2: {  	p0 =	por $0x1, $0x1;
	_ =	swait.ge [sflag:s5], $0x4E2  }
0xe3: {  	s1 =	sadd.s32 $0xFFFFFFFF, s15;
	s0 =	rddreg [dreg:$0x9];
	[sflag:s5] =	ssyncset.done $0x0  }
.LBB2_4:
0xe4: {  	s14 =	rddreg [dreg:$0x4]  }
0xe5: {  	[sflag:s5] =	ssyncadd.s32 $0xFFFFFB1E;
	s15 =	rddreg [dreg:$0x6]  }
0xe6: {  	[tilespmem:s29], [sflag:$0x1] =	stream.linear.gather [hbm4b:s14+s29], $0x4E20, $0x38;
	[tilespmem:$0x16760] =	vst v63  }
0xe7: {  	s16 =	rddreg [dreg:$0x5]  }
0xe8: {  	[tilespmem:s30], [sflag:$0x1] =	stream.linear.gather [hbm4b:s16+s29], $0x4E20, $0x38;
	[tilespmem:$0x16760] =	vst v63  }
0xe9: {  	[spmem:s0], [sflag:s4] =	dma.local [hbm:s15], $0x4E2  }
0xea: {  	_ =	swait.ge [sflag:s5], $0x4E2  }
0xeb: {  	[sflag:s5] =	ssyncset.done $0x0  }
0xec: {  	s16 =	rddreg [dreg:$0x7];
	[sflag:s5] =	ssyncadd.s32 $0xFFFFFB1E  }
0xed: {  	[spmem:s6], [sflag:s4] =	dma.local [hbm:s16], $0x4E2  }
0xee: {  	_ =	swait.ge [sflag:s5], $0x4E2  }
0xef: {  	[sflag:s5] =	ssyncset.done $0x0  }
0xf0: {  	[sflag:s5] =	ssyncadd.s32 $0xFFFFFB1E  }
0xf1: {  	[bflag:$0x0] =	sbarrier.arrive $0xFFFF  }
0xf2: {  	_ =	swait.ge [sflag:s31], $0x4E20  }
0xf3: {  	[sflag:s31] =	ssyncset.done $0x0  }
0xf4: {  	[sflag:s31] =	ssyncadd.s32 $0xFFFFB1E0  }
0xf5: {  	_ =	swait.ge [sflag:s31], $0x4E20  }
0xf6: {  	[sflag:s31] =	ssyncset.done $0x0  }
0xf7: {  	[sflag:s31] =	ssyncadd.s32 $0xFFFFB1E0  }
0xf8: {  	[tilespmem:s10], [sflag:$0x2] =	stream.indirect.gather [spmem:s3], $0x10, s29, s7, $0xb8;
	[tilespmem:$0x16760] =	vst v63  }
0xf9: {  	_ =	swait.ge [sflag:s13], $0x3E80  }
0xfa: {  	[sflag:s13] =	ssyncset.done $0x0  }
0xfb: {  	[sflag:s13] =	ssyncadd.s32 $0xFFFFC180  }
0xfc: {  	[spmem:s2] =	stream.indirect.scatter.add.f32 [tilespmem:s10], [sflag:$0x4], $0x10, s30, s7, $0xb8;
	[tilespmem:$0x16760] =	vst v63  }
0xfd: {  	_ = 	snop  }
0xfe: {  	[tilespmem:s8], [sflag:$0x3] =	stream.indirect.gather [spmem:s3], $0x10, s7, s7, $0xb8;
	[tilespmem:$0x16760] =	vst v63  }
0xff: {  	_ =	swait.ge [sflag:s12], $0x3E80  }
0x100: {  	[sflag:s12] =	ssyncset.done $0x0  }
0x101: {  	s15 =	rddreg [dreg:$0xa];
	[sflag:s12] =	ssyncadd.s32 $0xFFFFC180  }
0x102: {  	[spmem:s2] =	stream.indirect.scatter.add.f32 [tilespmem:s8], [sflag:$0x5], $0x10, s15, s7, $0xb8;
	[tilespmem:$0x16760] =	vst v63  }
0x103: {  	_ =	swait.ge [sflag:s11], $0x3E80  }
0x104: {  	[sflag:s11] =	ssyncset.done $0x0  }
0x105: {  	s16 =	rddreg [dreg:$0xb];
	[sflag:s11] =	ssyncadd.s32 $0xFFFFC180  }
0x106: {  	[tilespmem:s10], [sflag:$0x2] =	stream.indirect.gather [spmem:s3], $0x10, s16, s7, $0xb8;
	[tilespmem:$0x16760] =	vst v63  }
0x107: {  	_ =	swait.ge [sflag:s13], $0x3E80  }
0x108: {  	[sflag:s13] =	ssyncset.done $0x0  }
0x109: {  	s15 =	rddreg [dreg:$0xc];
	[sflag:s13] =	ssyncadd.s32 $0xFFFFC180  }
0x10a: {  	[spmem:s2] =	stream.indirect.scatter.add.f32 [tilespmem:s10], [sflag:$0x4], $0x10, s15, s7, $0xb8;
	[tilespmem:$0x16760] =	vst v63  }
0x10b: {  	_ =	swait.ge [sflag:s9], $0x3E80  }
0x10c: {  	[sflag:s9] =	ssyncset.done $0x0  }
0x10d: {  	s16 =	rddreg [dreg:$0xd];
	[sflag:s9] =	ssyncadd.s32 $0xFFFFC180  }
0x10e: {  	[tilespmem:s8], [sflag:$0x3] =	stream.indirect.gather [spmem:s3], $0x10, s16, s7, $0xb8;
	[tilespmem:$0x16760] =	vst v63  }
0x10f: {  	_ =	swait.ge [sflag:s12], $0x3E80  }
0x110: {  	[sflag:s12] =	ssyncset.done $0x0  }
0x111: {  	s15 =	rddreg [dreg:$0xe];
	[sflag:s12] =	ssyncadd.s32 $0xFFFFC180  }
0x112: {  	[spmem:s2] =	stream.indirect.scatter.add.f32 [tilespmem:s8], [sflag:$0x5], $0x10, s15, s7, $0xb8;
	[tilespmem:$0x16760] =	vst v63  }
0x113: {  	_ =	swait.ge [sflag:s11], $0x3E80  }
0x114: {  	[sflag:s11] =	ssyncset.done $0x0  }
0x115: {  	s16 =	rddreg [dreg:$0xf];
	[sflag:s11] =	ssyncadd.s32 $0xFFFFC180  }
0x116: {  	[tilespmem:s10], [sflag:$0x2] =	stream.indirect.gather [spmem:s3], $0x10, s16, s7, $0xb8;
	[tilespmem:$0x16760] =	vst v63  }
0x117: {  	_ =	swait.ge [sflag:s13], $0x3E80  }
0x118: {  	[sflag:s13] =	ssyncset.done $0x0  }
0x119: {  	s15 =	rddreg [dreg:$0x10];
	[sflag:s13] =	ssyncadd.s32 $0xFFFFC180  }
0x11a: {  	[spmem:s2] =	stream.indirect.scatter.add.f32 [tilespmem:s10], [sflag:$0x4], $0x10, s15, s7, $0xb8;
	[tilespmem:$0x16760] =	vst v63  }
0x11b: {  	_ =	swait.ge [sflag:s9], $0x3E80  }
0x11c: {  	[sflag:s9] =	ssyncset.done $0x0  }
0x11d: {  	s16 =	rddreg [dreg:$0x11];
	[sflag:s9] =	ssyncadd.s32 $0xFFFFC180  }
0x11e: {  	[tilespmem:s8], [sflag:$0x3] =	stream.indirect.gather [spmem:s3], $0x10, s16, s7, $0xb8;
	[tilespmem:$0x16760] =	vst v63  }
0x11f: {  	_ =	swait.ge [sflag:s12], $0x3E80  }
0x120: {  	[sflag:s12] =	ssyncset.done $0x0  }
0x121: {  	s15 =	rddreg [dreg:$0x12];
	[sflag:s12] =	ssyncadd.s32 $0xFFFFC180  }
0x122: {  	[spmem:s2] =	stream.indirect.scatter.add.f32 [tilespmem:s8], [sflag:$0x5], $0x10, s15, s7, $0xb8;
	[tilespmem:$0x16760] =	vst v63  }
0x123: {  	_ =	swait.ge [sflag:s11], $0x3E80  }
0x124: {  	[sflag:s11] =	ssyncset.done $0x0  }
0x125: {  	s16 =	rddreg [dreg:$0x13];
	[sflag:s11] =	ssyncadd.s32 $0xFFFFC180  }
0x126: {  	[tilespmem:s10], [sflag:$0x2] =	stream.indirect.gather [spmem:s3], $0x10, s16, s7, $0xb8;
	[tilespmem:$0x16760] =	vst v63  }
0x127: {  	_ =	swait.ge [sflag:s13], $0x3E80  }
0x128: {  	[sflag:s13] =	ssyncset.done $0x0  }
0x129: {  	s15 =	rddreg [dreg:$0x14];
	[sflag:s13] =	ssyncadd.s32 $0xFFFFC180  }
0x12a: {  	[spmem:s2] =	stream.indirect.scatter.add.f32 [tilespmem:s10], [sflag:$0x4], $0x10, s15, s7, $0xb8;
	[tilespmem:$0x16760] =	vst v63  }
0x12b: {  	_ =	swait.ge [sflag:s9], $0x3E80  }
0x12c: {  	[sflag:s9] =	ssyncset.done $0x0  }
0x12d: {  	s16 =	rddreg [dreg:$0x15];
	[sflag:s9] =	ssyncadd.s32 $0xFFFFC180  }
0x12e: {  	[tilespmem:s8], [sflag:$0x3] =	stream.indirect.gather [spmem:s3], $0x10, s16, s7, $0xb8;
	[tilespmem:$0x16760] =	vst v63  }
0x12f: {  	_ =	swait.ge [sflag:s12], $0x3E80  }
0x130: {  	[sflag:s12] =	ssyncset.done $0x0  }
0x131: {  	s15 =	rddreg [dreg:$0x16];
	[sflag:s12] =	ssyncadd.s32 $0xFFFFC180  }
0x132: {  	[spmem:s2] =	stream.indirect.scatter.add.f32 [tilespmem:s8], [sflag:$0x5], $0x10, s15, s7, $0xb8;
	[tilespmem:$0x16760] =	vst v63  }
0x133: {  	_ =	swait.ge [sflag:s11], $0x3E80  }
0x134: {  	[sflag:s11] =	ssyncset.done $0x0  }
0x135: {  	s16 =	rddreg [dreg:$0x17];
	[sflag:s11] =	ssyncadd.s32 $0xFFFFC180  }
0x136: {  	[tilespmem:s10], [sflag:$0x2] =	stream.indirect.gather [spmem:s3], $0x10, s16, s7, $0xb8;
	[tilespmem:$0x16760] =	vst v63  }
0x137: {  	_ =	swait.ge [sflag:s13], $0x3E80  }
0x138: {  	[sflag:s13] =	ssyncset.done $0x0  }
0x139: {  	s15 =	rddreg [dreg:$0x18];
	[sflag:s13] =	ssyncadd.s32 $0xFFFFC180  }
0x13a: {  	[spmem:s2] =	stream.indirect.scatter.add.f32 [tilespmem:s10], [sflag:$0x4], $0x10, s15, s7, $0xb8;
	[tilespmem:$0x16760] =	vst v63  }
0x13b: {  	_ =	swait.ge [sflag:s9], $0x3E80  }
0x13c: {  	[sflag:s9] =	ssyncset.done $0x0  }
0x13d: {  	s16 =	rddreg [dreg:$0x19];
	[sflag:s9] =	ssyncadd.s32 $0xFFFFC180  }
0x13e: {  	[tilespmem:s8], [sflag:$0x3] =	stream.indirect.gather [spmem:s3], $0x10, s16, s7, $0xb8;
	[tilespmem:$0x16760] =	vst v63  }
0x13f: {  	_ =	swait.ge [sflag:s12], $0x3E80  }
0x140: {  	[sflag:s12] =	ssyncset.done $0x0  }
0x141: {  	s15 =	rddreg [dreg:$0x1a];
	[sflag:s12] =	ssyncadd.s32 $0xFFFFC180  }
0x142: {  	[spmem:s2] =	stream.indirect.scatter.add.f32 [tilespmem:s8], [sflag:$0x5], $0x10, s15, s7, $0xb8;
	[tilespmem:$0x16760] =	vst v63  }
0x143: {  	_ =	swait.ge [sflag:s11], $0x3E80  }
0x144: {  	[sflag:s11] =	ssyncset.done $0x0  }
0x145: {  	s16 =	rddreg [dreg:$0x1b];
	[sflag:s11] =	ssyncadd.s32 $0xFFFFC180  }
0x146: {  	[tilespmem:s10], [sflag:$0x2] =	stream.indirect.gather [spmem:s3], $0x10, s16, s7, $0xb8;
	[tilespmem:$0x16760] =	vst v63  }
0x147: {  	_ =	swait.ge [sflag:s13], $0x3E80  }
0x148: {  	[sflag:s13] =	ssyncset.done $0x0  }
0x149: {  	s15 =	rddreg [dreg:$0x1c];
	[sflag:s13] =	ssyncadd.s32 $0xFFFFC180  }
0x14a: {  	[spmem:s2] =	stream.indirect.scatter.add.f32 [tilespmem:s10], [sflag:$0x4], $0x10, s15, s7, $0xb8;
	[tilespmem:$0x16760] =	vst v63  }
0x14b: {  	_ =	swait.ge [sflag:s9], $0x3E80  }
0x14c: {  	[sflag:s9] =	ssyncset.done $0x0  }
0x14d: {  	s16 =	rddreg [dreg:$0x1d];
	[sflag:s9] =	ssyncadd.s32 $0xFFFFC180  }
0x14e: {  	[tilespmem:s8], [sflag:$0x3] =	stream.indirect.gather [spmem:s3], $0x10, s16, s7, $0xb8;
	[tilespmem:$0x16760] =	vst v63  }
0x14f: {  	_ =	swait.ge [sflag:s12], $0x3E80  }
0x150: {  	[sflag:s12] =	ssyncset.done $0x0  }
0x151: {  	s15 =	rddreg [dreg:$0x1e];
	[sflag:s12] =	ssyncadd.s32 $0xFFFFC180  }
0x152: {  	[spmem:s2] =	stream.indirect.scatter.add.f32 [tilespmem:s8], [sflag:$0x5], $0x10, s15, s7, $0xb8;
	[tilespmem:$0x16760] =	vst v63  }
0x153: {  	_ =	swait.ge [sflag:s11], $0x3E80  }
0x154: {  	[sflag:s11] =	ssyncset.done $0x0  }
0x155: {  	s16 =	rddreg [dreg:$0x1f];
	[sflag:s11] =	ssyncadd.s32 $0xFFFFC180  }
0x156: {  	[tilespmem:s10], [sflag:$0x2] =	stream.indirect.gather [spmem:s3], $0x10, s16, s7, $0xb8;
	[tilespmem:$0x16760] =	vst v63  }
0x157: {  	_ =	swait.ge [sflag:s13], $0x3E80  }
0x158: {  	s15 =	sld [smem:$0x7FD]  }
0x159: {  	[sflag:s13] =	ssyncset.done $0x0  }
0x15a: {  	[sflag:s13] =	ssyncadd.s32 $0xFFFFC180  }
0x15b: {  	[spmem:s2] =	stream.indirect.scatter.add.f32 [tilespmem:s10], [sflag:$0x4], $0x10, s15, s7, $0xb8;
	[tilespmem:$0x16760] =	vst v63  }
0x15c: {  	_ =	swait.ge [sflag:s9], $0x3E80  }
0x15d: {  	[sflag:s9] =	ssyncset.done $0x0  }
0x15e: {  	s16 =	simm.s32 $0x32C8;
	[sflag:s9] =	ssyncadd.s32 $0xFFFFC180  }
0x15f: {  	[tilespmem:s8], [sflag:$0x3] =	stream.indirect.gather [spmem:s3], $0x10, s16, s7, $0xb8;
	[tilespmem:$0x16760] =	vst v63  }
0x160: {  	_ =	swait.ge [sflag:s12], $0x3E80  }
0x161: {  	[sflag:s12] =	ssyncset.done $0x0  }
0x162: {  	[sflag:s12] =	ssyncadd.s32 $0xFFFFC180  }
0x163: {  	[spmem:s2] =	stream.indirect.scatter.add.f32 [tilespmem:s8], [sflag:$0x5], $0x10, s21, s7, $0xb8;
	[tilespmem:$0x16760] =	vst v63  }
0x164: {  	_ =	swait.ge [sflag:s11], $0x3E80  }
0x165: {  	[sflag:s11] =	ssyncset.done $0x0  }
0x166: {  	[sflag:s11] =	ssyncadd.s32 $0xFFFFC180  }
0x167: {  	[tilespmem:s10], [sflag:$0x2] =	stream.indirect.gather [spmem:s3], $0x10, s28, s7, $0xb8;
	[tilespmem:$0x16760] =	vst v63  }
0x168: {  	_ =	swait.ge [sflag:s13], $0x3E80  }
0x169: {  	[sflag:s13] =	ssyncset.done $0x0  }
0x16a: {  	[sflag:s13] =	ssyncadd.s32 $0xFFFFC180  }
0x16b: {  	[spmem:s2] =	stream.indirect.scatter.add.f32 [tilespmem:s10], [sflag:$0x4], $0x10, s26, s7, $0xb8;
	[tilespmem:$0x16760] =	vst v63  }
0x16c: {  	_ =	swait.ge [sflag:s9], $0x3E80  }
0x16d: {  	[sflag:s9] =	ssyncset.done $0x0  }
0x16e: {  	[sflag:s9] =	ssyncadd.s32 $0xFFFFC180  }
0x16f: {  	[tilespmem:s8], [sflag:$0x3] =	stream.indirect.gather [spmem:s3], $0x10, s25, s7, $0xb8;
	[tilespmem:$0x16760] =	vst v63  }
0x170: {  	_ =	swait.ge [sflag:s12], $0x3E80  }
0x171: {  	[sflag:s12] =	ssyncset.done $0x0  }
0x172: {  	[sflag:s12] =	ssyncadd.s32 $0xFFFFC180  }
0x173: {  	[spmem:s2] =	stream.indirect.scatter.add.f32 [tilespmem:s8], [sflag:$0x5], $0x10, s24, s7, $0xb8;
	[tilespmem:$0x16760] =	vst v63  }
0x174: {  	_ =	swait.ge [sflag:s11], $0x3E80  }
0x175: {  	[sflag:s11] =	ssyncset.done $0x0  }
0x176: {  	[sflag:s11] =	ssyncadd.s32 $0xFFFFC180  }
0x177: {  	[tilespmem:s10], [sflag:$0x2] =	stream.indirect.gather [spmem:s3], $0x10, s23, s7, $0xb8;
	[tilespmem:$0x16760] =	vst v63  }
0x178: {  	_ =	swait.ge [sflag:s13], $0x3E80  }
0x179: {  	[sflag:s13] =	ssyncset.done $0x0  }
0x17a: {  	s15 =	simm.s32 $0x8CA0;
	[sflag:s13] =	ssyncadd.s32 $0xFFFFC180  }
0x17b: {  	[spmem:s2] =	stream.indirect.scatter.add.f32 [tilespmem:s10], [sflag:$0x4], $0x10, s15, s7, $0xb8;
	[tilespmem:$0x16760] =	vst v63  }
0x17c: {  	_ =	swait.ge [sflag:s9], $0x3E80  }
0x17d: {  	[sflag:s9] =	ssyncset.done $0x0  }
0x17e: {  	[sflag:s9] =	ssyncadd.s32 $0xFFFFC180  }
0x17f: {  	[tilespmem:s8], [sflag:$0x3] =	stream.indirect.gather [spmem:s3], $0x10, s22, s7, $0xb8;
	[tilespmem:$0x16760] =	vst v63  }
0x180: {  	_ =	swait.ge [sflag:s12], $0x3E80  }
0x181: {  	[sflag:s12] =	ssyncset.done $0x0  }
0x182: {  	[sflag:s12] =	ssyncadd.s32 $0xFFFFC180  }
0x183: {  	[spmem:s2] =	stream.indirect.scatter.add.f32 [tilespmem:s8], [sflag:$0x5], $0x10, s20, s7, $0xb8;
	[tilespmem:$0x16760] =	vst v63  }
0x184: {  	_ =	swait.ge [sflag:s11], $0x3E80  }
0x185: {  	[sflag:s11] =	ssyncset.done $0x0  }
0x186: {  	[sflag:s11] =	ssyncadd.s32 $0xFFFFC180  }
0x187: {  	[tilespmem:s10], [sflag:$0x2] =	stream.indirect.gather [spmem:s3], $0x10, s19, s7, $0xb8;
	[tilespmem:$0x16760] =	vst v63  }
0x188: {  	_ =	swait.ge [sflag:s13], $0x3E80  }
0x189: {  	[sflag:s13] =	ssyncset.done $0x0  }
0x18a: {  	[sflag:s13] =	ssyncadd.s32 $0xFFFFC180  }
0x18b: {  	[spmem:s2] =	stream.indirect.scatter.add.f32 [tilespmem:s10], [sflag:$0x4], $0x10, s18, s7, $0xb8;
	[tilespmem:$0x16760] =	vst v63  }
0x18c: {  	_ =	swait.ge [sflag:s9], $0x3E80  }
0x18d: {  	[sflag:s9] =	ssyncset.done $0x0  }
0x18e: {  	[sflag:s9] =	ssyncadd.s32 $0xFFFFC180  }
0x18f: {  	[tilespmem:s8], [sflag:$0x3] =	stream.indirect.gather [spmem:s3], $0x10, s17, s7, $0xb8;
	[tilespmem:$0x16760] =	vst v63  }
0x190: {  	_ =	swait.ge [sflag:s12], $0x3E80  }
0x191: {  	[sflag:s12] =	ssyncset.done $0x0  }
0x192: {  	s14 =	simm.s32 $0x9858;
	[sflag:s12] =	ssyncadd.s32 $0xFFFFC180  }
0x193: {  	[spmem:s2] =	stream.indirect.scatter.add.f32 [tilespmem:s8], [sflag:$0x5], $0x10, s14, s7, $0xb8;
	[tilespmem:$0x16760] =	vst v63  }
0x194: {  	_ =	swait.ge [sflag:s11], $0x3E80  }
0x195: {  	[sflag:s11] =	ssyncset.done $0x0  }
0x196: {  	[sflag:s11] =	ssyncadd.s32 $0xFFFFC180  }
0x197: {  	_ =	swait.ge [sflag:s9], $0x3E80  }
0x198: {  	[sflag:s9] =	ssyncset.done $0x0  }
0x199: {  	p1 =	sne.s32 s1, $0x1;
	[sflag:s9] =	ssyncadd.s32 $0xFFFFC180  }
.Ltmp2:
0x19a: {  	[bflag:$0x0] =	sbarrier.arrive $0xFFFF;
	(pc) =	sbr.rel @p1 .LBB2_4-.Ltmp2, $4  }
0x19b: {  	s16 =	rddreg [dreg:$0x8]  }
0x19c: {  	[hbm:s16], [sflag:s4] =	dma.local [spmem:s6], $0x4E2  }
0x19d: {  	_ =	swait.ge [sflag:s5], $0x4E2  }
0x19e: {  	s1 =	sadd.s32 $0xFFFFFFFF, s1;
	s0 =	rddreg [dreg:$0x9];
	[sflag:s5] =	ssyncset.done $0x0  }
0x19f: {  	s18 =	simm.s32 $0x32C8  }
0x1a0: {  	s17 =	simm.s32 $0x80E8;
	s28 =	simm.s32 $0x36B0;
	s26 =	simm.s32 $0x84D0  }
0x1a1: {  	s25 =	simm.s32 $0x3A98;
	s24 =	simm.s32 $0x88B8;
	s23 =	simm.s32 $0x3E80  }
0x1a2: {  	s22 =	simm.s32 $0x4268;
	s21 =	simm.s32 $0x8CA0;
	s20 =	simm.s32 $0x9088  }
0x1a3: {  	s19 =	simm.s32 $0x4650;
	s15 =	stileid.u32;
	s16 =	rddreg [dreg:$0x3]  }
.LBB2_6:
0x1a4: {  	s1 =	rddreg [dreg:$0x4]  }
0x1a5: {  	[sflag:s5] =	ssyncadd.s32 @p0 $0xFFFFFB1E;
	s14 =	rddreg [dreg:$0x6]  }
0x1a6: {  	[tilespmem:s29], [sflag:$0x1] =	stream.linear.gather [hbm4b:s1+s29], $0x4E20, $0x38;
	[tilespmem:$0x16760] =	vst v63  }
0x1a7: {  	s1 =	rddreg [dreg:$0x5]  }
0x1a8: {  	[tilespmem:s30], [sflag:$0x1] =	stream.linear.gather [hbm4b:s1+s29], $0x4E20, $0x38;
	[tilespmem:$0x16760] =	vst v63  }
0x1a9: {  	[spmem:s0], [sflag:s4] =	dma.local [hbm:s14], $0x4E2  }
0x1aa: {  	_ =	swait.ge [sflag:s5], $0x4E2  }
0x1ab: {  	[sflag:s5] =	ssyncset.done $0x0  }
0x1ac: {  	s14 =	rddreg [dreg:$0x7];
	[sflag:s5] =	ssyncadd.s32 $0xFFFFFB1E  }
0x1ad: {  	[spmem:s6], [sflag:s4] =	dma.local [hbm:s14], $0x4E2  }
0x1ae: {  	_ =	swait.ge [sflag:s5], $0x4E2  }
0x1af: {  	[sflag:s5] =	ssyncset.done $0x0  }
0x1b0: {  	[sflag:s5] =	ssyncadd.s32 $0xFFFFFB1E  }
0x1b1: {  	[bflag:$0x0] =	sbarrier.arrive $0xFFFF  }
0x1b2: {  	_ =	swait.ge [sflag:s31], $0x4E20  }
0x1b3: {  	[sflag:s31] =	ssyncset.done $0x0  }
0x1b4: {  	[sflag:s31] =	ssyncadd.s32 $0xFFFFB1E0  }
0x1b5: {  	_ =	swait.ge [sflag:s31], $0x4E20  }
0x1b6: {  	[sflag:s31] =	ssyncset.done $0x0  }
0x1b7: {  	[sflag:s31] =	ssyncadd.s32 $0xFFFFB1E0  }
0x1b8: {  	[tilespmem:s10], [sflag:$0x2] =	stream.indirect.gather [spmem:s3], $0x10, s29, s7, $0xb8;
	[tilespmem:$0x16760] =	vst v63  }
0x1b9: {  	_ =	swait.ge [sflag:s13], $0x3E80  }
0x1ba: {  	[sflag:s13] =	ssyncset.done $0x0  }
0x1bb: {  	[sflag:s13] =	ssyncadd.s32 $0xFFFFC180  }
0x1bc: {  	[spmem:s2] =	stream.indirect.scatter.add.f32 [tilespmem:s10], [sflag:$0x4], $0x10, s30, s7, $0xb8;
	[tilespmem:$0x16760] =	vst v63  }
0x1bd: {  	_ = 	snop  }
0x1be: {  	[tilespmem:s8], [sflag:$0x3] =	stream.indirect.gather [spmem:s3], $0x10, s7, s7, $0xb8;
	[tilespmem:$0x16760] =	vst v63  }
0x1bf: {  	_ =	swait.ge [sflag:s12], $0x3E80  }
0x1c0: {  	[sflag:s12] =	ssyncset.done $0x0  }
0x1c1: {  	s31 =	rddreg [dreg:$0xa];
	[sflag:s12] =	ssyncadd.s32 $0xFFFFC180  }
0x1c2: {  	[spmem:s2] =	stream.indirect.scatter.add.f32 [tilespmem:s8], [sflag:$0x5], $0x10, s31, s7, $0xb8;
	[tilespmem:$0x16760] =	vst v63  }
0x1c3: {  	_ =	swait.ge [sflag:s11], $0x3E80  }
0x1c4: {  	[sflag:s11] =	ssyncset.done $0x0  }
0x1c5: {  	s1 =	rddreg [dreg:$0xb];
	[sflag:s11] =	ssyncadd.s32 $0xFFFFC180  }
0x1c6: {  	[tilespmem:s10], [sflag:$0x2] =	stream.indirect.gather [spmem:s3], $0x10, s1, s7, $0xb8;
	[tilespmem:$0x16760] =	vst v63  }
0x1c7: {  	_ =	swait.ge [sflag:s13], $0x3E80  }
0x1c8: {  	[sflag:s13] =	ssyncset.done $0x0  }
0x1c9: {  	s14 =	rddreg [dreg:$0xc];
	[sflag:s13] =	ssyncadd.s32 $0xFFFFC180  }
0x1ca: {  	[spmem:s2] =	stream.indirect.scatter.add.f32 [tilespmem:s10], [sflag:$0x4], $0x10, s14, s7, $0xb8;
	[tilespmem:$0x16760] =	vst v63  }
0x1cb: {  	_ =	swait.ge [sflag:s9], $0x3E80  }
0x1cc: {  	[sflag:s9] =	ssyncset.done $0x0  }
0x1cd: {  	s29 =	rddreg [dreg:$0xd];
	[sflag:s9] =	ssyncadd.s32 $0xFFFFC180  }
0x1ce: {  	[tilespmem:s8], [sflag:$0x3] =	stream.indirect.gather [spmem:s3], $0x10, s29, s7, $0xb8;
	[tilespmem:$0x16760] =	vst v63  }
0x1cf: {  	_ =	swait.ge [sflag:s12], $0x3E80  }
0x1d0: {  	[sflag:s12] =	ssyncset.done $0x0  }
0x1d1: {  	s30 =	rddreg [dreg:$0xe];
	[sflag:s12] =	ssyncadd.s32 $0xFFFFC180  }
0x1d2: {  	[spmem:s2] =	stream.indirect.scatter.add.f32 [tilespmem:s8], [sflag:$0x5], $0x10, s30, s7, $0xb8;
	[tilespmem:$0x16760] =	vst v63  }
0x1d3: {  	_ =	swait.ge [sflag:s11], $0x3E80  }
0x1d4: {  	[sflag:s11] =	ssyncset.done $0x0  }
0x1d5: {  	s31 =	rddreg [dreg:$0xf];
	[sflag:s11] =	ssyncadd.s32 $0xFFFFC180  }
0x1d6: {  	[tilespmem:s10], [sflag:$0x2] =	stream.indirect.gather [spmem:s3], $0x10, s31, s7, $0xb8;
	[tilespmem:$0x16760] =	vst v63  }
0x1d7: {  	_ =	swait.ge [sflag:s13], $0x3E80  }
0x1d8: {  	[sflag:s13] =	ssyncset.done $0x0  }
0x1d9: {  	s1 =	rddreg [dreg:$0x10];
	[sflag:s13] =	ssyncadd.s32 $0xFFFFC180  }
0x1da: {  	[spmem:s2] =	stream.indirect.scatter.add.f32 [tilespmem:s10], [sflag:$0x4], $0x10, s1, s7, $0xb8;
	[tilespmem:$0x16760] =	vst v63  }
0x1db: {  	_ =	swait.ge [sflag:s9], $0x3E80  }
0x1dc: {  	[sflag:s9] =	ssyncset.done $0x0  }
0x1dd: {  	s14 =	rddreg [dreg:$0x11];
	[sflag:s9] =	ssyncadd.s32 $0xFFFFC180  }
0x1de: {  	[tilespmem:s8], [sflag:$0x3] =	stream.indirect.gather [spmem:s3], $0x10, s14, s7, $0xb8;
	[tilespmem:$0x16760] =	vst v63  }
0x1df: {  	_ =	swait.ge [sflag:s12], $0x3E80  }
0x1e0: {  	[sflag:s12] =	ssyncset.done $0x0  }
0x1e1: {  	s29 =	rddreg [dreg:$0x12];
	[sflag:s12] =	ssyncadd.s32 $0xFFFFC180  }
0x1e2: {  	[spmem:s2] =	stream.indirect.scatter.add.f32 [tilespmem:s8], [sflag:$0x5], $0x10, s29, s7, $0xb8;
	[tilespmem:$0x16760] =	vst v63  }
0x1e3: {  	_ =	swait.ge [sflag:s11], $0x3E80  }
0x1e4: {  	[sflag:s11] =	ssyncset.done $0x0  }
0x1e5: {  	s30 =	rddreg [dreg:$0x13];
	[sflag:s11] =	ssyncadd.s32 $0xFFFFC180  }
0x1e6: {  	[tilespmem:s10], [sflag:$0x2] =	stream.indirect.gather [spmem:s3], $0x10, s30, s7, $0xb8;
	[tilespmem:$0x16760] =	vst v63  }
0x1e7: {  	_ =	swait.ge [sflag:s13], $0x3E80  }
0x1e8: {  	[sflag:s13] =	ssyncset.done $0x0  }
0x1e9: {  	s31 =	rddreg [dreg:$0x14];
	[sflag:s13] =	ssyncadd.s32 $0xFFFFC180  }
0x1ea: {  	[spmem:s2] =	stream.indirect.scatter.add.f32 [tilespmem:s10], [sflag:$0x4], $0x10, s31, s7, $0xb8;
	[tilespmem:$0x16760] =	vst v63  }
0x1eb: {  	_ =	swait.ge [sflag:s9], $0x3E80  }
0x1ec: {  	[sflag:s9] =	ssyncset.done $0x0  }
0x1ed: {  	s1 =	rddreg [dreg:$0x15];
	[sflag:s9] =	ssyncadd.s32 $0xFFFFC180  }
0x1ee: {  	[tilespmem:s8], [sflag:$0x3] =	stream.indirect.gather [spmem:s3], $0x10, s1, s7, $0xb8;
	[tilespmem:$0x16760] =	vst v63  }
0x1ef: {  	_ =	swait.ge [sflag:s12], $0x3E80  }
0x1f0: {  	[sflag:s12] =	ssyncset.done $0x0  }
0x1f1: {  	s14 =	rddreg [dreg:$0x16];
	[sflag:s12] =	ssyncadd.s32 $0xFFFFC180  }
0x1f2: {  	[spmem:s2] =	stream.indirect.scatter.add.f32 [tilespmem:s8], [sflag:$0x5], $0x10, s14, s7, $0xb8;
	[tilespmem:$0x16760] =	vst v63  }
0x1f3: {  	_ =	swait.ge [sflag:s11], $0x3E80  }
0x1f4: {  	[sflag:s11] =	ssyncset.done $0x0  }
0x1f5: {  	s29 =	rddreg [dreg:$0x17];
	[sflag:s11] =	ssyncadd.s32 $0xFFFFC180  }
0x1f6: {  	[tilespmem:s10], [sflag:$0x2] =	stream.indirect.gather [spmem:s3], $0x10, s29, s7, $0xb8;
	[tilespmem:$0x16760] =	vst v63  }
0x1f7: {  	_ =	swait.ge [sflag:s13], $0x3E80  }
0x1f8: {  	[sflag:s13] =	ssyncset.done $0x0  }
0x1f9: {  	s30 =	rddreg [dreg:$0x18];
	[sflag:s13] =	ssyncadd.s32 $0xFFFFC180  }
0x1fa: {  	[spmem:s2] =	stream.indirect.scatter.add.f32 [tilespmem:s10], [sflag:$0x4], $0x10, s30, s7, $0xb8;
	[tilespmem:$0x16760] =	vst v63  }
0x1fb: {  	_ =	swait.ge [sflag:s9], $0x3E80  }
0x1fc: {  	[sflag:s9] =	ssyncset.done $0x0  }
0x1fd: {  	s31 =	rddreg [dreg:$0x19];
	[sflag:s9] =	ssyncadd.s32 $0xFFFFC180  }
0x1fe: {  	[tilespmem:s8], [sflag:$0x3] =	stream.indirect.gather [spmem:s3], $0x10, s31, s7, $0xb8;
	[tilespmem:$0x16760] =	vst v63  }
0x1ff: {  	_ =	swait.ge [sflag:s12], $0x3E80  }
0x200: {  	[sflag:s12] =	ssyncset.done $0x0  }
0x201: {  	s1 =	rddreg [dreg:$0x1a];
	[sflag:s12] =	ssyncadd.s32 $0xFFFFC180  }
0x202: {  	[spmem:s2] =	stream.indirect.scatter.add.f32 [tilespmem:s8], [sflag:$0x5], $0x10, s1, s7, $0xb8;
	[tilespmem:$0x16760] =	vst v63  }
0x203: {  	_ =	swait.ge [sflag:s11], $0x3E80  }
0x204: {  	[sflag:s11] =	ssyncset.done $0x0  }
0x205: {  	s14 =	rddreg [dreg:$0x1b];
	[sflag:s11] =	ssyncadd.s32 $0xFFFFC180  }
0x206: {  	[tilespmem:s10], [sflag:$0x2] =	stream.indirect.gather [spmem:s3], $0x10, s14, s7, $0xb8;
	[tilespmem:$0x16760] =	vst v63  }
0x207: {  	_ =	swait.ge [sflag:s13], $0x3E80  }
0x208: {  	[sflag:s13] =	ssyncset.done $0x0  }
0x209: {  	s29 =	rddreg [dreg:$0x1c];
	[sflag:s13] =	ssyncadd.s32 $0xFFFFC180  }
0x20a: {  	[spmem:s2] =	stream.indirect.scatter.add.f32 [tilespmem:s10], [sflag:$0x4], $0x10, s29, s7, $0xb8;
	[tilespmem:$0x16760] =	vst v63  }
0x20b: {  	_ =	swait.ge [sflag:s9], $0x3E80  }
0x20c: {  	[sflag:s9] =	ssyncset.done $0x0  }
0x20d: {  	s30 =	rddreg [dreg:$0x1d];
	[sflag:s9] =	ssyncadd.s32 $0xFFFFC180  }
0x20e: {  	[tilespmem:s8], [sflag:$0x3] =	stream.indirect.gather [spmem:s3], $0x10, s30, s7, $0xb8;
	[tilespmem:$0x16760] =	vst v63  }
0x20f: {  	_ =	swait.ge [sflag:s12], $0x3E80  }
0x210: {  	[sflag:s12] =	ssyncset.done $0x0  }
0x211: {  	s31 =	rddreg [dreg:$0x1e];
	[sflag:s12] =	ssyncadd.s32 $0xFFFFC180  }
0x212: {  	[spmem:s2] =	stream.indirect.scatter.add.f32 [tilespmem:s8], [sflag:$0x5], $0x10, s31, s7, $0xb8;
	[tilespmem:$0x16760] =	vst v63  }
0x213: {  	_ =	swait.ge [sflag:s11], $0x3E80  }
0x214: {  	[sflag:s11] =	ssyncset.done $0x0  }
0x215: {  	s1 =	rddreg [dreg:$0x1f];
	[sflag:s11] =	ssyncadd.s32 $0xFFFFC180  }
0x216: {  	[tilespmem:s10], [sflag:$0x2] =	stream.indirect.gather [spmem:s3], $0x10, s1, s7, $0xb8;
	[tilespmem:$0x16760] =	vst v63  }
0x217: {  	_ =	swait.ge [sflag:s13], $0x3E80  }
0x218: {  	s14 =	sld [smem:$0x7FD]  }
0x219: {  	[sflag:s13] =	ssyncset.done $0x0  }
0x21a: {  	[sflag:s13] =	ssyncadd.s32 $0xFFFFC180  }
0x21b: {  	[spmem:s2] =	stream.indirect.scatter.add.f32 [tilespmem:s10], [sflag:$0x4], $0x10, s14, s7, $0xb8;
	[tilespmem:$0x16760] =	vst v63  }
0x21c: {  	_ =	swait.ge [sflag:s9], $0x3E80  }
0x21d: {  	[sflag:s9] =	ssyncset.done $0x0  }
0x21e: {  	[sflag:s9] =	ssyncadd.s32 $0xFFFFC180  }
0x21f: {  	[tilespmem:s8], [sflag:$0x3] =	stream.indirect.gather [spmem:s3], $0x10, s18, s7, $0xb8;
	[tilespmem:$0x16760] =	vst v63  }
0x220: {  	_ =	swait.ge [sflag:s12], $0x3E80  }
0x221: {  	[sflag:s12] =	ssyncset.done $0x0  }
0x222: {  	[sflag:s12] =	ssyncadd.s32 $0xFFFFC180  }
0x223: {  	[spmem:s2] =	stream.indirect.scatter.add.f32 [tilespmem:s8], [sflag:$0x5], $0x10, s17, s7, $0xb8;
	[tilespmem:$0x16760] =	vst v63  }
0x224: {  	_ =	swait.ge [sflag:s11], $0x3E80  }
0x225: {  	[sflag:s11] =	ssyncset.done $0x0  }
0x226: {  	[sflag:s11] =	ssyncadd.s32 $0xFFFFC180  }
0x227: {  	[tilespmem:s10], [sflag:$0x2] =	stream.indirect.gather [spmem:s3], $0x10, s28, s7, $0xb8;
	[tilespmem:$0x16760] =	vst v63  }
0x228: {  	_ =	swait.ge [sflag:s13], $0x3E80  }
0x229: {  	[sflag:s13] =	ssyncset.done $0x0  }
0x22a: {  	[sflag:s13] =	ssyncadd.s32 $0xFFFFC180  }
0x22b: {  	[spmem:s2] =	stream.indirect.scatter.add.f32 [tilespmem:s10], [sflag:$0x4], $0x10, s26, s7, $0xb8;
	[tilespmem:$0x16760] =	vst v63  }
0x22c: {  	_ =	swait.ge [sflag:s9], $0x3E80  }
0x22d: {  	[sflag:s9] =	ssyncset.done $0x0  }
0x22e: {  	[sflag:s9] =	ssyncadd.s32 $0xFFFFC180  }
0x22f: {  	[tilespmem:s8], [sflag:$0x3] =	stream.indirect.gather [spmem:s3], $0x10, s25, s7, $0xb8;
	[tilespmem:$0x16760] =	vst v63  }
0x230: {  	_ =	swait.ge [sflag:s12], $0x3E80  }
0x231: {  	[sflag:s12] =	ssyncset.done $0x0  }
0x232: {  	[sflag:s12] =	ssyncadd.s32 $0xFFFFC180  }
0x233: {  	[spmem:s2] =	stream.indirect.scatter.add.f32 [tilespmem:s8], [sflag:$0x5], $0x10, s24, s7, $0xb8;
	[tilespmem:$0x16760] =	vst v63  }
0x234: {  	_ =	swait.ge [sflag:s11], $0x3E80  }
0x235: {  	[sflag:s11] =	ssyncset.done $0x0  }
0x236: {  	[sflag:s11] =	ssyncadd.s32 $0xFFFFC180  }
0x237: {  	[tilespmem:s10], [sflag:$0x2] =	stream.indirect.gather [spmem:s3], $0x10, s23, s7, $0xb8;
	[tilespmem:$0x16760] =	vst v63  }
0x238: {  	_ =	swait.ge [sflag:s13], $0x3E80  }
0x239: {  	[sflag:s13] =	ssyncset.done $0x0  }
0x23a: {  	[sflag:s13] =	ssyncadd.s32 $0xFFFFC180  }
0x23b: {  	[spmem:s2] =	stream.indirect.scatter.add.f32 [tilespmem:s10], [sflag:$0x4], $0x10, s21, s7, $0xb8;
	[tilespmem:$0x16760] =	vst v63  }
0x23c: {  	_ =	swait.ge [sflag:s9], $0x3E80  }
0x23d: {  	[sflag:s9] =	ssyncset.done $0x0  }
0x23e: {  	[sflag:s9] =	ssyncadd.s32 $0xFFFFC180  }
0x23f: {  	[tilespmem:s8], [sflag:$0x3] =	stream.indirect.gather [spmem:s3], $0x10, s22, s7, $0xb8;
	[tilespmem:$0x16760] =	vst v63  }
0x240: {  	_ =	swait.ge [sflag:s12], $0x3E80  }
0x241: {  	[sflag:s12] =	ssyncset.done $0x0  }
0x242: {  	[sflag:s12] =	ssyncadd.s32 $0xFFFFC180  }
0x243: {  	[spmem:s2] =	stream.indirect.scatter.add.f32 [tilespmem:s8], [sflag:$0x5], $0x10, s20, s7, $0xb8;
	[tilespmem:$0x16760] =	vst v63  }
0x244: {  	_ =	swait.ge [sflag:s11], $0x3E80  }
0x245: {  	[sflag:s11] =	ssyncset.done $0x0  }
0x246: {  	[sflag:s11] =	ssyncadd.s32 $0xFFFFC180  }
0x247: {  	[tilespmem:s10], [sflag:$0x2] =	stream.indirect.gather [spmem:s3], $0x10, s19, s7, $0xb8;
	[tilespmem:$0x16760] =	vst v63  }
0x248: {  	_ =	swait.ge [sflag:s13], $0x3E80  }
0x249: {  	[sflag:s13] =	ssyncset.done $0x0  }
0x24a: {  	s28 =	simm.s32 $0x9470;
	[sflag:s13] =	ssyncadd.s32 $0xFFFFC180  }
0x24b: {  	[spmem:s2] =	stream.indirect.scatter.add.f32 [tilespmem:s10], [sflag:$0x4], $0x10, s28, s7, $0xb8;
	[tilespmem:$0x16760] =	vst v63  }
0x24c: {  	_ =	swait.ge [sflag:s9], $0x3E80  }
0x24d: {  	[sflag:s9] =	ssyncset.done $0x0  }
0x24e: {  	s29 =	simm.s32 $0x4A38;
	[sflag:s9] =	ssyncadd.s32 $0xFFFFC180  }
0x24f: {  	[tilespmem:s8], [sflag:$0x3] =	stream.indirect.gather [spmem:s3], $0x10, s29, s7, $0xb8;
	[tilespmem:$0x16760] =	vst v63  }
0x250: {  	_ =	swait.ge [sflag:s12], $0x3E80  }
0x251: {  	[sflag:s12] =	ssyncset.done $0x0  }
0x252: {  	s30 =	simm.s32 $0x9858;
	[sflag:s12] =	ssyncadd.s32 $0xFFFFC180  }
0x253: {  	[spmem:s2] =	stream.indirect.scatter.add.f32 [tilespmem:s8], [sflag:$0x5], $0x10, s30, s7, $0xb8;
	[tilespmem:$0x16760] =	vst v63  }
0x254: {  	_ =	swait.ge [sflag:s11], $0x3E80  }
0x255: {  	[sflag:s11] =	ssyncset.done $0x0  }
0x256: {  	[sflag:s11] =	ssyncadd.s32 $0xFFFFC180  }
0x257: {  	_ =	swait.ge [sflag:s9], $0x3E80  }
0x258: {  	[sflag:s9] =	ssyncset.done $0x0  }
0x259: {  	[sflag:s9] =	ssyncadd.s32 $0xFFFFC180  }
0x25a: {  	[bflag:$0x0] =	sbarrier.arrive $0xFFFF  }
0x25b: {  	s31 =	rddreg [dreg:$0x8]  }
0x25c: {  	[hbm:s31], [sflag:s4] =	dma.local [spmem:s6], $0x4E2  }
0x25d: {  	_ =	swait.ge [sflag:s5], $0x4E2  }
0x25e: {  	[sflag:s5] =	ssyncset.done $0x0  }
0x25f: {  	[sflag:s5] =	ssyncadd.s32 $0xFFFFFB1E  }
0x260: {  	_ =	sfence.sel $0x180000  }
0x261: {  	[bflag:$0x0] =	sbarrier.arrive $0xFFFF  }
0x262: {  	p0 =	sne.s32 s15, $0x0;
	_ =	strace $0x9000004A  }
0x263: {  	s0 =	sadd.s32 @!p0 $0x100000, s16;
	[bflag:$0x2] =	sbarrier.arrive $0xFFFF  }
0x264: {  	[sflag:s0] =	ssyncadd.tile.s32 @!p0 $0x1;
	_ =	shalt  }
.LBB2_1:
.Ltmp3:
0x265: {  	(pc) =	sbr.rel .LBB2_6-.Ltmp3, $4  }
0x266: {  	s18 =	simm.s32 $0x32C8;
	s17 =	simm.s32 $0x80E8  }
0x267: {  	s28 =	simm.s32 $0x36B0;
	s26 =	simm.s32 $0x84D0;
	s25 =	simm.s32 $0x3A98  }
0x268: {  	s24 =	simm.s32 $0x88B8;
	s23 =	simm.s32 $0x3E80;
	s22 =	simm.s32 $0x4268  }
0x269: {  	s21 =	simm.s32 $0x8CA0;
	s20 =	simm.s32 $0x9088;
	s19 =	simm.s32 $0x4650  }
.LBB2_3:
.Ltmp4:
0x26a: {  	s18 =	simm.s32 $0x32C8;
	(pc) =	sbr.rel .LBB2_6-.Ltmp4, $4  }
0x26b: {  	s17 =	simm.s32 $0x80E8;
	s28 =	simm.s32 $0x36B0;
	s26 =	simm.s32 $0x84D0  }
0x26c: {  	s25 =	simm.s32 $0x3A98;
	s24 =	simm.s32 $0x88B8;
	s23 =	simm.s32 $0x3E80  }
0x26d: {  	s22 =	simm.s32 $0x4268;
	s21 =	simm.s32 $0x8CA0;
	s20 =	simm.s32 $0x9088  }
0x26e: {  	s19 =	simm.s32 $0x4650;
	s15 =	stileid.u32;
	s16 =	rddreg [dreg:$0x3]  }
.Lfunc_end2:
_tile_overlayer_lowered:
.L_overlay_start_2:
0x26f: {  	(tag) =	ssettag $0x2  }
0x270: {  	s0 =	rddreg [dreg:$0x0];
	s2 =	stileid.u32  }
0x271: {  	s1 =	rddreg [dreg:$0x1];
	p0 =	sne.s32 s2, $0x0  }
0x272: {  	s3 =	rddreg [dreg:$0x2];
	[bflag:$0x3] =	sbarrier.arrive $0xFFFF;
	s2 =	simm.s32 @!p0 $0x1C06  }
0x273: {  	[timem:s3], [sflag:s2] =	dma.local @!p0 [hbm:s0], s1  }
0x274: {  	s0 =	simm.s32 @!p0 $0x6  }
0x275: {  	_ =	swait.ge @!p0 [sflag:s0], s1  }
0x276: {  	s1 =	ssub.s32 @!p0 $0x0, s1;
	[sflag:s0] =	ssyncset.done @!p0 $0x0  }
0x277: {  	[sflag:s0] =	ssyncadd.s32 @!p0 s1  }
0x278: {  	[bflag:$0x3] =	sbarrier.arrive $0xFFFF  }
0x279: {  	_ =	shalt  }

// kernel: kernel.13.cloned.1.call-start
scs
__scs_entry_jumppad:
0x0: {  	(pc) =	sbr.rel $0x88, $3  }
0x1: {  	(tag) =	ssettag $0x0;
	lr =	simm.s32 $0x1  }
0x2: {  	[smem:$0x3F9B] =	sst lr;
	_ =	strace $0xD0000000  }
0x3: {  	_ = 	snop  }
0x4: {  	_ = 	snop  }
0x5: {  	_ = 	snop  }
0x6: {  	_ = 	snop  }
0x7: {  	_ = 	snop  }
__scs_overlays_trampoline_lowered:
0x8: {  	[smem:$0x3FAA] =	sst s0  }
0x9: {  	[smem:$0x3FAB] =	sst s1  }
0xa: {  	[smem:$0x3FAC] =	sst s2  }
0xb: {  	[smem:$0x3FAD] =	sst s3  }
0xc: {  	[smem:$0x3FAE] =	sst s4  }
0xd: {  	[smem:$0x3FAF] =	sst s5  }
0xe: {  	[smem:$0x3FB0] =	sst s6  }
0xf: {  	[smem:$0x3FB1] =	sst s7  }
0x10: {  	[smem:$0x3FB2] =	sst s8  }
0x11: {  	[smem:$0x3FB3] =	sst s9;
	s0 =	simm.s32 @!p0 $0x0  }
0x12: {  	s1 =	sld [smem:$0x3F99];
	s0 =	simm.s32 @p0 $0x1  }
0x13: {  	[smem:$0x3FB4] =	sst s0;
	s0 =	simm.s32 @!p1 $0x0  }
0x14: {  	s2 =	sld [smem:$0x3F98];
	s0 =	simm.s32 @p1 $0x1  }
0x15: {  	[smem:$0x3FB5] =	sst s0;
	s0 =	simm.s32 @!p2 $0x0  }
0x16: {  	s3 =	sld [smem:$0x3FDB];
	s0 =	simm.s32 @p2 $0x1  }
0x17: {  	s4 =	simm.s32 $0x1BF5;
	[smem:$0x3FB7] =	sst s0  }
0x18: {  	s0 =	sld [smem:$0x3F9A];
	_ =	swait.ge [sflag:s4], $0x0  }
0x19: {  	s7 =	sld [smem:$0x3F9B]  }
0x1a: {  	s8 =	sadd.s32 $0xFFFFE003, lr  }
0x1b: {  	s9 =	sadd.s32 $0xFFFFFEF7, lr;
	s5 =	simm.s32 $0xFFFFFFFF;
	p2 =	slt.u32 s8, $0xFFFFF086  }
0x1c: {  	p1 =	slt.u32 s9, $0xF7A;
	s5 =	simm.s32 @!p2 $0x0  }
0x1d: {  	s5 =	simm.s32 @p1 $0x1;
	p0 =	seq.s32 s7, s2  }
0x1e: {  	s7 =	smul.u32 @!p0 $0xF7A, s2;
	p2 =	seq.s32 @!p0 s5, $0x0  }
0x1f: {  	s9 =	smul.u32 $0xF7A, s1;
	s8 =	simm.s32 @!p0 $0x1BF5;
	p2 =	por !p2, p0  }
0x20: {  	[sflag:s8] =	ssyncset.s32 @!p0 $0xFFFFF086;
	s6 =	sadd.s32 @!p0 s3, s7;
	s7 =	simm.s32 @!p0 $0x108  }
0x21: {  	s3 =	sadd.s32 s3, s9;
	s6 =	sadd.s32 @!p0 $0x88, s6;
	s7 =	simm.s32 @p2 $0x1082  }
0x22: {  	[simem:s7], [sflag:s8] =	dma.local @!p0 [hbm:s6], $0xF7A  }
0x23: {  	s9 =	sor.u32 $0xD0000000, s2;
	s6 =	simm.s32 $0x108;
	_ =	swait.ge @!p0 [sflag:s8], $0x0  }
0x24: {  	s3 =	sadd.s32 $0x88, s3;
	s6 =	simm.s32 @!p1 $0x1082;
	[sflag:s4] =	ssyncset.s32 $0xFFFFF086  }
0x25: {  	[simem:s6], [sflag:s4] =	dma.local [hbm:s3], $0xF7A  }
0x26: {  	[smem:$0x3F9B] =	sst s1;
	(tag) =	ssettag s2;
	_ =	strace s9  }
0x27: {  	s1 =	sld [smem:$0x3FAB]  }
0x28: {  	s2 =	sld [smem:$0x3FAC]  }
0x29: {  	s4 =	sld [smem:$0x3FAE]  }
0x2a: {  	p0 =	seq.s32 s5, $0x0;
	s5 =	sld [smem:$0x3FAF]  }
0x2b: {  	s6 =	sld [smem:$0x3FB0]  }
0x2c: {  	s7 =	sld [smem:$0x3FB1]  }
0x2d: {  	s3 =	simm.s32 $0x108;
	s8 =	sld [smem:$0x3FB2]  }
0x2e: {  	s3 =	simm.s32 @!p0 $0x1082;
	s9 =	sld [smem:$0x3FB3]  }
0x2f: {  	lr =	sadd.s32 s0, s3;
	s0 =	sld [smem:$0x3FAA]  }
0x30: {  	s3 =	sld [smem:$0x3FAD]  }
0x31: {  	[smem:$0x3FB6] =	sst s10  }
0x32: {  	s10 =	sld [smem:$0x3FB4];
	_ =	sdelay $0x3  }
0x33: {  	p0 =	seq.s32 s10, $0x1;
	s10 =	sld [smem:$0x3FB6];
	_ =	sdelay $0x3  }
0x34: {  	[smem:$0x3FB6] =	sst s10  }
0x35: {  	s10 =	sld [smem:$0x3FB5];
	_ =	sdelay $0x3  }
0x36: {  	p1 =	seq.s32 s10, $0x1;
	s10 =	sld [smem:$0x3FB6];
	_ =	sdelay $0x3  }
0x37: {  	[smem:$0x3FB6] =	sst s10  }
0x38: {  	s10 =	sld [smem:$0x3FB7]  }
0x39: {  	_ = 	snop;
	(pc) =	sbr.ind lr, $3  }
0x3a: {  	_ = 	snop  }
0x3b: {  	_ = 	snop  }
0x3c: {  	p2 =	seq.s32 s10, $0x1;
	s10 =	sld [smem:$0x3FB6]  }
0x3d: {  	_ =	shalt  }
0x3e: {  	_ =	shalt  }
0x3f: {  	_ =	shalt  }
0x40: {  	_ =	shalt  }
0x41: {  	_ =	shalt  }
0x42: {  	_ =	shalt  }
0x43: {  	_ =	shalt  }
0x44: {  	_ =	shalt  }
0x45: {  	_ =	shalt  }
0x46: {  	_ =	shalt  }
0x47: {  	_ =	shalt  }
0x48: {  	_ =	shalt  }
0x49: {  	_ =	shalt  }
0x4a: {  	_ =	shalt  }
0x4b: {  	_ =	shalt  }
0x4c: {  	_ =	shalt  }
0x4d: {  	_ =	shalt  }
0x4e: {  	_ =	shalt  }
0x4f: {  	_ =	shalt  }
0x50: {  	_ =	shalt  }
0x51: {  	_ =	shalt  }
0x52: {  	_ =	shalt  }
0x53: {  	_ =	shalt  }
0x54: {  	_ =	shalt  }
0x55: {  	_ =	shalt  }
0x56: {  	_ =	shalt  }
0x57: {  	_ =	shalt  }
0x58: {  	_ =	shalt  }
0x59: {  	_ =	shalt  }
0x5a: {  	_ =	shalt  }
0x5b: {  	_ =	shalt  }
0x5c: {  	_ =	shalt  }
0x5d: {  	_ =	shalt  }
0x5e: {  	_ =	shalt  }
0x5f: {  	_ =	shalt  }
0x60: {  	_ =	shalt  }
0x61: {  	_ =	shalt  }
0x62: {  	_ =	shalt  }
0x63: {  	_ =	shalt  }
0x64: {  	_ =	shalt  }
0x65: {  	_ =	shalt  }
0x66: {  	_ =	shalt  }
0x67: {  	_ =	shalt  }
0x68: {  	_ =	shalt  }
0x69: {  	_ =	shalt  }
0x6a: {  	_ =	shalt  }
0x6b: {  	_ =	shalt  }
0x6c: {  	_ =	shalt  }
0x6d: {  	_ =	shalt  }
0x6e: {  	_ =	shalt  }
0x6f: {  	_ =	shalt  }
0x70: {  	_ =	shalt  }
0x71: {  	_ =	shalt  }
0x72: {  	_ =	shalt  }
0x73: {  	_ =	shalt  }
0x74: {  	_ =	shalt  }
0x75: {  	_ =	shalt  }
0x76: {  	_ =	shalt  }
0x77: {  	_ =	shalt  }
0x78: {  	_ =	shalt  }
0x79: {  	_ =	shalt  }
0x7a: {  	_ =	shalt  }
0x7b: {  	_ =	shalt  }
0x7c: {  	_ =	shalt  }
0x7d: {  	_ =	shalt  }
0x7e: {  	_ =	shalt  }
0x7f: {  	_ =	shalt  }
0x80: {  	_ =	shalt  }
0x81: {  	_ =	shalt  }
0x82: {  	_ =	shalt  }
0x83: {  	_ =	shalt  }
0x84: {  	_ =	shalt  }
0x85: {  	_ =	shalt  }
0x86: {  	_ =	shalt  }
0x87: {  	_ =	shalt  }
.Lfunc_end0:
.L_simem_size_0:
called_computation.2_lowered:
.L_overlay_start_0:
0x88: {  	s2 =	sld [smem:$0x3FD9]  }
0x89: {  	s3 =	sld [smem:$0x3FFE];
	_ =	sdelay $0x1  }
0x8a: {  	s1 =	srdreg.scid  }
0x8b: {  	s0 =	sand.u32 $0x1, s1  }
0x8c: {  	s17 =	sshll.u32 s0, $0xA;
	s2 =	sadd.s32 s3, s2  }
0x8d: {  	s2 =	sadd.s32 s2, s17  }
0x8e: {  	[smem:$0x3FC2] =	sst s2  }
0x8f: {  	_ = 	snop  }
0x90: {  	s2 =	sld [smem:$0x3FC6]  }
0x91: {  	s18 =	sld [smem:$0x3FD0];
	(tm) =	ssettm $0x1  }
0x92: {  	s4 =	sld [smem:$0x3FFB];
	_ =	sdelay $0x3  }
0x93: {  	_ =	strace s4  }
0x94: {  	s4 =	sld [smem:$0x3FFC];
	_ =	sdelay $0x3  }
0x95: {  	_ =	strace s4  }
0x96: {  	s4 =	sld [smem:$0x3FFD];
	_ =	sdelay $0x3  }
0x97: {  	_ =	strace s4  }
0x98: {  	_ =	strace $0x8FFFFFFF  }
0x99: {  	s19 =	sld [smem:$0x3FDB];
	_ =	sdelay $0x1  }
0x9a: {  	s5 =	simm.s32 $_scs_section_size  }
0x9b: {  	s6 =	simm.s32 $_size__tile_overlayer_lowered;
	s7 =	simm.s32 $_tile_overlayer_lowered  }
0x9c: {  	s22 =	simm.s32 $0x1BFF;
	s21 =	sshll.u32 s7, $0x1;
	s4 =	sadd.s32 s5, s19  }
0x9d: {  	s8 =	simm.s32 $0x0;
	s20 =	sshll.u32 s6, $0x1;
	s6 =	sadd.s32 s21, s4  }
0x9e: {  	[timem:s8], [sflag:s22] =	dma.local [hbm:s6], s20  }
0x9f: {  	_ =	swait.ge [sflag:s22], s20  }
0xa0: {  	s5 =	ssub.s32 $0x0, s20;
	[sflag:s22] =	ssyncset.done $0x0  }
0xa1: {  	[sflag:s22] =	ssyncadd.s32 s5;
	_ =	sdelay $0x1  }
0xa2: {  	s23 =	simm.s32 $0x1B8B  }
0xa3: {  	_ =	swait.ge [sflag:s23], $0x1  }
0xa4: {  	[sflag:s23] =	ssyncset.done $0x0  }
0xa5: {  	s25 =	simm.s32 $0x1B8E;
	s24 =	sld [smem:$0x3FFE];
	[sflag:s23] =	ssyncadd.s32 $0xFFFFFFFF  }
0xa6: {  	s26 =	simm.s32 $execute0_lowered;
	[smem:$0x3FD2] =	sst s25  }
0xa7: {  	s6 =	sshll.u32 s26, $0x1;
	_ =	strace $0x8000004C;
	[dreg:$0x1] =	wrdreg $0xFFFFFFFF  }
0xa8: {  	s28 =	simm.s32 $_size_execute0_lowered;
	s4 =	sadd.s32 s4, s6;
	[dreg:$0x0] =	wrdreg $0x0  }
0xa9: {  	s6 =	sshll.u32 s28, $0x1;
	[dreg:$0x2] =	wrdreg s4  }
0xaa: {  	[dreg:$0x3] =	wrdreg s6  }
0xab: {  	[dreg:$0x4] =	wrdreg $0xC0  }
0xac: {  	_ =	task [dreg:s8], $0x5FFFF  }
0xad: {  	[dreg:$0x1] =	wrdreg $0xFFFFFFFF  }
0xae: {  	[dreg:$0x0] =	wrdreg $0x60  }
0xaf: {  	[dreg:$0x2] =	wrdreg s24  }
0xb0: {  	[dreg:$0x3] =	wrdreg s2  }
0xb1: {  	[dreg:$0x4] =	wrdreg s18  }
0xb2: {  	[dreg:$0x5] =	wrdreg $0x167700  }
0xb3: {  	[dreg:$0x6] =	wrdreg $0x140600  }
0xb4: {  	[dreg:$0x7] =	wrdreg $0x9  }
0xb5: {  	_ =	task.clear_ibuf [dreg:s8], $0x8FFFF;
	_ =	strace $0x9000004C  }
0xb6: {  	s29 =	simm.s32 $0x9;
	_ =	strace $0x8000004E  }
0xb7: {  	_ =	swait.ge [sflag:s29], $0x1  }
0xb8: {  	[sflag:s29] =	ssyncadd.s32 $0xFFFFFFFF  }
0xb9: {  	_ =	strace $0x9000004E  }
0xba: {  	_ =	sfence  }
0xbb: {  	s30 =	sld [smem:$0x0];
	_ =	sdelay $0x2  }
0xbc: {  	s31 =	sshll.u32 s1, $0xD;
	s1 =	sshrl.u32 s1, $0x2  }
0xbd: {  	s3 =	sand.u32 $0x4000, s31;
	s1 =	sadd.s32 s1, s30  }
0xbe: {  	s0 =	sor.u32 s3, s0;
	s1 =	sshll.u32 s1, $0x11  }
0xbf: {  	s0 =	sor.u32 s1, s0  }
0xc0: {  	s0 =	sadd.s32 $0x8F2B, s0  }
0xc1: {  	[sflag:s0] =	ssyncadd.remote.s32 $0x1  }
0xc2: {  	_ =	sfence.sel $0xFFFF  }
0xc3: {  	[dreg:$0x0] =	wrdreg $0xFFFFFFFF;
	(pc) =	sbr.abs _section_cstart, $3  }
0xc4: {  	[dreg:$0x1] =	wrdreg $0xFFFFFFFF  }
0xc5: {  	_ =	task.clear_ibuf [dreg:s8], $0x2FFFF;
	_ =	strace $0x9FFFFFFF  }
0xc6: {  	(tm) =	ssettm $0x7FFFFFFF  }
0xc7: {  	_ =	shalt  }
tec
execute0_lowered:
.L_overlay_start_1:
0x0: {  	(tag) =	ssettag $0x1  }
0x1: {  	s0 =	rddreg [dreg:$0x0]  }
0x2: {  	s1 =	rddreg [dreg:$0x2]  }
0x3: {  	s3 =	rddreg [dreg:$0x3]  }
0x4: {  	s4 =	rddreg [dreg:$0x4];
	s2 =	srdreg.scid  }
0x5: {  	s15 =	stileid.u32;
	s5 =	simm.s32 $0x0;
	s18 =	simm.s32 $0x6  }
0x6: {  	s21 =	simm.s32 $0x11940;
	s28 =	simm.s32 $0x3E8;
	s29 =	simm.s32 $0x9C40  }
0x7: {  	s30 =	simm.s32 $0x2;
	s31 =	simm.s32 $0xDAC0;
	s17 =	simm.s32 $0x5  }
0x8: {  	s2 =	sand.u32 $0x1, s2;
	s6 =	sshll.u32 s15, $0x1;
	[smem:$0x7FF] =	sst s5  }
0x9: {  	s7 =	sadd.s32 $0x2E800, s0;
	s10 =	smul.u32 $0x2710, s15;
	s8 =	sadd.s32 $0x3D600, s0  }
0xa: {  	s6 =	sor.u32 s2, s6;
	s12 =	ssub.s32 $0x2, s2;
	s2 =	smul.u32 $0x27100, s2  }
0xb: {  	s26 =	sshll.u32 s15, $0x6;
	_ =	strace $0x8000004D;
	s9 =	smul.u32 $0x9C4, s6  }
0xc: {  	s6 =	sadd.s32 $0x33800, s0;
	s22 =	sshrl.u32 s10, $0x3;
	s13 =	sshrl.u32 s12, $0x1  }
0xd: {  	s14 =	sadd.s32 s22, s0;
	s23 =	ssub.s32 s12, s13;
	s2 =	sadd.s32 s10, s2  }
0xe: {  	s12 =	smul.u32 $0x271, s15;
	s10 =	sadd.s32 s10, s3;
	s13 =	sor.u32 $0x1C06, s26  }
0xf: {  	s22 =	simm.s32 $0x12110;
	s11 =	sadd.s32 s9, s0;
	s25 =	sadd.s32 $0x29800, s14  }
0x10: {  	s9 =	sadd.s32 $0x42600, s0;
	s0 =	smax.u32 s23, $0x1;
	[dreg:$0x8] =	wrdreg s25  }
0x11: {  	s26 =	simm.s32 $0x1;
	s14 =	sshrl.u32 s10, $0x3;
	[dreg:$0xa] =	wrdreg s0  }
0x12: {  	s2 =	sshrl.u32 s2, $0x3;
	s24 =	sadd.s32 $0x15E00, s11;
	[dreg:$0xb] =	wrdreg s14  }
0x13: {  	s23 =	simm.s32 $0x128E0;
	s11 =	sadd.s32 $0x2400, s11;
	[dreg:$0x6] =	wrdreg s24  }
0x14: {  	s1 =	sadd.s32 s1, s2;
	s25 =	simm.s32 $0x13880;
	[dreg:$0x7] =	wrdreg s11  }
0x15: {  	s0 =	simm.s32 $0x3;
	s2 =	simm.s32 $0x0;
	[dreg:$0x9] =	wrdreg s1  }
0x16: {  	s11 =	simm.s32 $0x4E20;
	s24 =	simm.s32 $0x130B0;
	s1 =	simm.s32 $0x4  }
.LBB2_1:
0x17: {  	s10 =	rddreg [dreg:$0x6]  }
0x18: {  	[tilespmem:s5], [sflag:$0x1] =	stream.linear.gather [hbm4b:s10+s5], $0x4E20, $0x38;
	[tilespmem:$0x18E80] =	vst v63  }
0x19: {  	s20 =	rddreg [dreg:$0x7]  }
0x1a: {  	[tilespmem:s11], [sflag:$0x1] =	stream.linear.gather [hbm4b:s20+s5], $0x4E20, $0x38;
	[tilespmem:$0x18E80] =	vst v63  }
0x1b: {  	s15 =	rddreg [dreg:$0x1];
	s16 =	simm.s32 $0x14050  }
0x1c: {  	[tilespmem:s16], [sflag:$0x6] =	stream.linear.gather [hbm4b:s15+s5], $0x10, $0x38;
	[tilespmem:$0x18E80] =	vst v63  }
0x1d: {  	_ =	swait.ge [sflag:s18], $0x10  }
0x1e: {  	[sflag:s18] =	ssyncset.done $0x0  }
0x1f: {  	s19 =	rddreg [dreg:$0x8];
	[sflag:s18] =	ssyncadd.s32 $0xFFFFFFF0  }
0x20: {  	[spmem:s14], [sflag:s13] =	dma.local [hbm:s19], $0x4E2  }
0x21: {  	_ =	swait.ge [sflag:s18], $0x4E2  }
0x22: {  	[sflag:s18] =	ssyncset.done $0x0  }
0x23: {  	s10 =	simm.s32 $0x0;
	s20 =	smov.u32 s13;
	[sflag:s18] =	ssyncadd.s32 $0xFFFFFB1E  }
.LBB2_2:
0x24: {  	s11 =	smul.u32 $0x7D, s10;
	_ =	sdelay $0x1  }
0x25: {  	s13 =	sadd.s32 s12, s11  }
0x26: {  	s11 =	sshll.u32 s13, $0x1  }
0x27: {  	s14 =	simm.s32 $0x0;
	s16 =	sshll.u32 s13, $0x4;
	s15 =	sadd.s32 s6, s11  }
0x28: {  	[tilespmem:s21], [sflag:$0x6] =	stream.linear.gather [hbm4b:s15+s14], $0x7D0, $0x38;
	[tilespmem:$0x18E80] =	vst v63  }
0x29: {  	s19 =	sshrl.u32 s16, $0x3;
	_ =	swait.ge [sflag:s18], $0x7D0  }
0x2a: {  	s13 =	sadd.s32 s6, s19;
	[sflag:s18] =	ssyncset.done $0x0  }
0x2b: {  	s13 =	sadd.s32 $0x4E20, s13;
	[sflag:s18] =	ssyncadd.s32 $0xFFFFF830  }
0x2c: {  	[tilespmem:s22], [sflag:$0x6] =	stream.linear.gather [hbm4b:s13+s14], $0x7D0, $0x38;
	[tilespmem:$0x18E80] =	vst v63  }
0x2d: {  	_ =	swait.ge [sflag:s18], $0x7D0  }
0x2e: {  	[sflag:s18] =	ssyncset.done $0x0  }
0x2f: {  	s15 =	sadd.s32 s7, s11;
	[sflag:s18] =	ssyncadd.s32 $0xFFFFF830  }
0x30: {  	[tilespmem:s23], [sflag:$0x6] =	stream.linear.gather [hbm4b:s15+s14], $0x7D0, $0x38;
	[tilespmem:$0x18E80] =	vst v63  }
0x31: {  	_ =	swait.ge [sflag:s18], $0x7D0  }
0x32: {  	[sflag:s18] =	ssyncset.done $0x0  }
0x33: {  	s19 =	sadd.s32 s8, s11;
	[sflag:s18] =	ssyncadd.s32 $0xFFFFF830  }
0x34: {  	[tilespmem:s24], [sflag:$0x6] =	stream.linear.gather [hbm4b:s19+s14], $0x7D0, $0x38;
	[tilespmem:$0x18E80] =	vst v63  }
0x35: {  	_ =	swait.ge [sflag:s18], $0x7D0  }
0x36: {  	[sflag:s18] =	ssyncset.done $0x0  }
0x37: {  	s13 =	simm.s32 $0x0;
	[sflag:s18] =	ssyncadd.s32 $0xFFFFF830  }
0x38: {  	v0 =	vld [tilespmem:s13+$0x11940]  }
0x39: {  	v1 =	vld [tilespmem:s13+$0x12110];
	_ =	sdelay $0x1  }
0x3a: {  	v2 =	vld [tilespmem:s13+$0x128E0]  }
0x3b: {  	s14 =	simm.s32 $0x10;
	v5 =	vld [tilespmem:s13+$0x130B0]  }
0x3c: {  	v3 =	vld [tilespmem:s14+$0x11940]  }
0x3d: {  	v4 =	vld [tilespmem:s14+$0x12110];
	v1 =	vadd.f32 v1, v0  }
0x3e: {  	v0 =	vld [tilespmem:$0x14050]  }
0x3f: {  	v6 =	vld [tilespmem:s14+$0x128E0];
	v1 =	vadd.f32 v2, v1;
	_ =	sdelay $0x1  }
0x40: {  	v2 =	vmul.f32 v1, v5  }
0x41: {  	v3 =	vadd.f32 v4, v3;
	v1 =	vld [tilespmem:s14+$0x130B0]  }
0x42: {  	s15 =	simm.s32 $0x20;
	v4 =	vadd.f32 v2, v0  }
0x43: {  	v7 =	vadd.f32 v6, v3;
	v3 =	vld [tilespmem:s15+$0x12110]  }
0x44: {  	v2 =	vld [tilespmem:s15+$0x11940];
	v6 =	vmax.f32 v4, $0.0e+00  }
0x45: {  	v6 =	vmul.f32 v6, v5  }
0x46: {  	s19 =	simm.s32 $0xC0;
	v4 =	vld [tilespmem:s15+$0x128E0];
	v5 =	vmul.f32 v7, v1  }
.LBB2_3:
0x47: {  	v7 =	vld [tilespmem:s15+$0x130B0];
	[tilespmem:s13+$0x13880] =	vst v6;
	s13 =	smov.u32 s14  }
0x48: {  	s14 =	smov.u32 s15;
	s15 =	sshra.s32 s19, $0x2;
	p0 =	sne.s32 s19, $0x1F00  }
.Ltmp0:
0x49: {  	s19 =	sadd.s32 $0x40, s19;
	v6 =	vadd.f32 v3, v2;
	v2 =	vld [tilespmem:s15+$0x11940];
	v5 =	vadd.f32 v5, v0;
	(pc) =	sbr.rel @p0 .LBB2_3-.Ltmp0, $4  }
0x4a: {  	v3 =	vld [tilespmem:s15+$0x12110]  }
0x4b: {  	v8 =	vadd.f32 v4, v6;
	v5 =	vmax.f32 v5, $0.0e+00  }
0x4c: {  	v4 =	vld [tilespmem:s15+$0x128E0];
	v6 =	vmul.f32 v5, v1  }
0x4d: {  	v5 =	vmul.f32 v8, v7;
	v1 =	vmov v7  }
0x4e: {  	v7 =	vld [tilespmem:s15+$0x130B0]  }
0x4f: {  	v2 =	vadd.f32 v3, v2;
	_ =	sdelay $0x1  }
0x50: {  	v2 =	vadd.f32 v4, v2;
	_ =	sdelay $0x1  }
0x51: {  	v2 =	vmul.f32 v2, v7  }
0x52: {  	v61 =	vadd.f32 v5, v0  }
0x53: {  	v62 =	vadd.f32 v2, v0  }
0x54: {  	v63 =	vmax.f32 v61, $0.0e+00  }
0x55: {  	v1 =	vmul.f32 v63, v1;
	v0 =	vmax.f32 v62, $0.0e+00  }
0x56: {  	[tilespmem:s13+$0x13880] =	vst v6;
	v0 =	vmul.f32 v0, v7  }
0x57: {  	[tilespmem:s14+$0x13880] =	vst v1  }
0x58: {  	s19 =	sadd.s32 s16, s4;
	[tilespmem:s15+$0x13880] =	vst v0  }
0x59: {  	[spmem:s19] =	stream.linear.scatter [tilespmem:s25], [sflag:$0x6], $0x7D0, $0x38;
	[tilespmem:$0x18E80] =	vst v63  }
0x5a: {  	s10 =	sadd.s32 $0x1, s10;
	_ =	swait.ge [sflag:s18], $0x7D0  }
0x5b: {  	p0 =	sne.s32 s10, $0x5;
	[sflag:s18] =	ssyncset.done $0x0  }
.Ltmp1:
0x5c: {  	s11 =	sadd.s32 s9, s11;
	[sflag:s18] =	ssyncadd.s32 $0xFFFFF830;
	(pc) =	sbr.rel @p0 .LBB2_2-.Ltmp1, $4  }
0x5d: {  	[hbm4b:s11+s5] =	stream.linear.scatter [tilespmem:s25], [sflag:$0x6], $0x7D0, $0x38;
	[tilespmem:$0x18E80] =	vst v63  }
0x5e: {  	_ =	swait.ge [sflag:s18], $0x7D0  }
0x5f: {  	[sflag:s18] =	ssyncset.done $0x0  }
0x60: {  	[sflag:s18] =	ssyncadd.s32 $0xFFFFF830  }
0x61: {  	[bflag:$0x0] =	sbarrier.arrive $0xFFFF  }
0x62: {  	_ =	swait.ge [sflag:s26], $0x4E20  }
0x63: {  	[sflag:s26] =	ssyncset.done $0x0  }
0x64: {  	[sflag:s26] =	ssyncadd.s32 $0xFFFFB1E0  }
0x65: {  	_ =	swait.ge [sflag:s26], $0x4E20  }
0x66: {  	[sflag:s26] =	ssyncset.done $0x0  }
0x67: {  	[sflag:s26] =	ssyncadd.s32 $0xFFFFB1E0  }
0x68: {  	[tilespmem:s29], [sflag:$0x2] =	stream.indirect.gather [spmem:s4], $0x10, s5, s28, $0xb8;
	[tilespmem:$0x18E80] =	vst v63  }
0x69: {  	_ =	swait.ge [sflag:s30], $0x3E80  }
0x6a: {  	[sflag:s30] =	ssyncset.done $0x0  }
0x6b: {  	s11 =	simm.s32 $0x4E20;
	[sflag:s30] =	ssyncadd.s32 $0xFFFFC180  }
0x6c: {  	[spmem:s3] =	stream.indirect.scatter.add.f32 [tilespmem:s29], [sflag:$0x4], $0x10, s11, s28, $0xb8;
	[tilespmem:$0x18E80] =	vst v63  }
0x6d: {  	_ = 	snop  }
0x6e: {  	[tilespmem:s31], [sflag:$0x3] =	stream.indirect.gather [spmem:s4], $0x10, s28, s28, $0xb8;
	[tilespmem:$0x18E80] =	vst v63  }
0x6f: {  	_ =	swait.ge [sflag:s0], $0x3E80  }
0x70: {  	[sflag:s0] =	ssyncset.done $0x0  }
0x71: {  	s10 =	simm.s32 $0x5208;
	[sflag:s0] =	ssyncadd.s32 $0xFFFFC180  }
0x72: {  	[spmem:s3] =	stream.indirect.scatter.add.f32 [tilespmem:s31], [sflag:$0x5], $0x10, s10, s28, $0xb8;
	[tilespmem:$0x18E80] =	vst v63  }
0x73: {  	_ =	swait.ge [sflag:s1], $0x3E80  }
0x74: {  	[sflag:s1] =	ssyncset.done $0x0  }
0x75: {  	s16 =	simm.s32 $0x7D0;
	[sflag:s1] =	ssyncadd.s32 $0xFFFFC180  }
0x76: {  	[tilespmem:s29], [sflag:$0x2] =	stream.indirect.gather [spmem:s4], $0x10, s16, s28, $0xb8;
	[tilespmem:$0x18E80] =	vst v63  }
0x77: {  	_ =	swait.ge [sflag:s30], $0x3E80  }
0x78: {  	[sflag:s30] =	ssyncset.done $0x0  }
0x79: {  	s19 =	simm.s32 $0x55F0;
	[sflag:s30] =	ssyncadd.s32 $0xFFFFC180  }
0x7a: {  	[spmem:s3] =	stream.indirect.scatter.add.f32 [tilespmem:s29], [sflag:$0x4], $0x10, s19, s28, $0xb8;
	[tilespmem:$0x18E80] =	vst v63  }
0x7b: {  	_ =	swait.ge [sflag:s17], $0x3E80  }
0x7c: {  	[sflag:s17] =	ssyncset.done $0x0  }
0x7d: {  	s13 =	simm.s32 $0xBB8;
	[sflag:s17] =	ssyncadd.s32 $0xFFFFC180  }
0x7e: {  	[tilespmem:s31], [sflag:$0x3] =	stream.indirect.gather [spmem:s4], $0x10, s13, s28, $0xb8;
	[tilespmem:$0x18E80] =	vst v63  }
0x7f: {  	_ =	swait.ge [sflag:s0], $0x3E80  }
0x80: {  	[sflag:s0] =	ssyncset.done $0x0  }
0x81: {  	s14 =	simm.s32 $0x59D8;
	[sflag:s0] =	ssyncadd.s32 $0xFFFFC180  }
0x82: {  	[spmem:s3] =	stream.indirect.scatter.add.f32 [tilespmem:s31], [sflag:$0x5], $0x10, s14, s28, $0xb8;
	[tilespmem:$0x18E80] =	vst v63  }
0x83: {  	_ =	swait.ge [sflag:s1], $0x3E80  }
0x84: {  	[sflag:s1] =	ssyncset.done $0x0  }
0x85: {  	s15 =	simm.s32 $0xFA0;
	[sflag:s1] =	ssyncadd.s32 $0xFFFFC180  }
0x86: {  	[tilespmem:s29], [sflag:$0x2] =	stream.indirect.gather [spmem:s4], $0x10, s15, s28, $0xb8;
	[tilespmem:$0x18E80] =	vst v63  }
0x87: {  	_ =	swait.ge [sflag:s30], $0x3E80  }
0x88: {  	[sflag:s30] =	ssyncset.done $0x0  }
0x89: {  	s16 =	simm.s32 $0x5DC0;
	[sflag:s30] =	ssyncadd.s32 $0xFFFFC180  }
0x8a: {  	[spmem:s3] =	stream.indirect.scatter.add.f32 [tilespmem:s29], [sflag:$0x4], $0x10, s16, s28, $0xb8;
	[tilespmem:$0x18E80] =	vst v63  }
0x8b: {  	_ =	swait.ge [sflag:s17], $0x3E80  }
0x8c: {  	[sflag:s17] =	ssyncset.done $0x0  }
0x8d: {  	s19 =	simm.s32 $0x1388;
	[sflag:s17] =	ssyncadd.s32 $0xFFFFC180  }
0x8e: {  	[tilespmem:s31], [sflag:$0x3] =	stream.indirect.gather [spmem:s4], $0x10, s19, s28, $0xb8;
	[tilespmem:$0x18E80] =	vst v63  }
0x8f: {  	_ =	swait.ge [sflag:s0], $0x3E80  }
0x90: {  	[sflag:s0] =	ssyncset.done $0x0  }
0x91: {  	s13 =	simm.s32 $0x61A8;
	[sflag:s0] =	ssyncadd.s32 $0xFFFFC180  }
0x92: {  	[spmem:s3] =	stream.indirect.scatter.add.f32 [tilespmem:s31], [sflag:$0x5], $0x10, s13, s28, $0xb8;
	[tilespmem:$0x18E80] =	vst v63  }
0x93: {  	_ =	swait.ge [sflag:s1], $0x3E80  }
0x94: {  	[sflag:s1] =	ssyncset.done $0x0  }
0x95: {  	s14 =	simm.s32 $0x1770;
	[sflag:s1] =	ssyncadd.s32 $0xFFFFC180  }
0x96: {  	[tilespmem:s29], [sflag:$0x2] =	stream.indirect.gather [spmem:s4], $0x10, s14, s28, $0xb8;
	[tilespmem:$0x18E80] =	vst v63  }
0x97: {  	_ =	swait.ge [sflag:s30], $0x3E80  }
0x98: {  	[sflag:s30] =	ssyncset.done $0x0  }
0x99: {  	s15 =	simm.s32 $0x6590;
	[sflag:s30] =	ssyncadd.s32 $0xFFFFC180  }
0x9a: {  	[spmem:s3] =	stream.indirect.scatter.add.f32 [tilespmem:s29], [sflag:$0x4], $0x10, s15, s28, $0xb8;
	[tilespmem:$0x18E80] =	vst v63  }
0x9b: {  	_ =	swait.ge [sflag:s17], $0x3E80  }
0x9c: {  	[sflag:s17] =	ssyncset.done $0x0  }
0x9d: {  	s16 =	simm.s32 $0x1B58;
	[sflag:s17] =	ssyncadd.s32 $0xFFFFC180  }
0x9e: {  	[tilespmem:s31], [sflag:$0x3] =	stream.indirect.gather [spmem:s4], $0x10, s16, s28, $0xb8;
	[tilespmem:$0x18E80] =	vst v63  }
0x9f: {  	_ =	swait.ge [sflag:s0], $0x3E80  }
0xa0: {  	[sflag:s0] =	ssyncset.done $0x0  }
0xa1: {  	s19 =	simm.s32 $0x6978;
	[sflag:s0] =	ssyncadd.s32 $0xFFFFC180  }
0xa2: {  	[spmem:s3] =	stream.indirect.scatter.add.f32 [tilespmem:s31], [sflag:$0x5], $0x10, s19, s28, $0xb8;
	[tilespmem:$0x18E80] =	vst v63  }
0xa3: {  	_ =	swait.ge [sflag:s1], $0x3E80  }
0xa4: {  	[sflag:s1] =	ssyncset.done $0x0  }
0xa5: {  	s13 =	simm.s32 $0x1F40;
	[sflag:s1] =	ssyncadd.s32 $0xFFFFC180  }
0xa6: {  	[tilespmem:s29], [sflag:$0x2] =	stream.indirect.gather [spmem:s4], $0x10, s13, s28, $0xb8;
	[tilespmem:$0x18E80] =	vst v63  }
0xa7: {  	_ =	swait.ge [sflag:s30], $0x3E80  }
0xa8: {  	[sflag:s30] =	ssyncset.done $0x0  }
0xa9: {  	s14 =	simm.s32 $0x6D60;
	[sflag:s30] =	ssyncadd.s32 $0xFFFFC180  }
0xaa: {  	[spmem:s3] =	stream.indirect.scatter.add.f32 [tilespmem:s29], [sflag:$0x4], $0x10, s14, s28, $0xb8;
	[tilespmem:$0x18E80] =	vst v63  }
0xab: {  	_ =	swait.ge [sflag:s17], $0x3E80  }
0xac: {  	[sflag:s17] =	ssyncset.done $0x0  }
0xad: {  	s15 =	simm.s32 $0x2328;
	[sflag:s17] =	ssyncadd.s32 $0xFFFFC180  }
0xae: {  	[tilespmem:s31], [sflag:$0x3] =	stream.indirect.gather [spmem:s4], $0x10, s15, s28, $0xb8;
	[tilespmem:$0x18E80] =	vst v63  }
0xaf: {  	_ =	swait.ge [sflag:s0], $0x3E80  }
0xb0: {  	[sflag:s0] =	ssyncset.done $0x0  }
0xb1: {  	s16 =	simm.s32 $0x7148;
	[sflag:s0] =	ssyncadd.s32 $0xFFFFC180  }
0xb2: {  	[spmem:s3] =	stream.indirect.scatter.add.f32 [tilespmem:s31], [sflag:$0x5], $0x10, s16, s28, $0xb8;
	[tilespmem:$0x18E80] =	vst v63  }
0xb3: {  	_ =	swait.ge [sflag:s1], $0x3E80  }
0xb4: {  	[sflag:s1] =	ssyncset.done $0x0  }
0xb5: {  	s19 =	simm.s32 $0x2710;
	[sflag:s1] =	ssyncadd.s32 $0xFFFFC180  }
0xb6: {  	[tilespmem:s29], [sflag:$0x2] =	stream.indirect.gather [spmem:s4], $0x10, s19, s28, $0xb8;
	[tilespmem:$0x18E80] =	vst v63  }
0xb7: {  	_ =	swait.ge [sflag:s30], $0x3E80  }
0xb8: {  	[sflag:s30] =	ssyncset.done $0x0  }
0xb9: {  	s13 =	simm.s32 $0x7530;
	[sflag:s30] =	ssyncadd.s32 $0xFFFFC180  }
0xba: {  	[spmem:s3] =	stream.indirect.scatter.add.f32 [tilespmem:s29], [sflag:$0x4], $0x10, s13, s28, $0xb8;
	[tilespmem:$0x18E80] =	vst v63  }
0xbb: {  	_ =	swait.ge [sflag:s17], $0x3E80  }
0xbc: {  	[sflag:s17] =	ssyncset.done $0x0  }
0xbd: {  	s14 =	simm.s32 $0x2AF8;
	[sflag:s17] =	ssyncadd.s32 $0xFFFFC180  }
0xbe: {  	[tilespmem:s31], [sflag:$0x3] =	stream.indirect.gather [spmem:s4], $0x10, s14, s28, $0xb8;
	[tilespmem:$0x18E80] =	vst v63  }
0xbf: {  	_ =	swait.ge [sflag:s0], $0x3E80  }
0xc0: {  	[sflag:s0] =	ssyncset.done $0x0  }
0xc1: {  	s15 =	simm.s32 $0x7918;
	[sflag:s0] =	ssyncadd.s32 $0xFFFFC180  }
0xc2: {  	[spmem:s3] =	stream.indirect.scatter.add.f32 [tilespmem:s31], [sflag:$0x5], $0x10, s15, s28, $0xb8;
	[tilespmem:$0x18E80] =	vst v63  }
0xc3: {  	_ =	swait.ge [sflag:s1], $0x3E80  }
0xc4: {  	[sflag:s1] =	ssyncset.done $0x0  }
0xc5: {  	s16 =	simm.s32 $0x2EE0;
	[sflag:s1] =	ssyncadd.s32 $0xFFFFC180  }
0xc6: {  	[tilespmem:s29], [sflag:$0x2] =	stream.indirect.gather [spmem:s4], $0x10, s16, s28, $0xb8;
	[tilespmem:$0x18E80] =	vst v63  }
0xc7: {  	_ =	swait.ge [sflag:s30], $0x3E80  }
0xc8: {  	[sflag:s30] =	ssyncset.done $0x0  }
0xc9: {  	s19 =	simm.s32 $0x7D00;
	[sflag:s30] =	ssyncadd.s32 $0xFFFFC180  }
0xca: {  	[spmem:s3] =	stream.indirect.scatter.add.f32 [tilespmem:s29], [sflag:$0x4], $0x10, s19, s28, $0xb8;
	[tilespmem:$0x18E80] =	vst v63  }
0xcb: {  	_ =	swait.ge [sflag:s17], $0x3E80  }
0xcc: {  	[sflag:s17] =	ssyncset.done $0x0  }
0xcd: {  	s13 =	simm.s32 $0x32C8;
	[sflag:s17] =	ssyncadd.s32 $0xFFFFC180  }
0xce: {  	[tilespmem:s31], [sflag:$0x3] =	stream.indirect.gather [spmem:s4], $0x10, s13, s28, $0xb8;
	[tilespmem:$0x18E80] =	vst v63  }
0xcf: {  	_ =	swait.ge [sflag:s0], $0x3E80  }
0xd0: {  	[sflag:s0] =	ssyncset.done $0x0  }
0xd1: {  	s14 =	simm.s32 $0x80E8;
	[sflag:s0] =	ssyncadd.s32 $0xFFFFC180  }
0xd2: {  	[spmem:s3] =	stream.indirect.scatter.add.f32 [tilespmem:s31], [sflag:$0x5], $0x10, s14, s28, $0xb8;
	[tilespmem:$0x18E80] =	vst v63  }
0xd3: {  	_ =	swait.ge [sflag:s1], $0x3E80  }
0xd4: {  	[sflag:s1] =	ssyncset.done $0x0  }
0xd5: {  	s15 =	simm.s32 $0x36B0;
	[sflag:s1] =	ssyncadd.s32 $0xFFFFC180  }
0xd6: {  	[tilespmem:s29], [sflag:$0x2] =	stream.indirect.gather [spmem:s4], $0x10, s15, s28, $0xb8;
	[tilespmem:$0x18E80] =	vst v63  }
0xd7: {  	_ =	swait.ge [sflag:s30], $0x3E80  }
0xd8: {  	[sflag:s30] =	ssyncset.done $0x0  }
0xd9: {  	s16 =	simm.s32 $0x84D0;
	[sflag:s30] =	ssyncadd.s32 $0xFFFFC180  }
0xda: {  	[spmem:s3] =	stream.indirect.scatter.add.f32 [tilespmem:s29], [sflag:$0x4], $0x10, s16, s28, $0xb8;
	[tilespmem:$0x18E80] =	vst v63  }
0xdb: {  	_ =	swait.ge [sflag:s17], $0x3E80  }
0xdc: {  	[sflag:s17] =	ssyncset.done $0x0  }
0xdd: {  	s19 =	simm.s32 $0x3A98;
	[sflag:s17] =	ssyncadd.s32 $0xFFFFC180  }
0xde: {  	[tilespmem:s31], [sflag:$0x3] =	stream.indirect.gather [spmem:s4], $0x10, s19, s28, $0xb8;
	[tilespmem:$0x18E80] =	vst v63  }
0xdf: {  	_ =	swait.ge [sflag:s0], $0x3E80  }
0xe0: {  	[sflag:s0] =	ssyncset.done $0x0  }
0xe1: {  	s13 =	simm.s32 $0x88B8;
	[sflag:s0] =	ssyncadd.s32 $0xFFFFC180  }
0xe2: {  	[spmem:s3] =	stream.indirect.scatter.add.f32 [tilespmem:s31], [sflag:$0x5], $0x10, s13, s28, $0xb8;
	[tilespmem:$0x18E80] =	vst v63  }
0xe3: {  	_ =	swait.ge [sflag:s1], $0x3E80  }
0xe4: {  	[sflag:s1] =	ssyncset.done $0x0  }
0xe5: {  	s14 =	simm.s32 $0x3E80;
	[sflag:s1] =	ssyncadd.s32 $0xFFFFC180  }
0xe6: {  	[tilespmem:s29], [sflag:$0x2] =	stream.indirect.gather [spmem:s4], $0x10, s14, s28, $0xb8;
	[tilespmem:$0x18E80] =	vst v63  }
0xe7: {  	_ =	swait.ge [sflag:s30], $0x3E80  }
0xe8: {  	[sflag:s30] =	ssyncset.done $0x0  }
0xe9: {  	s15 =	simm.s32 $0x8CA0;
	[sflag:s30] =	ssyncadd.s32 $0xFFFFC180  }
0xea: {  	[spmem:s3] =	stream.indirect.scatter.add.f32 [tilespmem:s29], [sflag:$0x4], $0x10, s15, s28, $0xb8;
	[tilespmem:$0x18E80] =	vst v63  }
0xeb: {  	_ =	swait.ge [sflag:s17], $0x3E80  }
0xec: {  	[sflag:s17] =	ssyncset.done $0x0  }
0xed: {  	s16 =	simm.s32 $0x4268;
	[sflag:s17] =	ssyncadd.s32 $0xFFFFC180  }
0xee: {  	[tilespmem:s31], [sflag:$0x3] =	stream.indirect.gather [spmem:s4], $0x10, s16, s28, $0xb8;
	[tilespmem:$0x18E80] =	vst v63  }
0xef: {  	_ =	swait.ge [sflag:s0], $0x3E80  }
0xf0: {  	[sflag:s0] =	ssyncset.done $0x0  }
0xf1: {  	s19 =	simm.s32 $0x9088;
	[sflag:s0] =	ssyncadd.s32 $0xFFFFC180  }
0xf2: {  	[spmem:s3] =	stream.indirect.scatter.add.f32 [tilespmem:s31], [sflag:$0x5], $0x10, s19, s28, $0xb8;
	[tilespmem:$0x18E80] =	vst v63  }
0xf3: {  	_ =	swait.ge [sflag:s1], $0x3E80  }
0xf4: {  	[sflag:s1] =	ssyncset.done $0x0  }
0xf5: {  	s13 =	simm.s32 $0x4650;
	[sflag:s1] =	ssyncadd.s32 $0xFFFFC180  }
0xf6: {  	[tilespmem:s29], [sflag:$0x2] =	stream.indirect.gather [spmem:s4], $0x10, s13, s28, $0xb8;
	[tilespmem:$0x18E80] =	vst v63  }
0xf7: {  	_ =	swait.ge [sflag:s30], $0x3E80  }
0xf8: {  	[sflag:s30] =	ssyncset.done $0x0  }
0xf9: {  	s14 =	simm.s32 $0x9470;
	[sflag:s30] =	ssyncadd.s32 $0xFFFFC180  }
0xfa: {  	[spmem:s3] =	stream.indirect.scatter.add.f32 [tilespmem:s29], [sflag:$0x4], $0x10, s14, s28, $0xb8;
	[tilespmem:$0x18E80] =	vst v63  }
0xfb: {  	_ =	swait.ge [sflag:s17], $0x3E80  }
0xfc: {  	[sflag:s17] =	ssyncset.done $0x0  }
0xfd: {  	s15 =	simm.s32 $0x4A38;
	[sflag:s17] =	ssyncadd.s32 $0xFFFFC180  }
0xfe: {  	[tilespmem:s31], [sflag:$0x3] =	stream.indirect.gather [spmem:s4], $0x10, s15, s28, $0xb8;
	[tilespmem:$0x18E80] =	vst v63  }
0xff: {  	_ =	swait.ge [sflag:s0], $0x3E80  }
0x100: {  	[sflag:s0] =	ssyncset.done $0x0  }
0x101: {  	s16 =	simm.s32 $0x9858;
	[sflag:s0] =	ssyncadd.s32 $0xFFFFC180  }
0x102: {  	[spmem:s3] =	stream.indirect.scatter.add.f32 [tilespmem:s31], [sflag:$0x5], $0x10, s16, s28, $0xb8;
	[tilespmem:$0x18E80] =	vst v63  }
0x103: {  	_ =	swait.ge [sflag:s1], $0x3E80  }
0x104: {  	[sflag:s1] =	ssyncset.done $0x0  }
0x105: {  	[sflag:s1] =	ssyncadd.s32 $0xFFFFC180  }
0x106: {  	_ =	swait.ge [sflag:s17], $0x3E80  }
0x107: {  	[sflag:s17] =	ssyncset.done $0x0  }
0x108: {  	[sflag:s17] =	ssyncadd.s32 $0xFFFFC180  }
0x109: {  	[bflag:$0x0] =	sbarrier.arrive $0xFFFF  }
0x10a: {  	s19 =	rddreg [dreg:$0x9]  }
0x10b: {  	s14 =	rddreg [dreg:$0xb]  }
0x10c: {  	[hbm:s19], [sflag:s20] =	dma.local [spmem:s14], $0x4E2  }
0x10d: {  	_ =	swait.ge [sflag:s18], $0x4E2  }
0x10e: {  	s2 =	sadd.s32 $0x1, s2;
	s13 =	smov.u32 s20;
	s20 =	rddreg [dreg:$0xa]  }
0x10f: {  	p0 =	sne.s32 s2, s20  }
.Ltmp2:
0x110: {  	_ = 	snop;
	(pc) =	sbr.rel @p0 .LBB2_1-.Ltmp2, $3  }
0x111: {  	_ =	sdelay $0x1  }
0x112: {  	[sflag:s18] =	ssyncset.done $0x0  }
0x113: {  	[sflag:s18] =	ssyncadd.s32 $0xFFFFFB1E  }
0x114: {  	_ =	sfence.sel $0x180000  }
0x115: {  	[bflag:$0x0] =	sbarrier.arrive $0xFFFF  }
0x116: {  	_ =	strace $0x9000004D  }
0x117: {  	s0 =	stileid.u32;
	[bflag:$0x2] =	sbarrier.arrive $0xFFFF  }
0x118: {  	p0 =	sne.s32 s0, $0x0;
	s0 =	rddreg [dreg:$0x5]  }
0x119: {  	s0 =	sadd.s32 @!p0 $0x100000, s0  }
0x11a: {  	[sflag:s0] =	ssyncadd.tile.s32 @!p0 $0x1;
	_ =	shalt  }
.Lfunc_end2:
_tile_overlayer_lowered:
.L_overlay_start_2:
0x11b: {  	(tag) =	ssettag $0x2  }
0x11c: {  	s0 =	rddreg [dreg:$0x0];
	s2 =	stileid.u32  }
0x11d: {  	s1 =	rddreg [dreg:$0x1];
	p0 =	sne.s32 s2, $0x0  }
0x11e: {  	s3 =	rddreg [dreg:$0x2];
	[bflag:$0x3] =	sbarrier.arrive $0xFFFF;
	s2 =	simm.s32 @!p0 $0x1C06  }
0x11f: {  	[timem:s3], [sflag:s2] =	dma.local @!p0 [hbm:s0], s1  }
0x120: {  	s0 =	simm.s32 @!p0 $0x6  }
0x121: {  	_ =	swait.ge @!p0 [sflag:s0], s1  }
0x122: {  	s1 =	ssub.s32 @!p0 $0x0, s1;
	[sflag:s0] =	ssyncset.done @!p0 $0x0  }
0x123: {  	[sflag:s0] =	ssyncadd.s32 @!p0 s1  }
0x124: {  	[bflag:$0x3] =	sbarrier.arrive $0xFFFF  }
0x125: {  	_ =	shalt  }

// kernel: kernel.7.cloned.1.call-start
scs
__scs_entry_jumppad:
0x0: {  	(pc) =	sbr.rel $0x88, $3  }
0x1: {  	(tag) =	ssettag $0x0;
	lr =	simm.s32 $0x1  }
0x2: {  	[smem:$0x3F9B] =	sst lr;
	_ =	strace $0xD0000000  }
0x3: {  	_ = 	snop  }
0x4: {  	_ = 	snop  }
0x5: {  	_ = 	snop  }
0x6: {  	_ = 	snop  }
0x7: {  	_ = 	snop  }
__scs_overlays_trampoline_lowered:
0x8: {  	[smem:$0x3FAA] =	sst s0  }
0x9: {  	[smem:$0x3FAB] =	sst s1  }
0xa: {  	[smem:$0x3FAC] =	sst s2  }
0xb: {  	[smem:$0x3FAD] =	sst s3  }
0xc: {  	[smem:$0x3FAE] =	sst s4  }
0xd: {  	[smem:$0x3FAF] =	sst s5  }
0xe: {  	[smem:$0x3FB0] =	sst s6  }
0xf: {  	[smem:$0x3FB1] =	sst s7  }
0x10: {  	[smem:$0x3FB2] =	sst s8  }
0x11: {  	[smem:$0x3FB3] =	sst s9;
	s0 =	simm.s32 @!p0 $0x0  }
0x12: {  	s1 =	sld [smem:$0x3F99];
	s0 =	simm.s32 @p0 $0x1  }
0x13: {  	[smem:$0x3FB4] =	sst s0;
	s0 =	simm.s32 @!p1 $0x0  }
0x14: {  	s2 =	sld [smem:$0x3F98];
	s0 =	simm.s32 @p1 $0x1  }
0x15: {  	[smem:$0x3FB5] =	sst s0;
	s0 =	simm.s32 @!p2 $0x0  }
0x16: {  	s3 =	sld [smem:$0x3FDB];
	s0 =	simm.s32 @p2 $0x1  }
0x17: {  	s4 =	simm.s32 $0x1BF5;
	[smem:$0x3FB7] =	sst s0  }
0x18: {  	s0 =	sld [smem:$0x3F9A];
	_ =	swait.ge [sflag:s4], $0x0  }
0x19: {  	s7 =	sld [smem:$0x3F9B]  }
0x1a: {  	s8 =	sadd.s32 $0xFFFFE003, lr  }
0x1b: {  	s9 =	sadd.s32 $0xFFFFFEF7, lr;
	s5 =	simm.s32 $0xFFFFFFFF;
	p2 =	slt.u32 s8, $0xFFFFF086  }
0x1c: {  	p1 =	slt.u32 s9, $0xF7A;
	s5 =	simm.s32 @!p2 $0x0  }
0x1d: {  	s5 =	simm.s32 @p1 $0x1;
	p0 =	seq.s32 s7, s2  }
0x1e: {  	s7 =	smul.u32 @!p0 $0xF7A, s2;
	p2 =	seq.s32 @!p0 s5, $0x0  }
0x1f: {  	s9 =	smul.u32 $0xF7A, s1;
	s8 =	simm.s32 @!p0 $0x1BF5;
	p2 =	por !p2, p0  }
0x20: {  	[sflag:s8] =	ssyncset.s32 @!p0 $0xFFFFF086;
	s6 =	sadd.s32 @!p0 s3, s7;
	s7 =	simm.s32 @!p0 $0x108  }
0x21: {  	s3 =	sadd.s32 s3, s9;
	s6 =	sadd.s32 @!p0 $0x88, s6;
	s7 =	simm.s32 @p2 $0x1082  }
0x22: {  	[simem:s7], [sflag:s8] =	dma.local @!p0 [hbm:s6], $0xF7A  }
0x23: {  	s9 =	sor.u32 $0xD0000000, s2;
	s6 =	simm.s32 $0x108;
	_ =	swait.ge @!p0 [sflag:s8], $0x0  }
0x24: {  	s3 =	sadd.s32 $0x88, s3;
	s6 =	simm.s32 @!p1 $0x1082;
	[sflag:s4] =	ssyncset.s32 $0xFFFFF086  }
0x25: {  	[simem:s6], [sflag:s4] =	dma.local [hbm:s3], $0xF7A  }
0x26: {  	[smem:$0x3F9B] =	sst s1;
	(tag) =	ssettag s2;
	_ =	strace s9  }
0x27: {  	s1 =	sld [smem:$0x3FAB]  }
0x28: {  	s2 =	sld [smem:$0x3FAC]  }
0x29: {  	s4 =	sld [smem:$0x3FAE]  }
0x2a: {  	p0 =	seq.s32 s5, $0x0;
	s5 =	sld [smem:$0x3FAF]  }
0x2b: {  	s6 =	sld [smem:$0x3FB0]  }
0x2c: {  	s7 =	sld [smem:$0x3FB1]  }
0x2d: {  	s3 =	simm.s32 $0x108;
	s8 =	sld [smem:$0x3FB2]  }
0x2e: {  	s3 =	simm.s32 @!p0 $0x1082;
	s9 =	sld [smem:$0x3FB3]  }
0x2f: {  	lr =	sadd.s32 s0, s3;
	s0 =	sld [smem:$0x3FAA]  }
0x30: {  	s3 =	sld [smem:$0x3FAD]  }
0x31: {  	[smem:$0x3FB6] =	sst s10  }
0x32: {  	s10 =	sld [smem:$0x3FB4];
	_ =	sdelay $0x3  }
0x33: {  	p0 =	seq.s32 s10, $0x1;
	s10 =	sld [smem:$0x3FB6];
	_ =	sdelay $0x3  }
0x34: {  	[smem:$0x3FB6] =	sst s10  }
0x35: {  	s10 =	sld [smem:$0x3FB5];
	_ =	sdelay $0x3  }
0x36: {  	p1 =	seq.s32 s10, $0x1;
	s10 =	sld [smem:$0x3FB6];
	_ =	sdelay $0x3  }
0x37: {  	[smem:$0x3FB6] =	sst s10  }
0x38: {  	s10 =	sld [smem:$0x3FB7]  }
0x39: {  	_ = 	snop;
	(pc) =	sbr.ind lr, $3  }
0x3a: {  	_ = 	snop  }
0x3b: {  	_ = 	snop  }
0x3c: {  	p2 =	seq.s32 s10, $0x1;
	s10 =	sld [smem:$0x3FB6]  }
0x3d: {  	_ =	shalt  }
0x3e: {  	_ =	shalt  }
0x3f: {  	_ =	shalt  }
0x40: {  	_ =	shalt  }
0x41: {  	_ =	shalt  }
0x42: {  	_ =	shalt  }
0x43: {  	_ =	shalt  }
0x44: {  	_ =	shalt  }
0x45: {  	_ =	shalt  }
0x46: {  	_ =	shalt  }
0x47: {  	_ =	shalt  }
0x48: {  	_ =	shalt  }
0x49: {  	_ =	shalt  }
0x4a: {  	_ =	shalt  }
0x4b: {  	_ =	shalt  }
0x4c: {  	_ =	shalt  }
0x4d: {  	_ =	shalt  }
0x4e: {  	_ =	shalt  }
0x4f: {  	_ =	shalt  }
0x50: {  	_ =	shalt  }
0x51: {  	_ =	shalt  }
0x52: {  	_ =	shalt  }
0x53: {  	_ =	shalt  }
0x54: {  	_ =	shalt  }
0x55: {  	_ =	shalt  }
0x56: {  	_ =	shalt  }
0x57: {  	_ =	shalt  }
0x58: {  	_ =	shalt  }
0x59: {  	_ =	shalt  }
0x5a: {  	_ =	shalt  }
0x5b: {  	_ =	shalt  }
0x5c: {  	_ =	shalt  }
0x5d: {  	_ =	shalt  }
0x5e: {  	_ =	shalt  }
0x5f: {  	_ =	shalt  }
0x60: {  	_ =	shalt  }
0x61: {  	_ =	shalt  }
0x62: {  	_ =	shalt  }
0x63: {  	_ =	shalt  }
0x64: {  	_ =	shalt  }
0x65: {  	_ =	shalt  }
0x66: {  	_ =	shalt  }
0x67: {  	_ =	shalt  }
0x68: {  	_ =	shalt  }
0x69: {  	_ =	shalt  }
0x6a: {  	_ =	shalt  }
0x6b: {  	_ =	shalt  }
0x6c: {  	_ =	shalt  }
0x6d: {  	_ =	shalt  }
0x6e: {  	_ =	shalt  }
0x6f: {  	_ =	shalt  }
0x70: {  	_ =	shalt  }
0x71: {  	_ =	shalt  }
0x72: {  	_ =	shalt  }
0x73: {  	_ =	shalt  }
0x74: {  	_ =	shalt  }
0x75: {  	_ =	shalt  }
0x76: {  	_ =	shalt  }
0x77: {  	_ =	shalt  }
0x78: {  	_ =	shalt  }
0x79: {  	_ =	shalt  }
0x7a: {  	_ =	shalt  }
0x7b: {  	_ =	shalt  }
0x7c: {  	_ =	shalt  }
0x7d: {  	_ =	shalt  }
0x7e: {  	_ =	shalt  }
0x7f: {  	_ =	shalt  }
0x80: {  	_ =	shalt  }
0x81: {  	_ =	shalt  }
0x82: {  	_ =	shalt  }
0x83: {  	_ =	shalt  }
0x84: {  	_ =	shalt  }
0x85: {  	_ =	shalt  }
0x86: {  	_ =	shalt  }
0x87: {  	_ =	shalt  }
.Lfunc_end0:
.L_simem_size_0:
called_computation_lowered:
.L_overlay_start_0:
0x88: {  	s2 =	sld [smem:$0x3FD9]  }
0x89: {  	s3 =	sld [smem:$0x3FFE];
	_ =	sdelay $0x1  }
0x8a: {  	s1 =	srdreg.scid  }
0x8b: {  	s0 =	sand.u32 $0x1, s1  }
0x8c: {  	s17 =	sshll.u32 s0, $0xA;
	s2 =	sadd.s32 s3, s2  }
0x8d: {  	s2 =	sadd.s32 s2, s17  }
0x8e: {  	[smem:$0x3FC2] =	sst s2  }
0x8f: {  	_ = 	snop  }
0x90: {  	s2 =	sld [smem:$0x3FD0];
	(tm) =	ssettm $0x1  }
0x91: {  	s18 =	sld [smem:$0x3FFB];
	_ =	sdelay $0x3  }
0x92: {  	_ =	strace s18  }
0x93: {  	s3 =	sld [smem:$0x3FFC];
	_ =	sdelay $0x3  }
0x94: {  	_ =	strace s3  }
0x95: {  	s3 =	sld [smem:$0x3FFD];
	_ =	sdelay $0x3  }
0x96: {  	_ =	strace s3  }
0x97: {  	_ =	strace $0x8FFFFFFF  }
0x98: {  	s19 =	sld [smem:$0x3FDB];
	_ =	sdelay $0x1  }
0x99: {  	s4 =	simm.s32 $_scs_section_size  }
0x9a: {  	s5 =	simm.s32 $_size__tile_overlayer_lowered;
	s6 =	simm.s32 $_tile_overlayer_lowered  }
0x9b: {  	s22 =	simm.s32 $0x1BFF;
	s21 =	sshll.u32 s6, $0x1;
	s3 =	sadd.s32 s4, s19  }
0x9c: {  	s7 =	simm.s32 $0x0;
	s20 =	sshll.u32 s5, $0x1;
	s5 =	sadd.s32 s21, s3  }
0x9d: {  	[timem:s7], [sflag:s22] =	dma.local [hbm:s5], s20  }
0x9e: {  	_ =	swait.ge [sflag:s22], s20  }
0x9f: {  	s4 =	ssub.s32 $0x0, s20;
	[sflag:s22] =	ssyncset.done $0x0  }
0xa0: {  	[sflag:s22] =	ssyncadd.s32 s4;
	_ =	sdelay $0x1  }
0xa1: {  	s23 =	simm.s32 $0x1B8B  }
0xa2: {  	_ =	swait.ge [sflag:s23], $0x1  }
0xa3: {  	[sflag:s23] =	ssyncset.done $0x0  }
0xa4: {  	s25 =	simm.s32 $0x1B8E;
	s24 =	sld [smem:$0x3FFE];
	[sflag:s23] =	ssyncadd.s32 $0xFFFFFFFF  }
0xa5: {  	s26 =	simm.s32 $execute0_lowered;
	[smem:$0x3FD2] =	sst s25  }
0xa6: {  	s5 =	sshll.u32 s26, $0x1;
	_ =	strace $0x80000046;
	[dreg:$0x1] =	wrdreg $0xFFFFFFFF  }
0xa7: {  	s28 =	simm.s32 $_size_execute0_lowered;
	s3 =	sadd.s32 s3, s5;
	[dreg:$0x0] =	wrdreg $0x0  }
0xa8: {  	s5 =	sshll.u32 s28, $0x1;
	[dreg:$0x2] =	wrdreg s3  }
0xa9: {  	[dreg:$0x3] =	wrdreg s5  }
0xaa: {  	[dreg:$0x4] =	wrdreg $0xC0  }
0xab: {  	_ =	task [dreg:s7], $0x5FFFF  }
0xac: {  	[dreg:$0x1] =	wrdreg $0xFFFFFFFF  }
0xad: {  	[dreg:$0x0] =	wrdreg $0x60  }
0xae: {  	[dreg:$0x2] =	wrdreg s2  }
0xaf: {  	[dreg:$0x3] =	wrdreg s24  }
0xb0: {  	[dreg:$0x4] =	wrdreg $0x57800  }
0xb1: {  	[dreg:$0x5] =	wrdreg $0x9  }
0xb2: {  	_ =	task.clear_ibuf [dreg:s7], $0x6FFFF;
	_ =	strace $0x90000046  }
0xb3: {  	s29 =	simm.s32 $0x9;
	_ =	strace $0x80000048  }
0xb4: {  	_ =	swait.ge [sflag:s29], $0x1  }
0xb5: {  	[sflag:s29] =	ssyncadd.s32 $0xFFFFFFFF  }
0xb6: {  	_ =	strace $0x90000048  }
0xb7: {  	_ =	sfence  }
0xb8: {  	s30 =	sld [smem:$0x0];
	_ =	sdelay $0x2  }
0xb9: {  	s31 =	sshll.u32 s1, $0xD;
	s1 =	sshrl.u32 s1, $0x2  }
0xba: {  	s3 =	sand.u32 $0x4000, s31;
	s1 =	sadd.s32 s1, s30  }
0xbb: {  	s0 =	sor.u32 s3, s0;
	s1 =	sshll.u32 s1, $0x11  }
0xbc: {  	s0 =	sor.u32 s1, s0  }
0xbd: {  	s0 =	sadd.s32 $0x8F2B, s0  }
0xbe: {  	[sflag:s0] =	ssyncadd.remote.s32 $0x1  }
0xbf: {  	_ =	sfence.sel $0xFFFF  }
0xc0: {  	[dreg:$0x0] =	wrdreg $0xFFFFFFFF;
	(pc) =	sbr.abs _section_cstart, $3  }
0xc1: {  	[dreg:$0x1] =	wrdreg $0xFFFFFFFF  }
0xc2: {  	_ =	task.clear_ibuf [dreg:s7], $0x2FFFF;
	_ =	strace $0x9FFFFFFF  }
0xc3: {  	(tm) =	ssettm $0x7FFFFFFF  }
tec
execute0_lowered:
.L_overlay_start_1:
0x0: {  	(tag) =	ssettag $0x1  }
0x1: {  	s5 =	rddreg [dreg:$0x0]  }
0x2: {  	s6 =	rddreg [dreg:$0x1]  }
0x3: {  	s2 =	rddreg [dreg:$0x2];
	s0 =	stileid.u32  }
0x4: {  	s4 =	srdreg.scid;
	s1 =	rddreg [dreg:$0x3]  }
0x5: {  	s3 =	simm.s32 $0x0;
	s13 =	simm.s32 $0x1;
	s14 =	simm.s32 $0x64  }
0x6: {  	s15 =	simm.s32 $0x2;
	s16 =	simm.s32 $0x3;
	s17 =	simm.s32 $0x0  }
0x7: {  	s7 =	smul.u32 $0x2710, s0;
	s4 =	sand.u32 $0x1, s4;
	[smem:$0x7FF] =	sst s3  }
0x8: {  	s10 =	sshll.u32 s0, $0x1;
	s31 =	sshll.u32 s0, $0x6;
	s9 =	smul.u32 $0x27100, s4  }
0x9: {  	_ =	strace $0x80000047;
	s11 =	ssub.s32 $0x2, s4;
	s4 =	sor.u32 s4, s10  }
0xa: {  	s8 =	sshrl.u32 s7, $0x3;
	s29 =	sshrl.u32 s11, $0x1;
	s12 =	smul.u32 $0xA28, s4  }
0xb: {  	s4 =	sadd.s32 $0x2E800, s6;
	s30 =	sadd.s32 s7, s2;
	s8 =	sadd.s32 s8, s6  }
0xc: {  	s9 =	sadd.s32 s7, s9;
	s10 =	ssub.s32 s11, s29;
	s11 =	sor.u32 $0x1C04, s31  }
0xd: {  	s9 =	sshrl.u32 s9, $0x3;
	s5 =	sadd.s32 s5, s12;
	s12 =	sshrl.u32 s30, $0x3  }
0xe: {  	s9 =	sadd.s32 s9, s6;
	s6 =	sadd.s32 $0x29800, s8;
	s8 =	smax.u32 s10, $0x1  }
0xf: {  	s10 =	simm.s32 $0x4;
	s7 =	sadd.s32 $0x2EA00, s9;
	s9 =	simm.s32 $0x5140  }
.LBB2_1:
0x10: {  	[tilespmem:s3], [sflag:$0x1] =	stream.linear.gather [hbm4b:s5+s3], $0x5140, $0x38;
	[tilespmem:$0x7E90] =	vst v63  }
0x11: {  	_ = 	snop  }
0x12: {  	[tilespmem:s9], [sflag:$0x4] =	stream.linear.gather [hbm4b:s4+s3], $0x640, $0x38;
	[tilespmem:$0x7E90] =	vst v63  }
0x13: {  	_ =	swait.ge [sflag:s10], $0x640  }
0x14: {  	[sflag:s10] =	ssyncset.done $0x0  }
0x15: {  	[sflag:s10] =	ssyncadd.s32 $0xFFFFF9C0  }
0x16: {  	[spmem:s12], [sflag:s11] =	dma.local [hbm:s6], $0x4E2  }
0x17: {  	_ =	swait.ge [sflag:s10], $0x4E2  }
0x18: {  	[sflag:s10] =	ssyncset.done $0x0  }
0x19: {  	[sflag:s10] =	ssyncadd.s32 $0xFFFFFB1E  }
0x1a: {  	[bflag:$0x0] =	sbarrier.arrive $0xFFFF  }
0x1b: {  	p0 =	por $0x1, $0x1;
	_ =	swait.ge [sflag:s13], $0x5140  }
0x1c: {  	p0 =	por p0, p0;
	[sflag:s13] =	ssyncset.done $0x0  }
0x1d: {  	s18 =	simm.s32 @!p0 $0x2;
	[sflag:s13] =	ssyncadd.s32 $0xFFFFAEC0  }
0x1e: {  	_ =	swait.ge @!p0 [sflag:s18], $0x640  }
0x1f: {  	[sflag:s18] =	ssyncset.done @!p0 $0x0  }
0x20: {  	[sflag:s18] =	ssyncadd.s32 @!p0 $0xFFFFF9C0  }
0x21: {  	_ =	swait.ge @!p0 [sflag:s18], $0x640  }
0x22: {  	[sflag:s18] =	ssyncset.done @!p0 $0x0  }
0x23: {  	[sflag:s18] =	ssyncadd.s32 @!p0 $0xFFFFF9C0  }
0x24: {  	_ =	swait.ge @!p0 [sflag:s18], $0x640  }
0x25: {  	[sflag:s18] =	ssyncset.done @!p0 $0x0  }
0x26: {  	[sflag:s18] =	ssyncadd.s32 @!p0 $0xFFFFF9C0  }
0x27: {  	_ =	swait.ge @!p0 [sflag:s18], $0x640  }
0x28: {  	[sflag:s18] =	ssyncset.done @!p0 $0x0  }
0x29: {  	[sflag:s18] =	ssyncadd.s32 @!p0 $0xFFFFF9C0  }
0x2a: {  	_ =	swait.ge @!p0 [sflag:s18], $0x640  }
0x2b: {  	[sflag:s18] =	ssyncset.done @!p0 $0x0  }
0x2c: {  	[sflag:s18] =	ssyncadd.s32 @!p0 $0xFFFFF9C0  }
0x2d: {  	_ =	swait.ge @!p0 [sflag:s18], $0x640  }
0x2e: {  	[sflag:s18] =	ssyncset.done @!p0 $0x0  }
0x2f: {  	[sflag:s18] =	ssyncadd.s32 @!p0 $0xFFFFF9C0  }
0x30: {  	_ =	swait.ge @!p0 [sflag:s18], $0x640  }
0x31: {  	[sflag:s18] =	ssyncset.done @!p0 $0x0  }
0x32: {  	[sflag:s18] =	ssyncadd.s32 @!p0 $0xFFFFF9C0  }
0x33: {  	_ =	swait.ge @!p0 [sflag:s18], $0x640  }
0x34: {  	[sflag:s18] =	ssyncset.done @!p0 $0x0  }
0x35: {  	[sflag:s18] =	ssyncadd.s32 @!p0 $0xFFFFF9C0  }
0x36: {  	_ =	swait.ge @!p0 [sflag:s18], $0x640  }
0x37: {  	[sflag:s18] =	ssyncset.done @!p0 $0x0  }
0x38: {  	[sflag:s18] =	ssyncadd.s32 @!p0 $0xFFFFF9C0  }
0x39: {  	_ =	swait.ge @!p0 [sflag:s18], $0x640  }
0x3a: {  	[sflag:s18] =	ssyncset.done @!p0 $0x0  }
0x3b: {  	s24 =	simm.s32 $0x0;
	[sflag:s18] =	ssyncadd.s32 @!p0 $0xFFFFF9C0  }
0x3c: {  	[spmem:s2] =	stream.indirect.scatter.add.f32 [tilespmem:s9], [sflag:$0x2], $0x10, s24, s14, $0xb8;
	[tilespmem:$0x7E90] =	vst v63  }
0x3d: {  	s25 =	simm.s32 $0x68  }
0x3e: {  	[spmem:s2] =	stream.indirect.scatter.add.f32 [tilespmem:s9], [sflag:$0x2], $0x10, s25, s14, $0xb8;
	[tilespmem:$0x7E90] =	vst v63  }
0x3f: {  	s26 =	simm.s32 $0xD0  }
0x40: {  	[spmem:s2] =	stream.indirect.scatter.add.f32 [tilespmem:s9], [sflag:$0x2], $0x10, s26, s14, $0xb8;
	[tilespmem:$0x7E90] =	vst v63  }
0x41: {  	s28 =	simm.s32 $0x138  }
0x42: {  	[spmem:s2] =	stream.indirect.scatter.add.f32 [tilespmem:s9], [sflag:$0x2], $0x10, s28, s14, $0xb8;
	[tilespmem:$0x7E90] =	vst v63  }
0x43: {  	s29 =	simm.s32 $0x1A0  }
0x44: {  	[spmem:s2] =	stream.indirect.scatter.add.f32 [tilespmem:s9], [sflag:$0x2], $0x10, s29, s14, $0xb8;
	[tilespmem:$0x7E90] =	vst v63  }
0x45: {  	s30 =	simm.s32 $0x208  }
0x46: {  	[spmem:s2] =	stream.indirect.scatter.add.f32 [tilespmem:s9], [sflag:$0x2], $0x10, s30, s14, $0xb8;
	[tilespmem:$0x7E90] =	vst v63  }
0x47: {  	s31 =	simm.s32 $0x270  }
0x48: {  	[spmem:s2] =	stream.indirect.scatter.add.f32 [tilespmem:s9], [sflag:$0x2], $0x10, s31, s14, $0xb8;
	[tilespmem:$0x7E90] =	vst v63  }
0x49: {  	s19 =	simm.s32 $0x2D8  }
0x4a: {  	[spmem:s2] =	stream.indirect.scatter.add.f32 [tilespmem:s9], [sflag:$0x2], $0x10, s19, s14, $0xb8;
	[tilespmem:$0x7E90] =	vst v63  }
0x4b: {  	s20 =	simm.s32 $0x340  }
0x4c: {  	[spmem:s2] =	stream.indirect.scatter.add.f32 [tilespmem:s9], [sflag:$0x2], $0x10, s20, s14, $0xb8;
	[tilespmem:$0x7E90] =	vst v63  }
0x4d: {  	s21 =	simm.s32 $0x3A8;
	s19 =	simm.s32 @!p0 $0x3  }
0x4e: {  	[spmem:s2] =	stream.indirect.scatter.add.f32 [tilespmem:s9], [sflag:$0x2], $0x10, s21, s14, $0xb8;
	[tilespmem:$0x7E90] =	vst v63  }
0x4f: {  	_ =	swait.ge @!p0 [sflag:s19], $0x640  }
0x50: {  	[sflag:s19] =	ssyncset.done @!p0 $0x0  }
0x51: {  	[sflag:s19] =	ssyncadd.s32 @!p0 $0xFFFFF9C0  }
0x52: {  	_ =	swait.ge @!p0 [sflag:s19], $0x640  }
0x53: {  	[sflag:s19] =	ssyncset.done @!p0 $0x0  }
0x54: {  	[sflag:s19] =	ssyncadd.s32 @!p0 $0xFFFFF9C0  }
0x55: {  	_ =	swait.ge @!p0 [sflag:s19], $0x640  }
0x56: {  	[sflag:s19] =	ssyncset.done @!p0 $0x0  }
0x57: {  	[sflag:s19] =	ssyncadd.s32 @!p0 $0xFFFFF9C0  }
0x58: {  	_ =	swait.ge @!p0 [sflag:s19], $0x640  }
0x59: {  	[sflag:s19] =	ssyncset.done @!p0 $0x0  }
0x5a: {  	[sflag:s19] =	ssyncadd.s32 @!p0 $0xFFFFF9C0  }
0x5b: {  	_ =	swait.ge @!p0 [sflag:s19], $0x640  }
0x5c: {  	[sflag:s19] =	ssyncset.done @!p0 $0x0  }
0x5d: {  	[sflag:s19] =	ssyncadd.s32 @!p0 $0xFFFFF9C0  }
0x5e: {  	_ =	swait.ge @!p0 [sflag:s19], $0x640  }
0x5f: {  	[sflag:s19] =	ssyncset.done @!p0 $0x0  }
0x60: {  	[sflag:s19] =	ssyncadd.s32 @!p0 $0xFFFFF9C0  }
0x61: {  	_ =	swait.ge @!p0 [sflag:s19], $0x640  }
0x62: {  	[sflag:s19] =	ssyncset.done @!p0 $0x0  }
0x63: {  	[sflag:s19] =	ssyncadd.s32 @!p0 $0xFFFFF9C0  }
0x64: {  	_ =	swait.ge @!p0 [sflag:s19], $0x640  }
0x65: {  	[sflag:s19] =	ssyncset.done @!p0 $0x0  }
0x66: {  	[sflag:s19] =	ssyncadd.s32 @!p0 $0xFFFFF9C0  }
0x67: {  	_ =	swait.ge @!p0 [sflag:s19], $0x640  }
0x68: {  	[sflag:s19] =	ssyncset.done @!p0 $0x0  }
0x69: {  	[sflag:s19] =	ssyncadd.s32 @!p0 $0xFFFFF9C0  }
0x6a: {  	_ =	swait.ge @!p0 [sflag:s19], $0x640  }
0x6b: {  	[sflag:s19] =	ssyncset.done @!p0 $0x0  }
0x6c: {  	s22 =	simm.s32 $0x410;
	[sflag:s19] =	ssyncadd.s32 @!p0 $0xFFFFF9C0  }
0x6d: {  	[spmem:s2] =	stream.indirect.scatter.add.f32 [tilespmem:s9], [sflag:$0x3], $0x10, s22, s14, $0xb8;
	[tilespmem:$0x7E90] =	vst v63  }
0x6e: {  	s23 =	simm.s32 $0x478  }
0x6f: {  	[spmem:s2] =	stream.indirect.scatter.add.f32 [tilespmem:s9], [sflag:$0x3], $0x10, s23, s14, $0xb8;
	[tilespmem:$0x7E90] =	vst v63  }
0x70: {  	s24 =	simm.s32 $0x4E0  }
0x71: {  	[spmem:s2] =	stream.indirect.scatter.add.f32 [tilespmem:s9], [sflag:$0x3], $0x10, s24, s14, $0xb8;
	[tilespmem:$0x7E90] =	vst v63  }
0x72: {  	s25 =	simm.s32 $0x548  }
0x73: {  	[spmem:s2] =	stream.indirect.scatter.add.f32 [tilespmem:s9], [sflag:$0x3], $0x10, s25, s14, $0xb8;
	[tilespmem:$0x7E90] =	vst v63  }
0x74: {  	s26 =	simm.s32 $0x5B0  }
0x75: {  	[spmem:s2] =	stream.indirect.scatter.add.f32 [tilespmem:s9], [sflag:$0x3], $0x10, s26, s14, $0xb8;
	[tilespmem:$0x7E90] =	vst v63  }
0x76: {  	s28 =	simm.s32 $0x618  }
0x77: {  	[spmem:s2] =	stream.indirect.scatter.add.f32 [tilespmem:s9], [sflag:$0x3], $0x10, s28, s14, $0xb8;
	[tilespmem:$0x7E90] =	vst v63  }
0x78: {  	p6 =	por $0x0, $0x0;
	s29 =	simm.s32 $0x680  }
0x79: {  	[spmem:s2] =	stream.indirect.scatter.add.f32 [tilespmem:s9], [sflag:$0x3], $0x10, s29, s14, $0xb8;
	[tilespmem:$0x7E90] =	vst v63  }
0x7a: {  	s18 =	simm.s32 $0x2080;
	s30 =	simm.s32 $0x6E8;
	s31 =	simm.s32 $0x750  }
0x7b: {  	[spmem:s2] =	stream.indirect.scatter.add.f32 [tilespmem:s9], [sflag:$0x3], $0x10, s30, s14, $0xb8;
	[tilespmem:$0x7E90] =	vst v63  }
0x7c: {  	s20 =	simm.s32 $0x7B8;
	s19 =	simm.s32 $0x4100;
	p0 =	por p6, p6  }
0x7d: {  	[spmem:s2] =	stream.indirect.scatter.add.f32 [tilespmem:s9], [sflag:$0x3], $0x10, s31, s14, $0xb8;
	[tilespmem:$0x7E90] =	vst v63  }
.LBB2_2:
0x7e: {  	[spmem:s2] =	stream.indirect.scatter.add.f32 [tilespmem:s9], [sflag:$0x3], $0x10, s20, s14, $0xb8;
	[tilespmem:$0x7E90] =	vst v63  }
0x7f: {  	s21 =	smov.u32 s19  }
0x80: {  	s19 =	sadd.s32 $0x2080, s19;
	s20 =	simm.s32 @!p0 $0x2;
	p2 =	seq.s32 s21, $0x0  }
0x81: {  	p1 =	sne.s32 s19, $0x14500;
	_ =	swait.ge @!p0 [sflag:s20], $0x640  }
0x82: {  	[sflag:s20] =	ssyncset.done @!p0 $0x0  }
0x83: {  	[sflag:s20] =	ssyncadd.s32 @!p0 $0xFFFFF9C0  }
0x84: {  	_ =	swait.ge @!p0 [sflag:s20], $0x640  }
0x85: {  	[sflag:s20] =	ssyncset.done @!p0 $0x0  }
0x86: {  	[sflag:s20] =	ssyncadd.s32 @!p0 $0xFFFFF9C0  }
0x87: {  	_ =	swait.ge @!p0 [sflag:s20], $0x640  }
0x88: {  	[sflag:s20] =	ssyncset.done @!p0 $0x0  }
0x89: {  	[sflag:s20] =	ssyncadd.s32 @!p0 $0xFFFFF9C0  }
0x8a: {  	_ =	swait.ge @!p0 [sflag:s20], $0x640  }
0x8b: {  	[sflag:s20] =	ssyncset.done @!p0 $0x0  }
0x8c: {  	[sflag:s20] =	ssyncadd.s32 @!p0 $0xFFFFF9C0  }
0x8d: {  	_ =	swait.ge @!p0 [sflag:s20], $0x640  }
0x8e: {  	[sflag:s20] =	ssyncset.done @!p0 $0x0  }
0x8f: {  	[sflag:s20] =	ssyncadd.s32 @!p0 $0xFFFFF9C0  }
0x90: {  	_ =	swait.ge @!p0 [sflag:s20], $0x640  }
0x91: {  	[sflag:s20] =	ssyncset.done @!p0 $0x0  }
0x92: {  	[sflag:s20] =	ssyncadd.s32 @!p0 $0xFFFFF9C0  }
0x93: {  	_ =	swait.ge @!p0 [sflag:s20], $0x640  }
0x94: {  	[sflag:s20] =	ssyncset.done @!p0 $0x0  }
0x95: {  	[sflag:s20] =	ssyncadd.s32 @!p0 $0xFFFFF9C0  }
0x96: {  	_ =	swait.ge @!p0 [sflag:s20], $0x640  }
0x97: {  	[sflag:s20] =	ssyncset.done @!p0 $0x0  }
0x98: {  	[sflag:s20] =	ssyncadd.s32 @!p0 $0xFFFFF9C0  }
0x99: {  	_ =	swait.ge @!p0 [sflag:s20], $0x640  }
0x9a: {  	[sflag:s20] =	ssyncset.done @!p0 $0x0  }
0x9b: {  	[sflag:s20] =	ssyncadd.s32 @!p0 $0xFFFFF9C0  }
0x9c: {  	_ =	swait.ge @!p0 [sflag:s20], $0x640  }
0x9d: {  	[sflag:s20] =	ssyncset.done @!p0 $0x0  }
0x9e: {  	[sflag:s20] =	ssyncadd.s32 @!p0 $0xFFFFF9C0;
	s20 =	sshra.s32 s18, $0x2;
	s18 =	smov.u32 s21  }
0x9f: {  	[spmem:s2] =	stream.indirect.scatter.add.f32 [tilespmem:s9], [sflag:$0x2], $0x10, s20, s14, $0xb8;
	[tilespmem:$0x7E90] =	vst v63  }
0xa0: {  	s21 =	sadd.s32 $0x68, s20  }
0xa1: {  	[spmem:s2] =	stream.indirect.scatter.add.f32 [tilespmem:s9], [sflag:$0x2], $0x10, s21, s14, $0xb8;
	[tilespmem:$0x7E90] =	vst v63  }
0xa2: {  	s21 =	sadd.s32 $0xD0, s20  }
0xa3: {  	[spmem:s2] =	stream.indirect.scatter.add.f32 [tilespmem:s9], [sflag:$0x2], $0x10, s21, s14, $0xb8;
	[tilespmem:$0x7E90] =	vst v63  }
0xa4: {  	s21 =	sadd.s32 $0x138, s20  }
0xa5: {  	[spmem:s2] =	stream.indirect.scatter.add.f32 [tilespmem:s9], [sflag:$0x2], $0x10, s21, s14, $0xb8;
	[tilespmem:$0x7E90] =	vst v63  }
0xa6: {  	s21 =	sadd.s32 $0x1A0, s20  }
0xa7: {  	[spmem:s2] =	stream.indirect.scatter.add.f32 [tilespmem:s9], [sflag:$0x2], $0x10, s21, s14, $0xb8;
	[tilespmem:$0x7E90] =	vst v63  }
0xa8: {  	s21 =	sadd.s32 $0x208, s20  }
0xa9: {  	[spmem:s2] =	stream.indirect.scatter.add.f32 [tilespmem:s9], [sflag:$0x2], $0x10, s21, s14, $0xb8;
	[tilespmem:$0x7E90] =	vst v63  }
0xaa: {  	s21 =	sadd.s32 $0x270, s20  }
0xab: {  	[spmem:s2] =	stream.indirect.scatter.add.f32 [tilespmem:s9], [sflag:$0x2], $0x10, s21, s14, $0xb8;
	[tilespmem:$0x7E90] =	vst v63  }
0xac: {  	s21 =	sadd.s32 $0x2D8, s20  }
0xad: {  	[spmem:s2] =	stream.indirect.scatter.add.f32 [tilespmem:s9], [sflag:$0x2], $0x10, s21, s14, $0xb8;
	[tilespmem:$0x7E90] =	vst v63  }
0xae: {  	s21 =	sadd.s32 $0x340, s20  }
0xaf: {  	[spmem:s2] =	stream.indirect.scatter.add.f32 [tilespmem:s9], [sflag:$0x2], $0x10, s21, s14, $0xb8;
	[tilespmem:$0x7E90] =	vst v63  }
0xb0: {  	s22 =	simm.s32 @!p0 $0x3;
	s21 =	sadd.s32 $0x3A8, s20  }
0xb1: {  	[spmem:s2] =	stream.indirect.scatter.add.f32 [tilespmem:s9], [sflag:$0x2], $0x10, s21, s14, $0xb8;
	[tilespmem:$0x7E90] =	vst v63  }
0xb2: {  	_ =	swait.ge @!p0 [sflag:s22], $0x640  }
0xb3: {  	[sflag:s22] =	ssyncset.done @!p0 $0x0  }
0xb4: {  	[sflag:s22] =	ssyncadd.s32 @!p0 $0xFFFFF9C0  }
0xb5: {  	_ =	swait.ge @!p0 [sflag:s22], $0x640  }
0xb6: {  	[sflag:s22] =	ssyncset.done @!p0 $0x0  }
0xb7: {  	[sflag:s22] =	ssyncadd.s32 @!p0 $0xFFFFF9C0  }
0xb8: {  	_ =	swait.ge @!p0 [sflag:s22], $0x640  }
0xb9: {  	[sflag:s22] =	ssyncset.done @!p0 $0x0  }
0xba: {  	[sflag:s22] =	ssyncadd.s32 @!p0 $0xFFFFF9C0  }
0xbb: {  	_ =	swait.ge @!p0 [sflag:s22], $0x640  }
0xbc: {  	[sflag:s22] =	ssyncset.done @!p0 $0x0  }
0xbd: {  	[sflag:s22] =	ssyncadd.s32 @!p0 $0xFFFFF9C0  }
0xbe: {  	_ =	swait.ge @!p0 [sflag:s22], $0x640  }
0xbf: {  	[sflag:s22] =	ssyncset.done @!p0 $0x0  }
0xc0: {  	[sflag:s22] =	ssyncadd.s32 @!p0 $0xFFFFF9C0  }
0xc1: {  	_ =	swait.ge @!p0 [sflag:s22], $0x640  }
0xc2: {  	[sflag:s22] =	ssyncset.done @!p0 $0x0  }
0xc3: {  	[sflag:s22] =	ssyncadd.s32 @!p0 $0xFFFFF9C0  }
0xc4: {  	_ =	swait.ge @!p0 [sflag:s22], $0x640  }
0xc5: {  	[sflag:s22] =	ssyncset.done @!p0 $0x0  }
0xc6: {  	[sflag:s22] =	ssyncadd.s32 @!p0 $0xFFFFF9C0  }
0xc7: {  	_ =	swait.ge @!p0 [sflag:s22], $0x640  }
0xc8: {  	[sflag:s22] =	ssyncset.done @!p0 $0x0  }
0xc9: {  	[sflag:s22] =	ssyncadd.s32 @!p0 $0xFFFFF9C0  }
0xca: {  	_ =	swait.ge @!p0 [sflag:s22], $0x640  }
0xcb: {  	[sflag:s22] =	ssyncset.done @!p0 $0x0  }
0xcc: {  	[sflag:s22] =	ssyncadd.s32 @!p0 $0xFFFFF9C0  }
0xcd: {  	_ =	swait.ge @!p0 [sflag:s22], $0x640  }
0xce: {  	[sflag:s22] =	ssyncset.done @!p0 $0x0  }
0xcf: {  	s21 =	sadd.s32 $0x410, s20;
	[sflag:s22] =	ssyncadd.s32 @!p0 $0xFFFFF9C0;
	p0 =	por p2, p2  }
0xd0: {  	[spmem:s2] =	stream.indirect.scatter.add.f32 [tilespmem:s9], [sflag:$0x3], $0x10, s21, s14, $0xb8;
	[tilespmem:$0x7E90] =	vst v63  }
0xd1: {  	s21 =	sadd.s32 $0x478, s20  }
0xd2: {  	[spmem:s2] =	stream.indirect.scatter.add.f32 [tilespmem:s9], [sflag:$0x3], $0x10, s21, s14, $0xb8;
	[tilespmem:$0x7E90] =	vst v63  }
0xd3: {  	s21 =	sadd.s32 $0x4E0, s20  }
0xd4: {  	[spmem:s2] =	stream.indirect.scatter.add.f32 [tilespmem:s9], [sflag:$0x3], $0x10, s21, s14, $0xb8;
	[tilespmem:$0x7E90] =	vst v63  }
0xd5: {  	s21 =	sadd.s32 $0x548, s20  }
0xd6: {  	[spmem:s2] =	stream.indirect.scatter.add.f32 [tilespmem:s9], [sflag:$0x3], $0x10, s21, s14, $0xb8;
	[tilespmem:$0x7E90] =	vst v63  }
0xd7: {  	s21 =	sadd.s32 $0x5B0, s20  }
0xd8: {  	[spmem:s2] =	stream.indirect.scatter.add.f32 [tilespmem:s9], [sflag:$0x3], $0x10, s21, s14, $0xb8;
	[tilespmem:$0x7E90] =	vst v63  }
0xd9: {  	s21 =	sadd.s32 $0x618, s20  }
0xda: {  	[spmem:s2] =	stream.indirect.scatter.add.f32 [tilespmem:s9], [sflag:$0x3], $0x10, s21, s14, $0xb8;
	[tilespmem:$0x7E90] =	vst v63  }
0xdb: {  	s21 =	sadd.s32 $0x680, s20  }
0xdc: {  	[spmem:s2] =	stream.indirect.scatter.add.f32 [tilespmem:s9], [sflag:$0x3], $0x10, s21, s14, $0xb8;
	[tilespmem:$0x7E90] =	vst v63  }
.Ltmp0:
0xdd: {  	s21 =	sadd.s32 $0x6E8, s20;
	(pc) =	sbr.rel @p1 .LBB2_2-.Ltmp0, $4  }
0xde: {  	[spmem:s2] =	stream.indirect.scatter.add.f32 [tilespmem:s9], [sflag:$0x3], $0x10, s21, s14, $0xb8;
	[tilespmem:$0x7E90] =	vst v63  }
0xdf: {  	s21 =	sadd.s32 $0x750, s20  }
0xe0: {  	[spmem:s2] =	stream.indirect.scatter.add.f32 [tilespmem:s9], [sflag:$0x3], $0x10, s21, s14, $0xb8;
	[tilespmem:$0x7E90] =	vst v63  }
0xe1: {  	s20 =	sadd.s32 $0x7B8, s20  }
0xe2: {  	[spmem:s2] =	stream.indirect.scatter.add.f32 [tilespmem:s9], [sflag:$0x3], $0x10, s20, s14, $0xb8;
	[tilespmem:$0x7E90] =	vst v63  }
0xe3: {  	s19 =	simm.s32 @!p0 $0x2  }
0xe4: {  	_ =	swait.ge @!p0 [sflag:s19], $0x640  }
0xe5: {  	[sflag:s19] =	ssyncset.done @!p0 $0x0  }
0xe6: {  	[sflag:s19] =	ssyncadd.s32 @!p0 $0xFFFFF9C0  }
0xe7: {  	_ =	swait.ge @!p0 [sflag:s19], $0x640  }
0xe8: {  	[sflag:s19] =	ssyncset.done @!p0 $0x0  }
0xe9: {  	[sflag:s19] =	ssyncadd.s32 @!p0 $0xFFFFF9C0  }
0xea: {  	_ =	swait.ge @!p0 [sflag:s19], $0x640  }
0xeb: {  	[sflag:s19] =	ssyncset.done @!p0 $0x0  }
0xec: {  	[sflag:s19] =	ssyncadd.s32 @!p0 $0xFFFFF9C0  }
0xed: {  	_ =	swait.ge @!p0 [sflag:s19], $0x640  }
0xee: {  	[sflag:s19] =	ssyncset.done @!p0 $0x0  }
0xef: {  	[sflag:s19] =	ssyncadd.s32 @!p0 $0xFFFFF9C0  }
0xf0: {  	_ =	swait.ge @!p0 [sflag:s19], $0x640  }
0xf1: {  	[sflag:s19] =	ssyncset.done @!p0 $0x0  }
0xf2: {  	[sflag:s19] =	ssyncadd.s32 @!p0 $0xFFFFF9C0  }
0xf3: {  	_ =	swait.ge @!p0 [sflag:s19], $0x640  }
0xf4: {  	[sflag:s19] =	ssyncset.done @!p0 $0x0  }
0xf5: {  	[sflag:s19] =	ssyncadd.s32 @!p0 $0xFFFFF9C0  }
0xf6: {  	_ =	swait.ge @!p0 [sflag:s19], $0x640  }
0xf7: {  	[sflag:s19] =	ssyncset.done @!p0 $0x0  }
0xf8: {  	[sflag:s19] =	ssyncadd.s32 @!p0 $0xFFFFF9C0  }
0xf9: {  	_ =	swait.ge @!p0 [sflag:s19], $0x640  }
0xfa: {  	[sflag:s19] =	ssyncset.done @!p0 $0x0  }
0xfb: {  	[sflag:s19] =	ssyncadd.s32 @!p0 $0xFFFFF9C0  }
0xfc: {  	_ =	swait.ge @!p0 [sflag:s19], $0x640  }
0xfd: {  	[sflag:s19] =	ssyncset.done @!p0 $0x0  }
0xfe: {  	[sflag:s19] =	ssyncadd.s32 @!p0 $0xFFFFF9C0  }
0xff: {  	_ =	swait.ge @!p0 [sflag:s19], $0x640  }
0x100: {  	[sflag:s19] =	ssyncset.done @!p0 $0x0  }
0x101: {  	s18 =	sshra.s32 s18, $0x2;
	[sflag:s19] =	ssyncadd.s32 @!p0 $0xFFFFF9C0  }
0x102: {  	[spmem:s2] =	stream.indirect.scatter.add.f32 [tilespmem:s9], [sflag:$0x2], $0x10, s18, s14, $0xb8;
	[tilespmem:$0x7E90] =	vst v63  }
0x103: {  	s24 =	sadd.s32 $0x68, s18  }
0x104: {  	[spmem:s2] =	stream.indirect.scatter.add.f32 [tilespmem:s9], [sflag:$0x2], $0x10, s24, s14, $0xb8;
	[tilespmem:$0x7E90] =	vst v63  }
0x105: {  	s25 =	sadd.s32 $0xD0, s18  }
0x106: {  	[spmem:s2] =	stream.indirect.scatter.add.f32 [tilespmem:s9], [sflag:$0x2], $0x10, s25, s14, $0xb8;
	[tilespmem:$0x7E90] =	vst v63  }
0x107: {  	s26 =	sadd.s32 $0x138, s18  }
0x108: {  	[spmem:s2] =	stream.indirect.scatter.add.f32 [tilespmem:s9], [sflag:$0x2], $0x10, s26, s14, $0xb8;
	[tilespmem:$0x7E90] =	vst v63  }
0x109: {  	s28 =	sadd.s32 $0x1A0, s18  }
0x10a: {  	[spmem:s2] =	stream.indirect.scatter.add.f32 [tilespmem:s9], [sflag:$0x2], $0x10, s28, s14, $0xb8;
	[tilespmem:$0x7E90] =	vst v63  }
0x10b: {  	s29 =	sadd.s32 $0x208, s18  }
0x10c: {  	[spmem:s2] =	stream.indirect.scatter.add.f32 [tilespmem:s9], [sflag:$0x2], $0x10, s29, s14, $0xb8;
	[tilespmem:$0x7E90] =	vst v63  }
0x10d: {  	s30 =	sadd.s32 $0x270, s18  }
0x10e: {  	[spmem:s2] =	stream.indirect.scatter.add.f32 [tilespmem:s9], [sflag:$0x2], $0x10, s30, s14, $0xb8;
	[tilespmem:$0x7E90] =	vst v63  }
0x10f: {  	s31 =	sadd.s32 $0x2D8, s18  }
0x110: {  	[spmem:s2] =	stream.indirect.scatter.add.f32 [tilespmem:s9], [sflag:$0x2], $0x10, s31, s14, $0xb8;
	[tilespmem:$0x7E90] =	vst v63  }
0x111: {  	s20 =	sadd.s32 $0x340, s18  }
0x112: {  	[spmem:s2] =	stream.indirect.scatter.add.f32 [tilespmem:s9], [sflag:$0x2], $0x10, s20, s14, $0xb8;
	[tilespmem:$0x7E90] =	vst v63  }
0x113: {  	s21 =	sadd.s32 $0x3A8, s18;
	s20 =	simm.s32 @!p0 $0x3  }
0x114: {  	[spmem:s2] =	stream.indirect.scatter.add.f32 [tilespmem:s9], [sflag:$0x2], $0x10, s21, s14, $0xb8;
	[tilespmem:$0x7E90] =	vst v63  }
0x115: {  	_ =	swait.ge @!p0 [sflag:s20], $0x640  }
0x116: {  	[sflag:s20] =	ssyncset.done @!p0 $0x0  }
0x117: {  	[sflag:s20] =	ssyncadd.s32 @!p0 $0xFFFFF9C0  }
0x118: {  	_ =	swait.ge @!p0 [sflag:s20], $0x640  }
0x119: {  	[sflag:s20] =	ssyncset.done @!p0 $0x0  }
0x11a: {  	[sflag:s20] =	ssyncadd.s32 @!p0 $0xFFFFF9C0  }
0x11b: {  	_ =	swait.ge @!p0 [sflag:s20], $0x640  }
0x11c: {  	[sflag:s20] =	ssyncset.done @!p0 $0x0  }
0x11d: {  	[sflag:s20] =	ssyncadd.s32 @!p0 $0xFFFFF9C0  }
0x11e: {  	_ =	swait.ge @!p0 [sflag:s20], $0x640  }
0x11f: {  	[sflag:s20] =	ssyncset.done @!p0 $0x0  }
0x120: {  	[sflag:s20] =	ssyncadd.s32 @!p0 $0xFFFFF9C0  }
0x121: {  	_ =	swait.ge @!p0 [sflag:s20], $0x640  }
0x122: {  	[sflag:s20] =	ssyncset.done @!p0 $0x0  }
0x123: {  	[sflag:s20] =	ssyncadd.s32 @!p0 $0xFFFFF9C0  }
0x124: {  	_ =	swait.ge @!p0 [sflag:s20], $0x640  }
0x125: {  	[sflag:s20] =	ssyncset.done @!p0 $0x0  }
0x126: {  	[sflag:s20] =	ssyncadd.s32 @!p0 $0xFFFFF9C0  }
0x127: {  	_ =	swait.ge @!p0 [sflag:s20], $0x640  }
0x128: {  	[sflag:s20] =	ssyncset.done @!p0 $0x0  }
0x129: {  	[sflag:s20] =	ssyncadd.s32 @!p0 $0xFFFFF9C0  }
0x12a: {  	_ =	swait.ge @!p0 [sflag:s20], $0x640  }
0x12b: {  	[sflag:s20] =	ssyncset.done @!p0 $0x0  }
0x12c: {  	[sflag:s20] =	ssyncadd.s32 @!p0 $0xFFFFF9C0  }
0x12d: {  	_ =	swait.ge @!p0 [sflag:s20], $0x640  }
0x12e: {  	[sflag:s20] =	ssyncset.done @!p0 $0x0  }
0x12f: {  	[sflag:s20] =	ssyncadd.s32 @!p0 $0xFFFFF9C0  }
0x130: {  	_ =	swait.ge @!p0 [sflag:s20], $0x640  }
0x131: {  	[sflag:s20] =	ssyncset.done @!p0 $0x0  }
0x132: {  	s22 =	sadd.s32 $0x410, s18;
	[sflag:s20] =	ssyncadd.s32 @!p0 $0xFFFFF9C0  }
0x133: {  	[spmem:s2] =	stream.indirect.scatter.add.f32 [tilespmem:s9], [sflag:$0x3], $0x10, s22, s14, $0xb8;
	[tilespmem:$0x7E90] =	vst v63  }
0x134: {  	s23 =	sadd.s32 $0x478, s18  }
0x135: {  	[spmem:s2] =	stream.indirect.scatter.add.f32 [tilespmem:s9], [sflag:$0x3], $0x10, s23, s14, $0xb8;
	[tilespmem:$0x7E90] =	vst v63  }
0x136: {  	s24 =	sadd.s32 $0x4E0, s18  }
0x137: {  	[spmem:s2] =	stream.indirect.scatter.add.f32 [tilespmem:s9], [sflag:$0x3], $0x10, s24, s14, $0xb8;
	[tilespmem:$0x7E90] =	vst v63  }
0x138: {  	s25 =	sadd.s32 $0x548, s18  }
0x139: {  	[spmem:s2] =	stream.indirect.scatter.add.f32 [tilespmem:s9], [sflag:$0x3], $0x10, s25, s14, $0xb8;
	[tilespmem:$0x7E90] =	vst v63  }
0x13a: {  	s26 =	sadd.s32 $0x5B0, s18  }
0x13b: {  	[spmem:s2] =	stream.indirect.scatter.add.f32 [tilespmem:s9], [sflag:$0x3], $0x10, s26, s14, $0xb8;
	[tilespmem:$0x7E90] =	vst v63  }
0x13c: {  	s28 =	sadd.s32 $0x618, s18  }
0x13d: {  	[spmem:s2] =	stream.indirect.scatter.add.f32 [tilespmem:s9], [sflag:$0x3], $0x10, s28, s14, $0xb8;
	[tilespmem:$0x7E90] =	vst v63  }
0x13e: {  	s29 =	sadd.s32 $0x680, s18  }
0x13f: {  	[spmem:s2] =	stream.indirect.scatter.add.f32 [tilespmem:s9], [sflag:$0x3], $0x10, s29, s14, $0xb8;
	[tilespmem:$0x7E90] =	vst v63  }
0x140: {  	s30 =	sadd.s32 $0x6E8, s18  }
0x141: {  	[spmem:s2] =	stream.indirect.scatter.add.f32 [tilespmem:s9], [sflag:$0x3], $0x10, s30, s14, $0xb8;
	[tilespmem:$0x7E90] =	vst v63  }
0x142: {  	s31 =	sadd.s32 $0x750, s18  }
0x143: {  	[spmem:s2] =	stream.indirect.scatter.add.f32 [tilespmem:s9], [sflag:$0x3], $0x10, s31, s14, $0xb8;
	[tilespmem:$0x7E90] =	vst v63  }
0x144: {  	s18 =	sadd.s32 $0x7B8, s18  }
0x145: {  	[spmem:s2] =	stream.indirect.scatter.add.f32 [tilespmem:s9], [sflag:$0x3], $0x10, s18, s14, $0xb8;
	[tilespmem:$0x7E90] =	vst v63  }
0x146: {  	_ =	swait.ge [sflag:s15], $0x640  }
0x147: {  	[sflag:s15] =	ssyncset.done $0x0  }
0x148: {  	[sflag:s15] =	ssyncadd.s32 $0xFFFFF9C0  }
0x149: {  	_ =	swait.ge [sflag:s15], $0x640  }
0x14a: {  	[sflag:s15] =	ssyncset.done $0x0  }
0x14b: {  	[sflag:s15] =	ssyncadd.s32 $0xFFFFF9C0  }
0x14c: {  	_ =	swait.ge [sflag:s15], $0x640  }
0x14d: {  	[sflag:s15] =	ssyncset.done $0x0  }
0x14e: {  	[sflag:s15] =	ssyncadd.s32 $0xFFFFF9C0  }
0x14f: {  	_ =	swait.ge [sflag:s15], $0x640  }
0x150: {  	[sflag:s15] =	ssyncset.done $0x0  }
0x151: {  	[sflag:s15] =	ssyncadd.s32 $0xFFFFF9C0  }
0x152: {  	_ =	swait.ge [sflag:s15], $0x640  }
0x153: {  	[sflag:s15] =	ssyncset.done $0x0  }
0x154: {  	[sflag:s15] =	ssyncadd.s32 $0xFFFFF9C0  }
0x155: {  	_ =	swait.ge [sflag:s15], $0x640  }
0x156: {  	[sflag:s15] =	ssyncset.done $0x0  }
0x157: {  	[sflag:s15] =	ssyncadd.s32 $0xFFFFF9C0  }
0x158: {  	_ =	swait.ge [sflag:s15], $0x640  }
0x159: {  	[sflag:s15] =	ssyncset.done $0x0  }
0x15a: {  	[sflag:s15] =	ssyncadd.s32 $0xFFFFF9C0  }
0x15b: {  	_ =	swait.ge [sflag:s15], $0x640  }
0x15c: {  	[sflag:s15] =	ssyncset.done $0x0  }
0x15d: {  	[sflag:s15] =	ssyncadd.s32 $0xFFFFF9C0  }
0x15e: {  	_ =	swait.ge [sflag:s15], $0x640  }
0x15f: {  	[sflag:s15] =	ssyncset.done $0x0  }
0x160: {  	[sflag:s15] =	ssyncadd.s32 $0xFFFFF9C0  }
0x161: {  	_ =	swait.ge [sflag:s15], $0x640  }
0x162: {  	[sflag:s15] =	ssyncset.done $0x0  }
0x163: {  	[sflag:s15] =	ssyncadd.s32 $0xFFFFF9C0  }
0x164: {  	_ =	swait.ge [sflag:s16], $0x640  }
0x165: {  	[sflag:s16] =	ssyncset.done $0x0  }
0x166: {  	[sflag:s16] =	ssyncadd.s32 $0xFFFFF9C0  }
0x167: {  	_ =	swait.ge [sflag:s16], $0x640  }
0x168: {  	[sflag:s16] =	ssyncset.done $0x0  }
0x169: {  	[sflag:s16] =	ssyncadd.s32 $0xFFFFF9C0  }
0x16a: {  	_ =	swait.ge [sflag:s16], $0x640  }
0x16b: {  	[sflag:s16] =	ssyncset.done $0x0  }
0x16c: {  	[sflag:s16] =	ssyncadd.s32 $0xFFFFF9C0  }
0x16d: {  	_ =	swait.ge [sflag:s16], $0x640  }
0x16e: {  	[sflag:s16] =	ssyncset.done $0x0  }
0x16f: {  	[sflag:s16] =	ssyncadd.s32 $0xFFFFF9C0  }
0x170: {  	_ =	swait.ge [sflag:s16], $0x640  }
0x171: {  	[sflag:s16] =	ssyncset.done $0x0  }
0x172: {  	[sflag:s16] =	ssyncadd.s32 $0xFFFFF9C0  }
0x173: {  	_ =	swait.ge [sflag:s16], $0x640  }
0x174: {  	[sflag:s16] =	ssyncset.done $0x0  }
0x175: {  	[sflag:s16] =	ssyncadd.s32 $0xFFFFF9C0  }
0x176: {  	_ =	swait.ge [sflag:s16], $0x640  }
0x177: {  	[sflag:s16] =	ssyncset.done $0x0  }
0x178: {  	[sflag:s16] =	ssyncadd.s32 $0xFFFFF9C0  }
0x179: {  	_ =	swait.ge [sflag:s16], $0x640  }
0x17a: {  	[sflag:s16] =	ssyncset.done $0x0  }
0x17b: {  	[sflag:s16] =	ssyncadd.s32 $0xFFFFF9C0  }
0x17c: {  	_ =	swait.ge [sflag:s16], $0x640  }
0x17d: {  	[sflag:s16] =	ssyncset.done $0x0  }
0x17e: {  	[sflag:s16] =	ssyncadd.s32 $0xFFFFF9C0  }
0x17f: {  	_ =	swait.ge [sflag:s16], $0x640  }
0x180: {  	s17 =	sadd.s32 $0x1, s17;
	[sflag:s16] =	ssyncset.done $0x0  }
0x181: {  	p0 =	sne.s32 s17, s8;
	[sflag:s16] =	ssyncadd.s32 $0xFFFFF9C0  }
.Ltmp1:
0x182: {  	[bflag:$0x0] =	sbarrier.arrive $0xFFFF;
	(pc) =	sbr.rel @p0 .LBB2_1-.Ltmp1, $4  }
0x183: {  	[hbm:s7], [sflag:s11] =	dma.local [spmem:s12], $0x4E2  }
0x184: {  	_ =	swait.ge [sflag:s10], $0x4E2  }
0x185: {  	[sflag:s10] =	ssyncset.done $0x0  }
0x186: {  	[sflag:s10] =	ssyncadd.s32 $0xFFFFFB1E  }
0x187: {  	_ =	sfence.sel $0x180000  }
0x188: {  	[bflag:$0x0] =	sbarrier.arrive $0xFFFF  }
0x189: {  	p0 =	sne.s32 s0, $0x0;
	_ =	strace $0x90000047  }
0x18a: {  	s0 =	sadd.s32 @!p0 $0x100000, s1;
	[bflag:$0x2] =	sbarrier.arrive $0xFFFF  }
0x18b: {  	[sflag:s0] =	ssyncadd.tile.s32 @!p0 $0x1;
	_ =	shalt  }
.Lfunc_end2:
_tile_overlayer_lowered:
.L_overlay_start_2:
0x18c: {  	(tag) =	ssettag $0x2  }
0x18d: {  	s0 =	rddreg [dreg:$0x0];
	s2 =	stileid.u32  }
0x18e: {  	s1 =	rddreg [dreg:$0x1];
	p0 =	sne.s32 s2, $0x0  }
0x18f: {  	s3 =	rddreg [dreg:$0x2];
	[bflag:$0x3] =	sbarrier.arrive $0xFFFF;
	s2 =	simm.s32 @!p0 $0x1C04  }
0x190: {  	[timem:s3], [sflag:s2] =	dma.local @!p0 [hbm:s0], s1  }
0x191: {  	s0 =	simm.s32 @!p0 $0x4  }
0x192: {  	_ =	swait.ge @!p0 [sflag:s0], s1  }
0x193: {  	s1 =	ssub.s32 @!p0 $0x0, s1;
	[sflag:s0] =	ssyncset.done @!p0 $0x0  }
0x194: {  	[sflag:s0] =	ssyncadd.s32 @!p0 s1  }
0x195: {  	[bflag:$0x3] =	sbarrier.arrive $0xFFFF  }
0x196: {  	_ =	shalt  }

</sc_bundles>
